<compile_context>
chip_gen: v7x
topology: tpu7x:2x2x1
jax: 0.10.2.dev20260603
libtpu: 0.0.44.dev20260713+nightly
codegen_flags: <defaults>
</compile_context>

<pallas_src>
import jax
import jax.numpy as jnp
from jax import lax
from jax.experimental import pallas as pl
from jax.experimental.pallas import tpu as pltpu
from jax.experimental.pallas import tpu_sc as plsc

B = 16
S = 4096
F = 128
Q = 512
L = 16
CPW = 4


def _sc_body(x_hbm, mi_hbm, out_hbm, x_v, sraw_v, eraw_v, rcp_v, out_v):
    wid = lax.axis_index("s") * 2 + lax.axis_index("c")
    b = wid // 2
    half = wid % 2

    pltpu.sync_copy(mi_hbm.at[pl.ds(b * (2 * Q), Q)], sraw_v)
    pltpu.sync_copy(mi_hbm.at[pl.ds(b * (2 * Q) + Q, Q)], eraw_v)

    def _prep(i, _):
        sl = pl.ds(i * L, L)
        sv = jnp.minimum(jnp.maximum(sraw_v[sl], 0), S - 1)
        ev = jnp.minimum(jnp.maximum(eraw_v[sl], 0), S - 1)
        sraw_v[sl] = sv
        eraw_v[sl] = ev
        rcp_v[sl] = 1.0 / (ev - sv + 1).astype(jnp.float32)
        return 0

    lax.fori_loop(0, Q // L, _prep, 0, unroll=4)

    for k in range(CPW):
        c = half * CPW + k

        pltpu.sync_copy(x_hbm.at[b, :, pl.ds(c * L, L)], x_v)

        def _cs(r, acc):
            acc = acc + x_v[r, :]
            x_v[r, :] = acc
            return acc

        lax.fori_loop(0, 1, _cs, jnp.zeros((L,), jnp.float32), unroll=8)

        def _g(i, _):
            sv = sraw_v[pl.ds(i * L, L)]
            ev = eraw_v[pl.ds(i * L, L)]
            rv = rcp_v[pl.ds(i * L, L)]
            for jq in range(L):
                q = i * L + jq
                out_v[q, :] = (x_v[ev[jq], :] - x_v[sv[jq], :]) * rv[jq]
            return 0

        lax.fori_loop(0, 1, _g, 0)

        pltpu.sync_copy(out_v, out_hbm.at[b, :, pl.ds(c * L, L)])


def _method_features_sc(x, mi_flat):
    mesh = plsc.VectorSubcoreMesh(core_axis_name="c", subcore_axis_name="s")
    return pl.kernel(
        _sc_body,
        mesh=mesh,
        out_type=jax.ShapeDtypeStruct((B, Q, F), jnp.float32),
        compiler_params=pltpu.CompilerParams(use_tc_tiling_on_sc=False),
        scratch_types=[
            pltpu.VMEM((S, L), jnp.float32),
            pltpu.VMEM((Q,), jnp.int32),
            pltpu.VMEM((Q,), jnp.int32),
            pltpu.VMEM((Q,), jnp.float32),
            pltpu.VMEM((Q, L), jnp.float32),
        ],
    )(x, mi_flat)


def kernel(opcode_filters, method_indices):
    mi_t = method_indices.transpose(0, 2, 1)
    return _method_features_sc(opcode_filters, mi_t.reshape(B * 2 * Q))

# --- scband reference (transcript-rebuilt; emitter-appended) ---
"""Pipeline reference for scband-method-features-35064113004688 (READ-ONLY COPY).

The authoritative reference and input builder live on the scoring server;
editing this copy changes nothing except your own understanding.
"""

import jax, jax.numpy as jnp
import numpy as np


def setup_inputs(seed: int = 0) -> dict:
    key = jax.random.key(seed)
    k1, k2 = jax.random.split(key)
    opcode_filters = jax.random.normal(k1, (16, 4096, 128), dtype=jnp.float32)
    # sort along last axis so that start <= end (method_lengths >= 1)
    method_indices = jnp.sort(
        jax.random.randint(k2, (16, 512, 2), 0, 4096, dtype=jnp.int32), axis=-1
    )
    return {"opcode_filters": opcode_filters, "method_indices": method_indices}


def reference(opcode_filters, method_indices):
    # cumulative sum over the sequence axis
    cumsum = jnp.cumsum(opcode_filters, axis=1)
    sequence_length = opcode_filters.shape[1] - 1
    start_indices = jnp.clip(method_indices[:, :, 0], 0, sequence_length)
    end_indices = jnp.clip(method_indices[:, :, 1], 0, sequence_length)
    # batched gather along axis=1 (tf.gather with batch_dims=1)
    start_sum = jnp.take_along_axis(cumsum, start_indices[:, :, None], axis=1)
    end_sum = jnp.take_along_axis(cumsum, end_indices[:, :, None], axis=1)
    method_lengths = end_indices - start_indices + 1
    return (end_sum - start_sum) / method_lengths[..., None].astype(jnp.float32)

if __name__ == "__main__":
    import jax
    _d = setup_inputs()
    print(jax.jit(kernel)(*tuple(_d.values())))

</pallas_src>

<mosaic_0001>
#map = affine_map<(d0, d1) -> (0, 0, 0)>
#map1 = affine_map<(d0, d1) -> (0)>
module attributes {stable_mosaic.version = 14 : i64} {
  func.func @_sc_body(%arg0: i32, %arg1: i32, %arg2: memref<16x4096x128xf32, #tpu.memory_space<hbm>>, %arg3: memref<16384xi32, #tpu.memory_space<hbm>>, %arg4: memref<16x512x128xf32, #tpu.memory_space<hbm>>, %arg5: memref<4096x16xf32, #tpu.memory_space<vmem>>, %arg6: memref<512xi32, #tpu.memory_space<vmem>>, %arg7: memref<512xi32, #tpu.memory_space<vmem>>, %arg8: memref<512xf32, #tpu.memory_space<vmem>>, %arg9: memref<512x16xf32, #tpu.memory_space<vmem>>) attributes {dimension_semantics = [#tpu.dimension_semantics<core_parallel>, #tpu.dimension_semantics<subcore_parallel>], iteration_bounds = array<i64: 2, 16>, scalar_prefetch = 0 : i64, scratch_operands = 5 : i64, tpu.core_type = #tpu.core_type<sc_vector_subcore>, window_params = [{transform_indices = #map}, {transform_indices = #map1}, {transform_indices = #map}]} {
    %mul3A = arith.constant 2 : i32
    %mul3A_0 = arith.muli %arg1, %mul3A : i32
    %add3A = arith.addi %mul3A_0, %arg0 : i32
    %jit3A = arith.constant 2 : i32
    %div3A = arith.divsi %add3A, %jit3A : i32
    %sign3A = arith.constant 0 : i32
    %sign3A_1 = arith.cmpi sgt, %add3A, %sign3A : i32
    %sign3A_2 = arith.extui %sign3A_1 : i1 to i32
    %sign3A_3 = arith.constant 0 : i32
    %sign3A_4 = arith.cmpi slt, %add3A, %sign3A_3 : i32
    %sign3A_5 = arith.extui %sign3A_4 : i1 to i32
    %sign3A_6 = arith.subi %sign3A_2, %sign3A_5 : i32
    %sign3A_7 = arith.constant 0 : i32
    %sign3A_8 = arith.cmpi sgt, %jit3A, %sign3A_7 : i32
    %sign3A_9 = arith.extui %sign3A_8 : i1 to i32
    %sign3A_10 = arith.constant 0 : i32
    %sign3A_11 = arith.cmpi slt, %jit3A, %sign3A_10 : i32
    %sign3A_12 = arith.extui %sign3A_11 : i1 to i32
    %sign3A_13 = arith.subi %sign3A_9, %sign3A_12 : i32
    %ne3A = arith.cmpi ne, %sign3A_6, %sign3A_13 : i32
    %rem3A = arith.remsi %add3A, %jit3A : i32
    %ne3A_14 = arith.constant 0 : i32
    %ne3A_15 = arith.cmpi ne, %rem3A, %ne3A_14 : i32
    %and3A = arith.andi %ne3A, %ne3A_15 : i1
    %sub3A = arith.constant 1 : i32
    %sub3A_16 = arith.subi %div3A, %sub3A : i32
    %select_n3A = arith.select %and3A, %sub3A_16, %div3A : i32
    %jit3A_17 = arith.constant 2 : i32
    %eq3A = arith.constant 0 : i32
    %eq3A_18 = arith.cmpi eq, %jit3A_17, %eq3A : i32
    %jit3A_19 = arith.constant 1 : i32
    %select_n3A_20 = arith.select %eq3A_18, %jit3A_19, %jit3A_17 : i32
    %rem3A_21 = arith.remsi %add3A, %select_n3A_20 : i32
    %ne3A_22 = arith.constant 0 : i32
    %ne3A_23 = arith.cmpi ne, %rem3A_21, %ne3A_22 : i32
    %lt3A = arith.constant 0 : i32
    %lt3A_24 = arith.cmpi slt, %rem3A_21, %lt3A : i32
    %lt3A_25 = arith.constant 0 : i32
    %lt3A_26 = arith.cmpi slt, %select_n3A_20, %lt3A_25 : i32
    %ne3A_27 = arith.xori %lt3A_24, %lt3A_26 : i1
    %and3A_28 = arith.andi %ne3A_27, %ne3A_23 : i1
    %add3A_29 = arith.addi %rem3A_21, %select_n3A_20 : i32
    %select_n3A_30 = arith.select %and3A_28, %add3A_29, %rem3A_21 : i32
    %mul3A_31 = arith.constant 1024 : i32
    %mul3A_32 = arith.muli %select_n3A, %mul3A_31 : i32
    "tpu.region"() ({
      %run_scoped3A = tpu.sem_alloc : memref<!tpu.dma_semaphore, #tpu.memory_space<semaphore_mem>>
      %dma_start3A = tpu.memref_slice %arg3[%mul3A_32] : memref<16384xi32, #tpu.memory_space<hbm>> -> memref<512xi32, #tpu.memory_space<hbm>>
      %dma_start3A_1882 = tpu.memref_slice %arg3[%mul3A_32] : memref<16384xi32, #tpu.memory_space<hbm>> -> memref<512xi32, #tpu.memory_space<hbm>>
      tpu.enqueue_dma source(%dma_start3A_1882 : memref<512xi32, #tpu.memory_space<hbm>>) target(%arg6 : memref<512xi32, #tpu.memory_space<vmem>>) target_semaphore(%run_scoped3A : memref<!tpu.dma_semaphore, #tpu.memory_space<semaphore_mem>>)
      %dma_wait3A = tpu.memref_slice %arg3[%mul3A_32] : memref<16384xi32, #tpu.memory_space<hbm>> -> memref<512xi32, #tpu.memory_space<hbm>>
      %dma_wait3A_1883 = tpu.memref_slice %arg3[%mul3A_32] : memref<16384xi32, #tpu.memory_space<hbm>> -> memref<512xi32, #tpu.memory_space<hbm>>
      tpu.wait_dma2 semaphore(%run_scoped3A : memref<!tpu.dma_semaphore, #tpu.memory_space<semaphore_mem>>) src(%dma_wait3A_1883 : memref<512xi32, #tpu.memory_space<hbm>>) dst(%arg6 : memref<512xi32, #tpu.memory_space<vmem>>)
      tpu.yield
    }) : () -> ()
    %mul3A_33 = arith.constant 1024 : i32
    %mul3A_34 = arith.muli %select_n3A, %mul3A_33 : i32
    %add3A_35 = arith.constant 512 : i32
    %add3A_36 = arith.addi %mul3A_34, %add3A_35 : i32
    "tpu.region"() ({
      %run_scoped3A = tpu.sem_alloc : memref<!tpu.dma_semaphore, #tpu.memory_space<semaphore_mem>>
      %dma_start3A = tpu.memref_slice %arg3[%add3A_36] : memref<16384xi32, #tpu.memory_space<hbm>> -> memref<512xi32, #tpu.memory_space<hbm>>
      %dma_start3A_1882 = tpu.memref_slice %arg3[%add3A_36] : memref<16384xi32, #tpu.memory_space<hbm>> -> memref<512xi32, #tpu.memory_space<hbm>>
      tpu.enqueue_dma source(%dma_start3A_1882 : memref<512xi32, #tpu.memory_space<hbm>>) target(%arg7 : memref<512xi32, #tpu.memory_space<vmem>>) target_semaphore(%run_scoped3A : memref<!tpu.dma_semaphore, #tpu.memory_space<semaphore_mem>>)
      %dma_wait3A = tpu.memref_slice %arg3[%add3A_36] : memref<16384xi32, #tpu.memory_space<hbm>> -> memref<512xi32, #tpu.memory_space<hbm>>
      %dma_wait3A_1883 = tpu.memref_slice %arg3[%add3A_36] : memref<16384xi32, #tpu.memory_space<hbm>> -> memref<512xi32, #tpu.memory_space<hbm>>
      tpu.wait_dma2 semaphore(%run_scoped3A : memref<!tpu.dma_semaphore, #tpu.memory_space<semaphore_mem>>) src(%dma_wait3A_1883 : memref<512xi32, #tpu.memory_space<hbm>>) dst(%arg7 : memref<512xi32, #tpu.memory_space<vmem>>)
      tpu.yield
    }) : () -> ()
    %scan3A = arith.constant 0 : i32
    %scan3A_37 = arith.constant 0 : i32
    %scan3A_38 = arith.constant 32 : i32
    %scan3A_39 = arith.addi %scan3A_37, %scan3A_38 : i32
    %scan3A_40 = arith.constant 4 : i32
    %scan3A_41 = scf.for %scan3A_1882 = %scan3A_37 to %scan3A_39 step %scan3A_40 iter_args(%scan3A_1883 = %scan3A) -> (i32)  : i32 {
      %mul3A_1884 = arith.constant 16 : i32
      %mul3A_1885 = arith.muli %scan3A_1882, %mul3A_1884 : i32
      %get3A_1886 = arith.index_cast %mul3A_1885 : i32 to index
      %get3A_1887 = tpu.vector_load %arg6[%get3A_1886] {strides = array<i32>} : memref<512xi32, #tpu.memory_space<vmem>>, vector<16xi32>,
      %get3A_1888 = vector.shape_cast %get3A_1887 : vector<16xi32> to vector<16xi32>
      %max3A = arith.constant 0 : i32
      %max3A_1889 = vector.broadcast %max3A : i32 to vector<16xi32>
      %max3A_1890 = arith.maxsi %get3A_1888, %max3A_1889 : vector<16xi32>
      %min3A = arith.constant 4095 : i32
      %min3A_1891 = vector.broadcast %min3A : i32 to vector<16xi32>
      %min3A_1892 = arith.minsi %max3A_1890, %min3A_1891 : vector<16xi32>
      %get3A_1893 = arith.index_cast %mul3A_1885 : i32 to index
      %get3A_1894 = tpu.vector_load %arg7[%get3A_1893] {strides = array<i32>} : memref<512xi32, #tpu.memory_space<vmem>>, vector<16xi32>,
      %get3A_1895 = vector.shape_cast %get3A_1894 : vector<16xi32> to vector<16xi32>
      %max3A_1896 = arith.constant 0 : i32
      %max3A_1897 = vector.broadcast %max3A_1896 : i32 to vector<16xi32>
      %max3A_1898 = arith.maxsi %get3A_1895, %max3A_1897 : vector<16xi32>
      %min3A_1899 = arith.constant 4095 : i32
      %min3A_1900 = vector.broadcast %min3A_1899 : i32 to vector<16xi32>
      %min3A_1901 = arith.minsi %max3A_1898, %min3A_1900 : vector<16xi32>
      %swap3A_1902 = arith.index_cast %mul3A_1885 : i32 to index
      %swap3A_1903 = tpu.vector_load %arg6[%swap3A_1902] {strides = array<i32>} : memref<512xi32, #tpu.memory_space<vmem>>, vector<16xi32>,
      %swap3A_1904 = vector.shape_cast %swap3A_1903 : vector<16xi32> to vector<16xi32>
      %swap3A_1905 = vector.shape_cast %min3A_1892 : vector<16xi32> to vector<16xi32>
      tpu.vector_store %arg6[%swap3A_1902], %swap3A_1905 {strides = array<i32>} : memref<512xi32, #tpu.memory_space<vmem>>, vector<16xi32>,
      %swap3A_1906 = arith.index_cast %mul3A_1885 : i32 to index
      %swap3A_1907 = tpu.vector_load %arg7[%swap3A_1906] {strides = array<i32>} : memref<512xi32, #tpu.memory_space<vmem>>, vector<16xi32>,
      %swap3A_1908 = vector.shape_cast %swap3A_1907 : vector<16xi32> to vector<16xi32>
      %swap3A_1909 = vector.shape_cast %min3A_1901 : vector<16xi32> to vector<16xi32>
      tpu.vector_store %arg7[%swap3A_1906], %swap3A_1909 {strides = array<i32>} : memref<512xi32, #tpu.memory_space<vmem>>, vector<16xi32>,
      %sub3A_1910 = arith.subi %min3A_1901, %min3A_1892 : vector<16xi32>
      %add3A_1911 = arith.constant 1 : i32
      %add3A_1912 = vector.broadcast %add3A_1911 : i32 to vector<16xi32>
      %add3A_1913 = arith.addi %sub3A_1910, %add3A_1912 : vector<16xi32>
      %convert_element_type3A = arith.sitofp %add3A_1913 : vector<16xi32> to vector<16xf32>
      %div3A_1914 = arith.constant 1.000000e+00 : f32
      %div3A_1915 = vector.broadcast %div3A_1914 : f32 to vector<16xf32>
      %div3A_1916 = arith.divf %div3A_1915, %convert_element_type3A : vector<16xf32>
      %swap3A_1917 = arith.index_cast %mul3A_1885 : i32 to index
      %swap3A_1918 = tpu.vector_load %arg8[%swap3A_1917] {strides = array<i32>} : memref<512xf32, #tpu.memory_space<vmem>>, vector<16xf32>,
      %swap3A_1919 = vector.shape_cast %swap3A_1918 : vector<16xf32> to vector<16xf32>
      %swap3A_1920 = vector.shape_cast %div3A_1916 : vector<16xf32> to vector<16xf32>
      tpu.vector_store %arg8[%swap3A_1917], %swap3A_1920 {strides = array<i32>} : memref<512xf32, #tpu.memory_space<vmem>>, vector<16xf32>,
      %scan3A_1921 = arith.constant 0 : i32
      %scan3A_1922 = arith.constant 1 : i32
      %scan3A_1923 = arith.addi %scan3A_1882, %scan3A_1922 : i32
      %mul3A_1924 = arith.constant 16 : i32
      %mul3A_1925 = arith.muli %scan3A_1923, %mul3A_1924 : i32
      %get3A_1926 = arith.index_cast %mul3A_1925 : i32 to index
      %get3A_1927 = tpu.vector_load %arg6[%get3A_1926] {strides = array<i32>} : memref<512xi32, #tpu.memory_space<vmem>>, vector<16xi32>,
      %get3A_1928 = vector.shape_cast %get3A_1927 : vector<16xi32> to vector<16xi32>
      %max3A_1929 = arith.constant 0 : i32
      %max3A_1930 = vector.broadcast %max3A_1929 : i32 to vector<16xi32>
      %max3A_1931 = arith.maxsi %get3A_1928, %max3A_1930 : vector<16xi32>
      %min3A_1932 = arith.constant 4095 : i32
      %min3A_1933 = vector.broadcast %min3A_1932 : i32 to vector<16xi32>
      %min3A_1934 = arith.minsi %max3A_1931, %min3A_1933 : vector<16xi32>
      %get3A_1935 = arith.index_cast %mul3A_1925 : i32 to index
      %get3A_1936 = tpu.vector_load %arg7[%get3A_1935] {strides = array<i32>} : memref<512xi32, #tpu.memory_space<vmem>>, vector<16xi32>,
      %get3A_1937 = vector.shape_cast %get3A_1936 : vector<16xi32> to vector<16xi32>
      %max3A_1938 = arith.constant 0 : i32
      %max3A_1939 = vector.broadcast %max3A_1938 : i32 to vector<16xi32>
      %max3A_1940 = arith.maxsi %get3A_1937, %max3A_1939 : vector<16xi32>
      %min3A_1941 = arith.constant 4095 : i32
      %min3A_1942 = vector.broadcast %min3A_1941 : i32 to vector<16xi32>
      %min3A_1943 = arith.minsi %max3A_1940, %min3A_1942 : vector<16xi32>
      %swap3A_1944 = arith.index_cast %mul3A_1925 : i32 to index
      %swap3A_1945 = tpu.vector_load %arg6[%swap3A_1944] {strides = array<i32>} : memref<512xi32, #tpu.memory_space<vmem>>, vector<16xi32>,
      %swap3A_1946 = vector.shape_cast %swap3A_1945 : vector<16xi32> to vector<16xi32>
      %swap3A_1947 = vector.shape_cast %min3A_1934 : vector<16xi32> to vector<16xi32>
      tpu.vector_store %arg6[%swap3A_1944], %swap3A_1947 {strides = array<i32>} : memref<512xi32, #tpu.memory_space<vmem>>, vector<16xi32>,
      %swap3A_1948 = arith.index_cast %mul3A_1925 : i32 to index
      %swap3A_1949 = tpu.vector_load %arg7[%swap3A_1948] {strides = array<i32>} : memref<512xi32, #tpu.memory_space<vmem>>, vector<16xi32>,
      %swap3A_1950 = vector.shape_cast %swap3A_1949 : vector<16xi32> to vector<16xi32>
      %swap3A_1951 = vector.shape_cast %min3A_1943 : vector<16xi32> to vector<16xi32>
      tpu.vector_store %arg7[%swap3A_1948], %swap3A_1951 {strides = array<i32>} : memref<512xi32, #tpu.memory_space<vmem>>, vector<16xi32>,
      %sub3A_1952 = arith.subi %min3A_1943, %min3A_1934 : vector<16xi32>
      %add3A_1953 = arith.constant 1 : i32
      %add3A_1954 = vector.broadcast %add3A_1953 : i32 to vector<16xi32>
      %add3A_1955 = arith.addi %sub3A_1952, %add3A_1954 : vector<16xi32>
      %convert_element_type3A_1956 = arith.sitofp %add3A_1955 : vector<16xi32> to vector<16xf32>
      %div3A_1957 = arith.constant 1.000000e+00 : f32
      %div3A_1958 = vector.broadcast %div3A_1957 : f32 to vector<16xf32>
      %div3A_1959 = arith.divf %div3A_1958, %convert_element_type3A_1956 : vector<16xf32>
      %swap3A_1960 = arith.index_cast %mul3A_1925 : i32 to index
      %swap3A_1961 = tpu.vector_load %arg8[%swap3A_1960] {strides = array<i32>} : memref<512xf32, #tpu.memory_space<vmem>>, vector<16xf32>,
      %swap3A_1962 = vector.shape_cast %swap3A_1961 : vector<16xf32> to vector<16xf32>
      %swap3A_1963 = vector.shape_cast %div3A_1959 : vector<16xf32> to vector<16xf32>
      tpu.vector_store %arg8[%swap3A_1960], %swap3A_1963 {strides = array<i32>} : memref<512xf32, #tpu.memory_space<vmem>>, vector<16xf32>,
      %scan3A_1964 = arith.constant 0 : i32
      %scan3A_1965 = arith.constant 2 : i32
      %scan3A_1966 = arith.addi %scan3A_1882, %scan3A_1965 : i32
      %mul3A_1967 = arith.constant 16 : i32
      %mul3A_1968 = arith.muli %scan3A_1966, %mul3A_1967 : i32
      %get3A_1969 = arith.index_cast %mul3A_1968 : i32 to index
      %get3A_1970 = tpu.vector_load %arg6[%get3A_1969] {strides = array<i32>} : memref<512xi32, #tpu.memory_space<vmem>>, vector<16xi32>,
      %get3A_1971 = vector.shape_cast %get3A_1970 : vector<16xi32> to vector<16xi32>
      %max3A_1972 = arith.constant 0 : i32
      %max3A_1973 = vector.broadcast %max3A_1972 : i32 to vector<16xi32>
      %max3A_1974 = arith.maxsi %get3A_1971, %max3A_1973 : vector<16xi32>
      %min3A_1975 = arith.constant 4095 : i32
      %min3A_1976 = vector.broadcast %min3A_1975 : i32 to vector<16xi32>
      %min3A_1977 = arith.minsi %max3A_1974, %min3A_1976 : vector<16xi32>
      %get3A_1978 = arith.index_cast %mul3A_1968 : i32 to index
      %get3A_1979 = tpu.vector_load %arg7[%get3A_1978] {strides = array<i32>} : memref<512xi32, #tpu.memory_space<vmem>>, vector<16xi32>,
      %get3A_1980 = vector.shape_cast %get3A_1979 : vector<16xi32> to vector<16xi32>
      %max3A_1981 = arith.constant 0 : i32
      %max3A_1982 = vector.broadcast %max3A_1981 : i32 to vector<16xi32>
      %max3A_1983 = arith.maxsi %get3A_1980, %max3A_1982 : vector<16xi32>
      %min3A_1984 = arith.constant 4095 : i32
      %min3A_1985 = vector.broadcast %min3A_1984 : i32 to vector<16xi32>
      %min3A_1986 = arith.minsi %max3A_1983, %min3A_1985 : vector<16xi32>
      %swap3A_1987 = arith.index_cast %mul3A_1968 : i32 to index
      %swap3A_1988 = tpu.vector_load %arg6[%swap3A_1987] {strides = array<i32>} : memref<512xi32, #tpu.memory_space<vmem>>, vector<16xi32>,
      %swap3A_1989 = vector.shape_cast %swap3A_1988 : vector<16xi32> to vector<16xi32>
      %swap3A_1990 = vector.shape_cast %min3A_1977 : vector<16xi32> to vector<16xi32>
      tpu.vector_store %arg6[%swap3A_1987], %swap3A_1990 {strides = array<i32>} : memref<512xi32, #tpu.memory_space<vmem>>, vector<16xi32>,
      %swap3A_1991 = arith.index_cast %mul3A_1968 : i32 to index
      %swap3A_1992 = tpu.vector_load %arg7[%swap3A_1991] {strides = array<i32>} : memref<512xi32, #tpu.memory_space<vmem>>, vector<16xi32>,
      %swap3A_1993 = vector.shape_cast %swap3A_1992 : vector<16xi32> to vector<16xi32>
      %swap3A_1994 = vector.shape_cast %min3A_1986 : vector<16xi32> to vector<16xi32>
      tpu.vector_store %arg7[%swap3A_1991], %swap3A_1994 {strides = array<i32>} : memref<512xi32, #tpu.memory_space<vmem>>, vector<16xi32>,
      %sub3A_1995 = arith.subi %min3A_1986, %min3A_1977 : vector<16xi32>
      %add3A_1996 = arith.constant 1 : i32
      %add3A_1997 = vector.broadcast %add3A_1996 : i32 to vector<16xi32>
      %add3A_1998 = arith.addi %sub3A_1995, %add3A_1997 : vector<16xi32>
      %convert_element_type3A_1999 = arith.sitofp %add3A_1998 : vector<16xi32> to vector<16xf32>
      %div3A_2000 = arith.constant 1.000000e+00 : f32
      %div3A_2001 = vector.broadcast %div3A_2000 : f32 to vector<16xf32>
      %div3A_2002 = arith.divf %div3A_2001, %convert_element_type3A_1999 : vector<16xf32>
      %swap3A_2003 = arith.index_cast %mul3A_1968 : i32 to index
      %swap3A_2004 = tpu.vector_load %arg8[%swap3A_2003] {strides = array<i32>} : memref<512xf32, #tpu.memory_space<vmem>>, vector<16xf32>,
      %swap3A_2005 = vector.shape_cast %swap3A_2004 : vector<16xf32> to vector<16xf32>
      %swap3A_2006 = vector.shape_cast %div3A_2002 : vector<16xf32> to vector<16xf32>
      tpu.vector_store %arg8[%swap3A_2003], %swap3A_2006 {strides = array<i32>} : memref<512xf32, #tpu.memory_space<vmem>>, vector<16xf32>,
      %scan3A_2007 = arith.constant 0 : i32
      %scan3A_2008 = arith.constant 3 : i32
      %scan3A_2009 = arith.addi %scan3A_1882, %scan3A_2008 : i32
      %mul3A_2010 = arith.constant 16 : i32
      %mul3A_2011 = arith.muli %scan3A_2009, %mul3A_2010 : i32
      %get3A_2012 = arith.index_cast %mul3A_2011 : i32 to index
      %get3A_2013 = tpu.vector_load %arg6[%get3A_2012] {strides = array<i32>} : memref<512xi32, #tpu.memory_space<vmem>>, vector<16xi32>,
      %get3A_2014 = vector.shape_cast %get3A_2013 : vector<16xi32> to vector<16xi32>
      %max3A_2015 = arith.constant 0 : i32
      %max3A_2016 = vector.broadcast %max3A_2015 : i32 to vector<16xi32>
      %max3A_2017 = arith.maxsi %get3A_2014, %max3A_2016 : vector<16xi32>
      %min3A_2018 = arith.constant 4095 : i32
      %min3A_2019 = vector.broadcast %min3A_2018 : i32 to vector<16xi32>
      %min3A_2020 = arith.minsi %max3A_2017, %min3A_2019 : vector<16xi32>
      %get3A_2021 = arith.index_cast %mul3A_2011 : i32 to index
      %get3A_2022 = tpu.vector_load %arg7[%get3A_2021] {strides = array<i32>} : memref<512xi32, #tpu.memory_space<vmem>>, vector<16xi32>,
      %get3A_2023 = vector.shape_cast %get3A_2022 : vector<16xi32> to vector<16xi32>
      %max3A_2024 = arith.constant 0 : i32
      %max3A_2025 = vector.broadcast %max3A_2024 : i32 to vector<16xi32>
      %max3A_2026 = arith.maxsi %get3A_2023, %max3A_2025 : vector<16xi32>
      %min3A_2027 = arith.constant 4095 : i32
      %min3A_2028 = vector.broadcast %min3A_2027 : i32 to vector<16xi32>
      %min3A_2029 = arith.minsi %max3A_2026, %min3A_2028 : vector<16xi32>
      %swap3A_2030 = arith.index_cast %mul3A_2011 : i32 to index
      %swap3A_2031 = tpu.vector_load %arg6[%swap3A_2030] {strides = array<i32>} : memref<512xi32, #tpu.memory_space<vmem>>, vector<16xi32>,
      %swap3A_2032 = vector.shape_cast %swap3A_2031 : vector<16xi32> to vector<16xi32>
      %swap3A_2033 = vector.shape_cast %min3A_2020 : vector<16xi32> to vector<16xi32>
      tpu.vector_store %arg6[%swap3A_2030], %swap3A_2033 {strides = array<i32>} : memref<512xi32, #tpu.memory_space<vmem>>, vector<16xi32>,
      %swap3A_2034 = arith.index_cast %mul3A_2011 : i32 to index
      %swap3A_2035 = tpu.vector_load %arg7[%swap3A_2034] {strides = array<i32>} : memref<512xi32, #tpu.memory_space<vmem>>, vector<16xi32>,
      %swap3A_2036 = vector.shape_cast %swap3A_2035 : vector<16xi32> to vector<16xi32>
      %swap3A_2037 = vector.shape_cast %min3A_2029 : vector<16xi32> to vector<16xi32>
      tpu.vector_store %arg7[%swap3A_2034], %swap3A_2037 {strides = array<i32>} : memref<512xi32, #tpu.memory_space<vmem>>, vector<16xi32>,
      %sub3A_2038 = arith.subi %min3A_2029, %min3A_2020 : vector<16xi32>
      %add3A_2039 = arith.constant 1 : i32
      %add3A_2040 = vector.broadcast %add3A_2039 : i32 to vector<16xi32>
      %add3A_2041 = arith.addi %sub3A_2038, %add3A_2040 : vector<16xi32>
      %convert_element_type3A_2042 = arith.sitofp %add3A_2041 : vector<16xi32> to vector<16xf32>
      %div3A_2043 = arith.constant 1.000000e+00 : f32
      %div3A_2044 = vector.broadcast %div3A_2043 : f32 to vector<16xf32>
      %div3A_2045 = arith.divf %div3A_2044, %convert_element_type3A_2042 : vector<16xf32>
      %swap3A_2046 = arith.index_cast %mul3A_2011 : i32 to index
      %swap3A_2047 = tpu.vector_load %arg8[%swap3A_2046] {strides = array<i32>} : memref<512xf32, #tpu.memory_space<vmem>>, vector<16xf32>,
      %swap3A_2048 = vector.shape_cast %swap3A_2047 : vector<16xf32> to vector<16xf32>
      %swap3A_2049 = vector.shape_cast %div3A_2045 : vector<16xf32> to vector<16xf32>
      tpu.vector_store %arg8[%swap3A_2046], %swap3A_2049 {strides = array<i32>} : memref<512xf32, #tpu.memory_space<vmem>>, vector<16xf32>,
      %scan3A_2050 = arith.constant 0 : i32
      scf.yield %scan3A_2050 : i32
    }
    %scan3A_42 = arith.constant 32 : i32
    %mul3A_43 = arith.constant 4 : i32
    %mul3A_44 = arith.muli %select_n3A_30, %mul3A_43 : i32
    %add3A_45 = arith.constant 0 : i32
    %add3A_46 = arith.addi %mul3A_44, %add3A_45 : i32
    %mul3A_47 = arith.constant 16 : i32
    %mul3A_48 = arith.muli %add3A_46, %mul3A_47 : i32
    "tpu.region"() ({
      %run_scoped3A = tpu.sem_alloc : memref<!tpu.dma_semaphore, #tpu.memory_space<semaphore_mem>>
      %dma_start3A = arith.constant 0 : i32
      %dma_start3A_1882 = tpu.memref_slice %arg2[%select_n3A, %dma_start3A, %mul3A_48] : memref<16x4096x128xf32, #tpu.memory_space<hbm>> -> memref<1x4096x16xf32, #tpu.memory_space<hbm>>
      %dma_start3A_1883 = tpu.memref_squeeze %dma_start3A_1882 : memref<1x4096x16xf32, #tpu.memory_space<hbm>> -> memref<4096x16xf32, #tpu.memory_space<hbm>>
      %dma_start3A_1884 = arith.constant 0 : i32
      %dma_start3A_1885 = tpu.memref_slice %arg2[%select_n3A, %dma_start3A_1884, %mul3A_48] : memref<16x4096x128xf32, #tpu.memory_space<hbm>> -> memref<1x4096x16xf32, #tpu.memory_space<hbm>>
      %dma_start3A_1886 = tpu.memref_squeeze %dma_start3A_1885 : memref<1x4096x16xf32, #tpu.memory_space<hbm>> -> memref<4096x16xf32, #tpu.memory_space<hbm>>
      tpu.enqueue_dma source(%dma_start3A_1886 : memref<4096x16xf32, #tpu.memory_space<hbm>>) target(%arg5 : memref<4096x16xf32, #tpu.memory_space<vmem>>) target_semaphore(%run_scoped3A : memref<!tpu.dma_semaphore, #tpu.memory_space<semaphore_mem>>)
      %dma_wait3A = arith.constant 0 : i32
      %dma_wait3A_1887 = tpu.memref_slice %arg2[%select_n3A, %dma_wait3A, %mul3A_48] : memref<16x4096x128xf32, #tpu.memory_space<hbm>> -> memref<1x4096x16xf32, #tpu.memory_space<hbm>>
      %dma_wait3A_1888 = tpu.memref_squeeze %dma_wait3A_1887 : memref<1x4096x16xf32, #tpu.memory_space<hbm>> -> memref<4096x16xf32, #tpu.memory_space<hbm>>
      %dma_wait3A_1889 = arith.constant 0 : i32
      %dma_wait3A_1890 = tpu.memref_slice %arg2[%select_n3A, %dma_wait3A_1889, %mul3A_48] : memref<16x4096x128xf32, #tpu.memory_space<hbm>> -> memref<1x4096x16xf32, #tpu.memory_space<hbm>>
      %dma_wait3A_1891 = tpu.memref_squeeze %dma_wait3A_1890 : memref<1x4096x16xf32, #tpu.memory_space<hbm>> -> memref<4096x16xf32, #tpu.memory_space<hbm>>
      tpu.wait_dma2 semaphore(%run_scoped3A : memref<!tpu.dma_semaphore, #tpu.memory_space<semaphore_mem>>) src(%dma_wait3A_1891 : memref<4096x16xf32, #tpu.memory_space<hbm>>) dst(%arg5 : memref<4096x16xf32, #tpu.memory_space<vmem>>)
      tpu.yield
    }) : () -> ()
    %broadcast_in_dim3A = arith.constant 0.000000e+00 : f32
    %broadcast_in_dim3A_49 = vector.broadcast %broadcast_in_dim3A : f32 to vector<16xf32>
    %scan3A_50 = arith.constant 0 : i32
    %scan3A_51 = arith.constant 0 : i32
    %scan3A_52 = arith.addi %scan3A_50, %scan3A_51 : i32
    %scan3A_53 = arith.constant 0 : i32
    %scan3A_54 = arith.addi %scan3A_50, %scan3A_53 : i32
    %get3A = arith.index_cast %scan3A_54 : i32 to index
    %get3A_55 = arith.constant 0 : index
    %get3A_56 = tpu.vector_load %arg5[%get3A, %get3A_55] {strides = array<i32>} : memref<4096x16xf32, #tpu.memory_space<vmem>>, vector<1x16xf32>,
    %get3A_57 = vector.shape_cast %get3A_56 : vector<1x16xf32> to vector<16xf32>
    %add3A_58 = arith.addf %broadcast_in_dim3A_49, %get3A_57 : vector<16xf32>
    %swap3A = arith.index_cast %scan3A_54 : i32 to index
    %swap3A_59 = arith.constant 0 : index
    %swap3A_60 = tpu.vector_load %arg5[%swap3A, %swap3A_59] {strides = array<i32>} : memref<4096x16xf32, #tpu.memory_space<vmem>>, vector<1x16xf32>,
    %swap3A_61 = vector.shape_cast %swap3A_60 : vector<1x16xf32> to vector<16xf32>
    %swap3A_62 = vector.shape_cast %add3A_58 : vector<16xf32> to vector<1x16xf32>
    tpu.vector_store %arg5[%swap3A, %swap3A_59], %swap3A_62 {strides = array<i32>} : memref<4096x16xf32, #tpu.memory_space<vmem>>, vector<1x16xf32>,
    %scan3A_63 = arith.constant 1 : i32
    %scan3A_64 = arith.constant 0 : i32
    %scan3A_65 = arith.constant 0 : i32
    %mul3A_66 = arith.constant 16 : i32
    %mul3A_67 = arith.muli %scan3A_65, %mul3A_66 : i32
    %get3A_68 = arith.index_cast %mul3A_67 : i32 to index
    %get3A_69 = tpu.vector_load %arg6[%get3A_68] {strides = array<i32>} : memref<512xi32, #tpu.memory_space<vmem>>, vector<16xi32>,
    %get3A_70 = vector.shape_cast %get3A_69 : vector<16xi32> to vector<16xi32>
    %mul3A_71 = arith.constant 16 : i32
    %mul3A_72 = arith.muli %scan3A_65, %mul3A_71 : i32
    %get3A_73 = arith.index_cast %mul3A_72 : i32 to index
    %get3A_74 = tpu.vector_load %arg7[%get3A_73] {strides = array<i32>} : memref<512xi32, #tpu.memory_space<vmem>>, vector<16xi32>,
    %get3A_75 = vector.shape_cast %get3A_74 : vector<16xi32> to vector<16xi32>
    %mul3A_76 = arith.constant 16 : i32
    %mul3A_77 = arith.muli %scan3A_65, %mul3A_76 : i32
    %get3A_78 = arith.index_cast %mul3A_77 : i32 to index
    %get3A_79 = tpu.vector_load %arg8[%get3A_78] {strides = array<i32>} : memref<512xf32, #tpu.memory_space<vmem>>, vector<16xf32>,
    %get3A_80 = vector.shape_cast %get3A_79 : vector<16xf32> to vector<16xf32>
    %mul3A_81 = arith.constant 16 : i32
    %mul3A_82 = arith.muli %scan3A_65, %mul3A_81 : i32
    %add3A_83 = arith.constant 0 : i32
    %add3A_84 = arith.addi %mul3A_82, %add3A_83 : i32
    %slice3A = vector.extract_strided_slice %get3A_75 {offsets = [0], sizes = [1], strides = [1]} : vector<16xi32> to vector<1xi32>
    %squeeze3A = vector.extract %slice3A[0] : i32 from vector<1xi32>
    %get3A_85 = arith.index_cast %squeeze3A : i32 to index
    %get3A_86 = arith.constant 0 : index
    %get3A_87 = tpu.vector_load %arg5[%get3A_85, %get3A_86] {strides = array<i32>} : memref<4096x16xf32, #tpu.memory_space<vmem>>, vector<1x16xf32>,
    %get3A_88 = vector.shape_cast %get3A_87 : vector<1x16xf32> to vector<16xf32>
    %slice3A_89 = vector.extract_strided_slice %get3A_70 {offsets = [0], sizes = [1], strides = [1]} : vector<16xi32> to vector<1xi32>
    %squeeze3A_90 = vector.extract %slice3A_89[0] : i32 from vector<1xi32>
    %get3A_91 = arith.index_cast %squeeze3A_90 : i32 to index
    %get3A_92 = arith.constant 0 : index
    %get3A_93 = tpu.vector_load %arg5[%get3A_91, %get3A_92] {strides = array<i32>} : memref<4096x16xf32, #tpu.memory_space<vmem>>, vector<1x16xf32>,
    %get3A_94 = vector.shape_cast %get3A_93 : vector<1x16xf32> to vector<16xf32>
    %sub3A_95 = arith.subf %get3A_88, %get3A_94 : vector<16xf32>
    %slice3A_96 = vector.extract_strided_slice %get3A_80 {offsets = [0], sizes = [1], strides = [1]} : vector<16xf32> to vector<1xf32>
    %squeeze3A_97 = vector.extract %slice3A_96[0] : f32 from vector<1xf32>
    %mul3A_98 = vector.broadcast %squeeze3A_97 : f32 to vector<16xf32>
    %mul3A_99 = arith.mulf %sub3A_95, %mul3A_98 : vector<16xf32>
    %swap3A_100 = arith.index_cast %add3A_84 : i32 to index
    %swap3A_101 = arith.constant 0 : index
    %swap3A_102 = tpu.vector_load %arg9[%swap3A_100, %swap3A_101] {strides = array<i32>} : memref<512x16xf32, #tpu.memory_space<vmem>>, vector<1x16xf32>,
    %swap3A_103 = vector.shape_cast %swap3A_102 : vector<1x16xf32> to vector<16xf32>
    %swap3A_104 = vector.shape_cast %mul3A_99 : vector<16xf32> to vector<1x16xf32>
    tpu.vector_store %arg9[%swap3A_100, %swap3A_101], %swap3A_104 {strides = array<i32>} : memref<512x16xf32, #tpu.memory_space<vmem>>, vector<1x16xf32>,
    %mul3A_105 = arith.constant 16 : i32
    %mul3A_106 = arith.muli %scan3A_65, %mul3A_105 : i32
    %add3A_107 = arith.constant 1 : i32
    %add3A_108 = arith.addi %mul3A_106, %add3A_107 : i32
    %slice3A_109 = vector.extract_strided_slice %get3A_75 {offsets = [1], sizes = [1], strides = [1]} : vector<16xi32> to vector<1xi32>
    %squeeze3A_110 = vector.extract %slice3A_109[0] : i32 from vector<1xi32>
    %get3A_111 = arith.index_cast %squeeze3A_110 : i32 to index
    %get3A_112 = arith.constant 0 : index
    %get3A_113 = tpu.vector_load %arg5[%get3A_111, %get3A_112] {strides = array<i32>} : memref<4096x16xf32, #tpu.memory_space<vmem>>, vector<1x16xf32>,
    %get3A_114 = vector.shape_cast %get3A_113 : vector<1x16xf32> to vector<16xf32>
    %slice3A_115 = vector.extract_strided_slice %get3A_70 {offsets = [1], sizes = [1], strides = [1]} : vector<16xi32> to vector<1xi32>
    %squeeze3A_116 = vector.extract %slice3A_115[0] : i32 from vector<1xi32>
    %get3A_117 = arith.index_cast %squeeze3A_116 : i32 to index
    %get3A_118 = arith.constant 0 : index
    %get3A_119 = tpu.vector_load %arg5[%get3A_117, %get3A_118] {strides = array<i32>} : memref<4096x16xf32, #tpu.memory_space<vmem>>, vector<1x16xf32>,
    %get3A_120 = vector.shape_cast %get3A_119 : vector<1x16xf32> to vector<16xf32>
    %sub3A_121 = arith.subf %get3A_114, %get3A_120 : vector<16xf32>
    %slice3A_122 = vector.extract_strided_slice %get3A_80 {offsets = [1], sizes = [1], strides = [1]} : vector<16xf32> to vector<1xf32>
    %squeeze3A_123 = vector.extract %slice3A_122[0] : f32 from vector<1xf32>
    %mul3A_124 = vector.broadcast %squeeze3A_123 : f32 to vector<16xf32>
    %mul3A_125 = arith.mulf %sub3A_121, %mul3A_124 : vector<16xf32>
    %swap3A_126 = arith.index_cast %add3A_108 : i32 to index
    %swap3A_127 = arith.constant 0 : index
    %swap3A_128 = tpu.vector_load %arg9[%swap3A_126, %swap3A_127] {strides = array<i32>} : memref<512x16xf32, #tpu.memory_space<vmem>>, vector<1x16xf32>,
    %swap3A_129 = vector.shape_cast %swap3A_128 : vector<1x16xf32> to vector<16xf32>
    %swap3A_130 = vector.shape_cast %mul3A_125 : vector<16xf32> to vector<1x16xf32>
    tpu.vector_store %arg9[%swap3A_126, %swap3A_127], %swap3A_130 {strides = array<i32>} : memref<512x16xf32, #tpu.memory_space<vmem>>, vector<1x16xf32>,
    %mul3A_131 = arith.constant 16 : i32
    %mul3A_132 = arith.muli %scan3A_65, %mul3A_131 : i32
    %add3A_133 = arith.constant 2 : i32
    %add3A_134 = arith.addi %mul3A_132, %add3A_133 : i32
    %slice3A_135 = vector.extract_strided_slice %get3A_75 {offsets = [2], sizes = [1], strides = [1]} : vector<16xi32> to vector<1xi32>
    %squeeze3A_136 = vector.extract %slice3A_135[0] : i32 from vector<1xi32>
    %get3A_137 = arith.index_cast %squeeze3A_136 : i32 to index
    %get3A_138 = arith.constant 0 : index
    %get3A_139 = tpu.vector_load %arg5[%get3A_137, %get3A_138] {strides = array<i32>} : memref<4096x16xf32, #tpu.memory_space<vmem>>, vector<1x16xf32>,
    %get3A_140 = vector.shape_cast %get3A_139 : vector<1x16xf32> to vector<16xf32>
    %slice3A_141 = vector.extract_strided_slice %get3A_70 {offsets = [2], sizes = [1], strides = [1]} : vector<16xi32> to vector<1xi32>
    %squeeze3A_142 = vector.extract %slice3A_141[0] : i32 from vector<1xi32>
    %get3A_143 = arith.index_cast %squeeze3A_142 : i32 to index
    %get3A_144 = arith.constant 0 : index
    %get3A_145 = tpu.vector_load %arg5[%get3A_143, %get3A_144] {strides = array<i32>} : memref<4096x16xf32, #tpu.memory_space<vmem>>, vector<1x16xf32>,
    %get3A_146 = vector.shape_cast %get3A_145 : vector<1x16xf32> to vector<16xf32>
    %sub3A_147 = arith.subf %get3A_140, %get3A_146 : vector<16xf32>
    %slice3A_148 = vector.extract_strided_slice %get3A_80 {offsets = [2], sizes = [1], strides = [1]} : vector<16xf32> to vector<1xf32>
    %squeeze3A_149 = vector.extract %slice3A_148[0] : f32 from vector<1xf32>
    %mul3A_150 = vector.broadcast %squeeze3A_149 : f32 to vector<16xf32>
    %mul3A_151 = arith.mulf %sub3A_147, %mul3A_150 : vector<16xf32>
    %swap3A_152 = arith.index_cast %add3A_134 : i32 to index
    %swap3A_153 = arith.constant 0 : index
    %swap3A_154 = tpu.vector_load %arg9[%swap3A_152, %swap3A_153] {strides = array<i32>} : memref<512x16xf32, #tpu.memory_space<vmem>>, vector<1x16xf32>,
    %swap3A_155 = vector.shape_cast %swap3A_154 : vector<1x16xf32> to vector<16xf32>
    %swap3A_156 = vector.shape_cast %mul3A_151 : vector<16xf32> to vector<1x16xf32>
    tpu.vector_store %arg9[%swap3A_152, %swap3A_153], %swap3A_156 {strides = array<i32>} : memref<512x16xf32, #tpu.memory_space<vmem>>, vector<1x16xf32>,
    %mul3A_157 = arith.constant 16 : i32
    %mul3A_158 = arith.muli %scan3A_65, %mul3A_157 : i32
    %add3A_159 = arith.constant 3 : i32
    %add3A_160 = arith.addi %mul3A_158, %add3A_159 : i32
    %slice3A_161 = vector.extract_strided_slice %get3A_75 {offsets = [3], sizes = [1], strides = [1]} : vector<16xi32> to vector<1xi32>
    %squeeze3A_162 = vector.extract %slice3A_161[0] : i32 from vector<1xi32>
    %get3A_163 = arith.index_cast %squeeze3A_162 : i32 to index
    %get3A_164 = arith.constant 0 : index
    %get3A_165 = tpu.vector_load %arg5[%get3A_163, %get3A_164] {strides = array<i32>} : memref<4096x16xf32, #tpu.memory_space<vmem>>, vector<1x16xf32>,
    %get3A_166 = vector.shape_cast %get3A_165 : vector<1x16xf32> to vector<16xf32>
    %slice3A_167 = vector.extract_strided_slice %get3A_70 {offsets = [3], sizes = [1], strides = [1]} : vector<16xi32> to vector<1xi32>
    %squeeze3A_168 = vector.extract %slice3A_167[0] : i32 from vector<1xi32>
    %get3A_169 = arith.index_cast %squeeze3A_168 : i32 to index
    %get3A_170 = arith.constant 0 : index
    %get3A_171 = tpu.vector_load %arg5[%get3A_169, %get3A_170] {strides = array<i32>} : memref<4096x16xf32, #tpu.memory_space<vmem>>, vector<1x16xf32>,
    %get3A_172 = vector.shape_cast %get3A_171 : vector<1x16xf32> to vector<16xf32>
    %sub3A_173 = arith.subf %get3A_166, %get3A_172 : vector<16xf32>
    %slice3A_174 = vector.extract_strided_slice %get3A_80 {offsets = [3], sizes = [1], strides = [1]} : vector<16xf32> to vector<1xf32>
    %squeeze3A_175 = vector.extract %slice3A_174[0] : f32 from vector<1xf32>
    %mul3A_176 = vector.broadcast %squeeze3A_175 : f32 to vector<16xf32>
    %mul3A_177 = arith.mulf %sub3A_173, %mul3A_176 : vector<16xf32>
    %swap3A_178 = arith.index_cast %add3A_160 : i32 to index
    %swap3A_179 = arith.constant 0 : index
    %swap3A_180 = tpu.vector_load %arg9[%swap3A_178, %swap3A_179] {strides = array<i32>} : memref<512x16xf32, #tpu.memory_space<vmem>>, vector<1x16xf32>,
    %swap3A_181 = vector.shape_cast %swap3A_180 : vector<1x16xf32> to vector<16xf32>
    %swap3A_182 = vector.shape_cast %mul3A_177 : vector<16xf32> to vector<1x16xf32>
    tpu.vector_store %arg9[%swap3A_178, %swap3A_179], %swap3A_182 {strides = array<i32>} : memref<512x16xf32, #tpu.memory_space<vmem>>, vector<1x16xf32>,
    %mul3A_183 = arith.constant 16 : i32
    %mul3A_184 = arith.muli %scan3A_65, %mul3A_183 : i32
    %add3A_185 = arith.constant 4 : i32
    %add3A_186 = arith.addi %mul3A_184, %add3A_185 : i32
    %slice3A_187 = vector.extract_strided_slice %get3A_75 {offsets = [4], sizes = [1], strides = [1]} : vector<16xi32> to vector<1xi32>
    %squeeze3A_188 = vector.extract %slice3A_187[0] : i32 from vector<1xi32>
    %get3A_189 = arith.index_cast %squeeze3A_188 : i32 to index
    %get3A_190 = arith.constant 0 : index
    %get3A_191 = tpu.vector_load %arg5[%get3A_189, %get3A_190] {strides = array<i32>} : memref<4096x16xf32, #tpu.memory_space<vmem>>, vector<1x16xf32>,
    %get3A_192 = vector.shape_cast %get3A_191 : vector<1x16xf32> to vector<16xf32>
    %slice3A_193 = vector.extract_strided_slice %get3A_70 {offsets = [4], sizes = [1], strides = [1]} : vector<16xi32> to vector<1xi32>
    %squeeze3A_194 = vector.extract %slice3A_193[0] : i32 from vector<1xi32>
    %get3A_195 = arith.index_cast %squeeze3A_194 : i32 to index
    %get3A_196 = arith.constant 0 : index
    %get3A_197 = tpu.vector_load %arg5[%get3A_195, %get3A_196] {strides = array<i32>} : memref<4096x16xf32, #tpu.memory_space<vmem>>, vector<1x16xf32>,
    %get3A_198 = vector.shape_cast %get3A_197 : vector<1x16xf32> to vector<16xf32>
    %sub3A_199 = arith.subf %get3A_192, %get3A_198 : vector<16xf32>
    %slice3A_200 = vector.extract_strided_slice %get3A_80 {offsets = [4], sizes = [1], strides = [1]} : vector<16xf32> to vector<1xf32>
    %squeeze3A_201 = vector.extract %slice3A_200[0] : f32 from vector<1xf32>
    %mul3A_202 = vector.broadcast %squeeze3A_201 : f32 to vector<16xf32>
    %mul3A_203 = arith.mulf %sub3A_199, %mul3A_202 : vector<16xf32>
    %swap3A_204 = arith.index_cast %add3A_186 : i32 to index
    %swap3A_205 = arith.constant 0 : index
    %swap3A_206 = tpu.vector_load %arg9[%swap3A_204, %swap3A_205] {strides = array<i32>} : memref<512x16xf32, #tpu.memory_space<vmem>>, vector<1x16xf32>,
    %swap3A_207 = vector.shape_cast %swap3A_206 : vector<1x16xf32> to vector<16xf32>
    %swap3A_208 = vector.shape_cast %mul3A_203 : vector<16xf32> to vector<1x16xf32>
    tpu.vector_store %arg9[%swap3A_204, %swap3A_205], %swap3A_208 {strides = array<i32>} : memref<512x16xf32, #tpu.memory_space<vmem>>, vector<1x16xf32>,
    %mul3A_209 = arith.constant 16 : i32
    %mul3A_210 = arith.muli %scan3A_65, %mul3A_209 : i32
    %add3A_211 = arith.constant 5 : i32
    %add3A_212 = arith.addi %mul3A_210, %add3A_211 : i32
    %slice3A_213 = vector.extract_strided_slice %get3A_75 {offsets = [5], sizes = [1], strides = [1]} : vector<16xi32> to vector<1xi32>
    %squeeze3A_214 = vector.extract %slice3A_213[0] : i32 from vector<1xi32>
    %get3A_215 = arith.index_cast %squeeze3A_214 : i32 to index
    %get3A_216 = arith.constant 0 : index
    %get3A_217 = tpu.vector_load %arg5[%get3A_215, %get3A_216] {strides = array<i32>} : memref<4096x16xf32, #tpu.memory_space<vmem>>, vector<1x16xf32>,
    %get3A_218 = vector.shape_cast %get3A_217 : vector<1x16xf32> to vector<16xf32>
    %slice3A_219 = vector.extract_strided_slice %get3A_70 {offsets = [5], sizes = [1], strides = [1]} : vector<16xi32> to vector<1xi32>
    %squeeze3A_220 = vector.extract %slice3A_219[0] : i32 from vector<1xi32>
    %get3A_221 = arith.index_cast %squeeze3A_220 : i32 to index
    %get3A_222 = arith.constant 0 : index
    %get3A_223 = tpu.vector_load %arg5[%get3A_221, %get3A_222] {strides = array<i32>} : memref<4096x16xf32, #tpu.memory_space<vmem>>, vector<1x16xf32>,
    %get3A_224 = vector.shape_cast %get3A_223 : vector<1x16xf32> to vector<16xf32>
    %sub3A_225 = arith.subf %get3A_218, %get3A_224 : vector<16xf32>
    %slice3A_226 = vector.extract_strided_slice %get3A_80 {offsets = [5], sizes = [1], strides = [1]} : vector<16xf32> to vector<1xf32>
    %squeeze3A_227 = vector.extract %slice3A_226[0] : f32 from vector<1xf32>
    %mul3A_228 = vector.broadcast %squeeze3A_227 : f32 to vector<16xf32>
    %mul3A_229 = arith.mulf %sub3A_225, %mul3A_228 : vector<16xf32>
    %swap3A_230 = arith.index_cast %add3A_212 : i32 to index
    %swap3A_231 = arith.constant 0 : index
    %swap3A_232 = tpu.vector_load %arg9[%swap3A_230, %swap3A_231] {strides = array<i32>} : memref<512x16xf32, #tpu.memory_space<vmem>>, vector<1x16xf32>,
    %swap3A_233 = vector.shape_cast %swap3A_232 : vector<1x16xf32> to vector<16xf32>
    %swap3A_234 = vector.shape_cast %mul3A_229 : vector<16xf32> to vector<1x16xf32>
    tpu.vector_store %arg9[%swap3A_230, %swap3A_231], %swap3A_234 {strides = array<i32>} : memref<512x16xf32, #tpu.memory_space<vmem>>, vector<1x16xf32>,
    %mul3A_235 = arith.constant 16 : i32
    %mul3A_236 = arith.muli %scan3A_65, %mul3A_235 : i32
    %add3A_237 = arith.constant 6 : i32
    %add3A_238 = arith.addi %mul3A_236, %add3A_237 : i32
    %slice3A_239 = vector.extract_strided_slice %get3A_75 {offsets = [6], sizes = [1], strides = [1]} : vector<16xi32> to vector<1xi32>
    %squeeze3A_240 = vector.extract %slice3A_239[0] : i32 from vector<1xi32>
    %get3A_241 = arith.index_cast %squeeze3A_240 : i32 to index
    %get3A_242 = arith.constant 0 : index
    %get3A_243 = tpu.vector_load %arg5[%get3A_241, %get3A_242] {strides = array<i32>} : memref<4096x16xf32, #tpu.memory_space<vmem>>, vector<1x16xf32>,
    %get3A_244 = vector.shape_cast %get3A_243 : vector<1x16xf32> to vector<16xf32>
    %slice3A_245 = vector.extract_strided_slice %get3A_70 {offsets = [6], sizes = [1], strides = [1]} : vector<16xi32> to vector<1xi32>
    %squeeze3A_246 = vector.extract %slice3A_245[0] : i32 from vector<1xi32>
    %get3A_247 = arith.index_cast %squeeze3A_246 : i32 to index
    %get3A_248 = arith.constant 0 : index
    %get3A_249 = tpu.vector_load %arg5[%get3A_247, %get3A_248] {strides = array<i32>} : memref<4096x16xf32, #tpu.memory_space<vmem>>, vector<1x16xf32>,
    %get3A_250 = vector.shape_cast %get3A_249 : vector<1x16xf32> to vector<16xf32>
    %sub3A_251 = arith.subf %get3A_244, %get3A_250 : vector<16xf32>
    %slice3A_252 = vector.extract_strided_slice %get3A_80 {offsets = [6], sizes = [1], strides = [1]} : vector<16xf32> to vector<1xf32>
    %squeeze3A_253 = vector.extract %slice3A_252[0] : f32 from vector<1xf32>
    %mul3A_254 = vector.broadcast %squeeze3A_253 : f32 to vector<16xf32>
    %mul3A_255 = arith.mulf %sub3A_251, %mul3A_254 : vector<16xf32>
    %swap3A_256 = arith.index_cast %add3A_238 : i32 to index
    %swap3A_257 = arith.constant 0 : index
    %swap3A_258 = tpu.vector_load %arg9[%swap3A_256, %swap3A_257] {strides = array<i32>} : memref<512x16xf32, #tpu.memory_space<vmem>>, vector<1x16xf32>,
    %swap3A_259 = vector.shape_cast %swap3A_258 : vector<1x16xf32> to vector<16xf32>
    %swap3A_260 = vector.shape_cast %mul3A_255 : vector<16xf32> to vector<1x16xf32>
    tpu.vector_store %arg9[%swap3A_256, %swap3A_257], %swap3A_260 {strides = array<i32>} : memref<512x16xf32, #tpu.memory_space<vmem>>, vector<1x16xf32>,
    %mul3A_261 = arith.constant 16 : i32
    %mul3A_262 = arith.muli %scan3A_65, %mul3A_261 : i32
    %add3A_263 = arith.constant 7 : i32
    %add3A_264 = arith.addi %mul3A_262, %add3A_263 : i32
    %slice3A_265 = vector.extract_strided_slice %get3A_75 {offsets = [7], sizes = [1], strides = [1]} : vector<16xi32> to vector<1xi32>
    %squeeze3A_266 = vector.extract %slice3A_265[0] : i32 from vector<1xi32>
    %get3A_267 = arith.index_cast %squeeze3A_266 : i32 to index
    %get3A_268 = arith.constant 0 : index
    %get3A_269 = tpu.vector_load %arg5[%get3A_267, %get3A_268] {strides = array<i32>} : memref<4096x16xf32, #tpu.memory_space<vmem>>, vector<1x16xf32>,
    %get3A_270 = vector.shape_cast %get3A_269 : vector<1x16xf32> to vector<16xf32>
    %slice3A_271 = vector.extract_strided_slice %get3A_70 {offsets = [7], sizes = [1], strides = [1]} : vector<16xi32> to vector<1xi32>
    %squeeze3A_272 = vector.extract %slice3A_271[0] : i32 from vector<1xi32>
    %get3A_273 = arith.index_cast %squeeze3A_272 : i32 to index
    %get3A_274 = arith.constant 0 : index
    %get3A_275 = tpu.vector_load %arg5[%get3A_273, %get3A_274] {strides = array<i32>} : memref<4096x16xf32, #tpu.memory_space<vmem>>, vector<1x16xf32>,
    %get3A_276 = vector.shape_cast %get3A_275 : vector<1x16xf32> to vector<16xf32>
    %sub3A_277 = arith.subf %get3A_270, %get3A_276 : vector<16xf32>
    %slice3A_278 = vector.extract_strided_slice %get3A_80 {offsets = [7], sizes = [1], strides = [1]} : vector<16xf32> to vector<1xf32>
    %squeeze3A_279 = vector.extract %slice3A_278[0] : f32 from vector<1xf32>
    %mul3A_280 = vector.broadcast %squeeze3A_279 : f32 to vector<16xf32>
    %mul3A_281 = arith.mulf %sub3A_277, %mul3A_280 : vector<16xf32>
    %swap3A_282 = arith.index_cast %add3A_264 : i32 to index
    %swap3A_283 = arith.constant 0 : index
    %swap3A_284 = tpu.vector_load %arg9[%swap3A_282, %swap3A_283] {strides = array<i32>} : memref<512x16xf32, #tpu.memory_space<vmem>>, vector<1x16xf32>,
    %swap3A_285 = vector.shape_cast %swap3A_284 : vector<1x16xf32> to vector<16xf32>
    %swap3A_286 = vector.shape_cast %mul3A_281 : vector<16xf32> to vector<1x16xf32>
    tpu.vector_store %arg9[%swap3A_282, %swap3A_283], %swap3A_286 {strides = array<i32>} : memref<512x16xf32, #tpu.memory_space<vmem>>, vector<1x16xf32>,
    %mul3A_287 = arith.constant 16 : i32
    %mul3A_288 = arith.muli %scan3A_65, %mul3A_287 : i32
    %add3A_289 = arith.constant 8 : i32
    %add3A_290 = arith.addi %mul3A_288, %add3A_289 : i32
    %slice3A_291 = vector.extract_strided_slice %get3A_75 {offsets = [8], sizes = [1], strides = [1]} : vector<16xi32> to vector<1xi32>
    %squeeze3A_292 = vector.extract %slice3A_291[0] : i32 from vector<1xi32>
    %get3A_293 = arith.index_cast %squeeze3A_292 : i32 to index
    %get3A_294 = arith.constant 0 : index
    %get3A_295 = tpu.vector_load %arg5[%get3A_293, %get3A_294] {strides = array<i32>} : memref<4096x16xf32, #tpu.memory_space<vmem>>, vector<1x16xf32>,
    %get3A_296 = vector.shape_cast %get3A_295 : vector<1x16xf32> to vector<16xf32>
    %slice3A_297 = vector.extract_strided_slice %get3A_70 {offsets = [8], sizes = [1], strides = [1]} : vector<16xi32> to vector<1xi32>
    %squeeze3A_298 = vector.extract %slice3A_297[0] : i32 from vector<1xi32>
    %get3A_299 = arith.index_cast %squeeze3A_298 : i32 to index
    %get3A_300 = arith.constant 0 : index
    %get3A_301 = tpu.vector_load %arg5[%get3A_299, %get3A_300] {strides = array<i32>} : memref<4096x16xf32, #tpu.memory_space<vmem>>, vector<1x16xf32>,
    %get3A_302 = vector.shape_cast %get3A_301 : vector<1x16xf32> to vector<16xf32>
    %sub3A_303 = arith.subf %get3A_296, %get3A_302 : vector<16xf32>
    %slice3A_304 = vector.extract_strided_slice %get3A_80 {offsets = [8], sizes = [1], strides = [1]} : vector<16xf32> to vector<1xf32>
    %squeeze3A_305 = vector.extract %slice3A_304[0] : f32 from vector<1xf32>
    %mul3A_306 = vector.broadcast %squeeze3A_305 : f32 to vector<16xf32>
    %mul3A_307 = arith.mulf %sub3A_303, %mul3A_306 : vector<16xf32>
    %swap3A_308 = arith.index_cast %add3A_290 : i32 to index
    %swap3A_309 = arith.constant 0 : index
    %swap3A_310 = tpu.vector_load %arg9[%swap3A_308, %swap3A_309] {strides = array<i32>} : memref<512x16xf32, #tpu.memory_space<vmem>>, vector<1x16xf32>,
    %swap3A_311 = vector.shape_cast %swap3A_310 : vector<1x16xf32> to vector<16xf32>
    %swap3A_312 = vector.shape_cast %mul3A_307 : vector<16xf32> to vector<1x16xf32>
    tpu.vector_store %arg9[%swap3A_308, %swap3A_309], %swap3A_312 {strides = array<i32>} : memref<512x16xf32, #tpu.memory_space<vmem>>, vector<1x16xf32>,
    %mul3A_313 = arith.constant 16 : i32
    %mul3A_314 = arith.muli %scan3A_65, %mul3A_313 : i32
    %add3A_315 = arith.constant 9 : i32
    %add3A_316 = arith.addi %mul3A_314, %add3A_315 : i32
    %slice3A_317 = vector.extract_strided_slice %get3A_75 {offsets = [9], sizes = [1], strides = [1]} : vector<16xi32> to vector<1xi32>
    %squeeze3A_318 = vector.extract %slice3A_317[0] : i32 from vector<1xi32>
    %get3A_319 = arith.index_cast %squeeze3A_318 : i32 to index
    %get3A_320 = arith.constant 0 : index
    %get3A_321 = tpu.vector_load %arg5[%get3A_319, %get3A_320] {strides = array<i32>} : memref<4096x16xf32, #tpu.memory_space<vmem>>, vector<1x16xf32>,
    %get3A_322 = vector.shape_cast %get3A_321 : vector<1x16xf32> to vector<16xf32>
    %slice3A_323 = vector.extract_strided_slice %get3A_70 {offsets = [9], sizes = [1], strides = [1]} : vector<16xi32> to vector<1xi32>
    %squeeze3A_324 = vector.extract %slice3A_323[0] : i32 from vector<1xi32>
    %get3A_325 = arith.index_cast %squeeze3A_324 : i32 to index
    %get3A_326 = arith.constant 0 : index
    %get3A_327 = tpu.vector_load %arg5[%get3A_325, %get3A_326] {strides = array<i32>} : memref<4096x16xf32, #tpu.memory_space<vmem>>, vector<1x16xf32>,
    %get3A_328 = vector.shape_cast %get3A_327 : vector<1x16xf32> to vector<16xf32>
    %sub3A_329 = arith.subf %get3A_322, %get3A_328 : vector<16xf32>
    %slice3A_330 = vector.extract_strided_slice %get3A_80 {offsets = [9], sizes = [1], strides = [1]} : vector<16xf32> to vector<1xf32>
    %squeeze3A_331 = vector.extract %slice3A_330[0] : f32 from vector<1xf32>
    %mul3A_332 = vector.broadcast %squeeze3A_331 : f32 to vector<16xf32>
    %mul3A_333 = arith.mulf %sub3A_329, %mul3A_332 : vector<16xf32>
    %swap3A_334 = arith.index_cast %add3A_316 : i32 to index
    %swap3A_335 = arith.constant 0 : index
    %swap3A_336 = tpu.vector_load %arg9[%swap3A_334, %swap3A_335] {strides = array<i32>} : memref<512x16xf32, #tpu.memory_space<vmem>>, vector<1x16xf32>,
    %swap3A_337 = vector.shape_cast %swap3A_336 : vector<1x16xf32> to vector<16xf32>
    %swap3A_338 = vector.shape_cast %mul3A_333 : vector<16xf32> to vector<1x16xf32>
    tpu.vector_store %arg9[%swap3A_334, %swap3A_335], %swap3A_338 {strides = array<i32>} : memref<512x16xf32, #tpu.memory_space<vmem>>, vector<1x16xf32>,
    %mul3A_339 = arith.constant 16 : i32
    %mul3A_340 = arith.muli %scan3A_65, %mul3A_339 : i32
    %add3A_341 = arith.constant 10 : i32
    %add3A_342 = arith.addi %mul3A_340, %add3A_341 : i32
    %slice3A_343 = vector.extract_strided_slice %get3A_75 {offsets = [10], sizes = [1], strides = [1]} : vector<16xi32> to vector<1xi32>
    %squeeze3A_344 = vector.extract %slice3A_343[0] : i32 from vector<1xi32>
    %get3A_345 = arith.index_cast %squeeze3A_344 : i32 to index
    %get3A_346 = arith.constant 0 : index
    %get3A_347 = tpu.vector_load %arg5[%get3A_345, %get3A_346] {strides = array<i32>} : memref<4096x16xf32, #tpu.memory_space<vmem>>, vector<1x16xf32>,
    %get3A_348 = vector.shape_cast %get3A_347 : vector<1x16xf32> to vector<16xf32>
    %slice3A_349 = vector.extract_strided_slice %get3A_70 {offsets = [10], sizes = [1], strides = [1]} : vector<16xi32> to vector<1xi32>
    %squeeze3A_350 = vector.extract %slice3A_349[0] : i32 from vector<1xi32>
    %get3A_351 = arith.index_cast %squeeze3A_350 : i32 to index
    %get3A_352 = arith.constant 0 : index
    %get3A_353 = tpu.vector_load %arg5[%get3A_351, %get3A_352] {strides = array<i32>} : memref<4096x16xf32, #tpu.memory_space<vmem>>, vector<1x16xf32>,
    %get3A_354 = vector.shape_cast %get3A_353 : vector<1x16xf32> to vector<16xf32>
    %sub3A_355 = arith.subf %get3A_348, %get3A_354 : vector<16xf32>
    %slice3A_356 = vector.extract_strided_slice %get3A_80 {offsets = [10], sizes = [1], strides = [1]} : vector<16xf32> to vector<1xf32>
    %squeeze3A_357 = vector.extract %slice3A_356[0] : f32 from vector<1xf32>
    %mul3A_358 = vector.broadcast %squeeze3A_357 : f32 to vector<16xf32>
    %mul3A_359 = arith.mulf %sub3A_355, %mul3A_358 : vector<16xf32>
    %swap3A_360 = arith.index_cast %add3A_342 : i32 to index
    %swap3A_361 = arith.constant 0 : index
    %swap3A_362 = tpu.vector_load %arg9[%swap3A_360, %swap3A_361] {strides = array<i32>} : memref<512x16xf32, #tpu.memory_space<vmem>>, vector<1x16xf32>,
    %swap3A_363 = vector.shape_cast %swap3A_362 : vector<1x16xf32> to vector<16xf32>
    %swap3A_364 = vector.shape_cast %mul3A_359 : vector<16xf32> to vector<1x16xf32>
    tpu.vector_store %arg9[%swap3A_360, %swap3A_361], %swap3A_364 {strides = array<i32>} : memref<512x16xf32, #tpu.memory_space<vmem>>, vector<1x16xf32>,
    %mul3A_365 = arith.constant 16 : i32
    %mul3A_366 = arith.muli %scan3A_65, %mul3A_365 : i32
    %add3A_367 = arith.constant 11 : i32
    %add3A_368 = arith.addi %mul3A_366, %add3A_367 : i32
    %slice3A_369 = vector.extract_strided_slice %get3A_75 {offsets = [11], sizes = [1], strides = [1]} : vector<16xi32> to vector<1xi32>
    %squeeze3A_370 = vector.extract %slice3A_369[0] : i32 from vector<1xi32>
    %get3A_371 = arith.index_cast %squeeze3A_370 : i32 to index
    %get3A_372 = arith.constant 0 : index
    %get3A_373 = tpu.vector_load %arg5[%get3A_371, %get3A_372] {strides = array<i32>} : memref<4096x16xf32, #tpu.memory_space<vmem>>, vector<1x16xf32>,
    %get3A_374 = vector.shape_cast %get3A_373 : vector<1x16xf32> to vector<16xf32>
    %slice3A_375 = vector.extract_strided_slice %get3A_70 {offsets = [11], sizes = [1], strides = [1]} : vector<16xi32> to vector<1xi32>
    %squeeze3A_376 = vector.extract %slice3A_375[0] : i32 from vector<1xi32>
    %get3A_377 = arith.index_cast %squeeze3A_376 : i32 to index
    %get3A_378 = arith.constant 0 : index
    %get3A_379 = tpu.vector_load %arg5[%get3A_377, %get3A_378] {strides = array<i32>} : memref<4096x16xf32, #tpu.memory_space<vmem>>, vector<1x16xf32>,
    %get3A_380 = vector.shape_cast %get3A_379 : vector<1x16xf32> to vector<16xf32>
    %sub3A_381 = arith.subf %get3A_374, %get3A_380 : vector<16xf32>
    %slice3A_382 = vector.extract_strided_slice %get3A_80 {offsets = [11], sizes = [1], strides = [1]} : vector<16xf32> to vector<1xf32>
    %squeeze3A_383 = vector.extract %slice3A_382[0] : f32 from vector<1xf32>
    %mul3A_384 = vector.broadcast %squeeze3A_383 : f32 to vector<16xf32>
    %mul3A_385 = arith.mulf %sub3A_381, %mul3A_384 : vector<16xf32>
    %swap3A_386 = arith.index_cast %add3A_368 : i32 to index
    %swap3A_387 = arith.constant 0 : index
    %swap3A_388 = tpu.vector_load %arg9[%swap3A_386, %swap3A_387] {strides = array<i32>} : memref<512x16xf32, #tpu.memory_space<vmem>>, vector<1x16xf32>,
    %swap3A_389 = vector.shape_cast %swap3A_388 : vector<1x16xf32> to vector<16xf32>
    %swap3A_390 = vector.shape_cast %mul3A_385 : vector<16xf32> to vector<1x16xf32>
    tpu.vector_store %arg9[%swap3A_386, %swap3A_387], %swap3A_390 {strides = array<i32>} : memref<512x16xf32, #tpu.memory_space<vmem>>, vector<1x16xf32>,
    %mul3A_391 = arith.constant 16 : i32
    %mul3A_392 = arith.muli %scan3A_65, %mul3A_391 : i32
    %add3A_393 = arith.constant 12 : i32
    %add3A_394 = arith.addi %mul3A_392, %add3A_393 : i32
    %slice3A_395 = vector.extract_strided_slice %get3A_75 {offsets = [12], sizes = [1], strides = [1]} : vector<16xi32> to vector<1xi32>
    %squeeze3A_396 = vector.extract %slice3A_395[0] : i32 from vector<1xi32>
    %get3A_397 = arith.index_cast %squeeze3A_396 : i32 to index
    %get3A_398 = arith.constant 0 : index
    %get3A_399 = tpu.vector_load %arg5[%get3A_397, %get3A_398] {strides = array<i32>} : memref<4096x16xf32, #tpu.memory_space<vmem>>, vector<1x16xf32>,
    %get3A_400 = vector.shape_cast %get3A_399 : vector<1x16xf32> to vector<16xf32>
    %slice3A_401 = vector.extract_strided_slice %get3A_70 {offsets = [12], sizes = [1], strides = [1]} : vector<16xi32> to vector<1xi32>
    %squeeze3A_402 = vector.extract %slice3A_401[0] : i32 from vector<1xi32>
    %get3A_403 = arith.index_cast %squeeze3A_402 : i32 to index
    %get3A_404 = arith.constant 0 : index
    %get3A_405 = tpu.vector_load %arg5[%get3A_403, %get3A_404] {strides = array<i32>} : memref<4096x16xf32, #tpu.memory_space<vmem>>, vector<1x16xf32>,
    %get3A_406 = vector.shape_cast %get3A_405 : vector<1x16xf32> to vector<16xf32>
    %sub3A_407 = arith.subf %get3A_400, %get3A_406 : vector<16xf32>
    %slice3A_408 = vector.extract_strided_slice %get3A_80 {offsets = [12], sizes = [1], strides = [1]} : vector<16xf32> to vector<1xf32>
    %squeeze3A_409 = vector.extract %slice3A_408[0] : f32 from vector<1xf32>
    %mul3A_410 = vector.broadcast %squeeze3A_409 : f32 to vector<16xf32>
    %mul3A_411 = arith.mulf %sub3A_407, %mul3A_410 : vector<16xf32>
    %swap3A_412 = arith.index_cast %add3A_394 : i32 to index
    %swap3A_413 = arith.constant 0 : index
    %swap3A_414 = tpu.vector_load %arg9[%swap3A_412, %swap3A_413] {strides = array<i32>} : memref<512x16xf32, #tpu.memory_space<vmem>>, vector<1x16xf32>,
    %swap3A_415 = vector.shape_cast %swap3A_414 : vector<1x16xf32> to vector<16xf32>
    %swap3A_416 = vector.shape_cast %mul3A_411 : vector<16xf32> to vector<1x16xf32>
    tpu.vector_store %arg9[%swap3A_412, %swap3A_413], %swap3A_416 {strides = array<i32>} : memref<512x16xf32, #tpu.memory_space<vmem>>, vector<1x16xf32>,
    %mul3A_417 = arith.constant 16 : i32
    %mul3A_418 = arith.muli %scan3A_65, %mul3A_417 : i32
    %add3A_419 = arith.constant 13 : i32
    %add3A_420 = arith.addi %mul3A_418, %add3A_419 : i32
    %slice3A_421 = vector.extract_strided_slice %get3A_75 {offsets = [13], sizes = [1], strides = [1]} : vector<16xi32> to vector<1xi32>
    %squeeze3A_422 = vector.extract %slice3A_421[0] : i32 from vector<1xi32>
    %get3A_423 = arith.index_cast %squeeze3A_422 : i32 to index
    %get3A_424 = arith.constant 0 : index
    %get3A_425 = tpu.vector_load %arg5[%get3A_423, %get3A_424] {strides = array<i32>} : memref<4096x16xf32, #tpu.memory_space<vmem>>, vector<1x16xf32>,
    %get3A_426 = vector.shape_cast %get3A_425 : vector<1x16xf32> to vector<16xf32>
    %slice3A_427 = vector.extract_strided_slice %get3A_70 {offsets = [13], sizes = [1], strides = [1]} : vector<16xi32> to vector<1xi32>
    %squeeze3A_428 = vector.extract %slice3A_427[0] : i32 from vector<1xi32>
    %get3A_429 = arith.index_cast %squeeze3A_428 : i32 to index
    %get3A_430 = arith.constant 0 : index
    %get3A_431 = tpu.vector_load %arg5[%get3A_429, %get3A_430] {strides = array<i32>} : memref<4096x16xf32, #tpu.memory_space<vmem>>, vector<1x16xf32>,
    %get3A_432 = vector.shape_cast %get3A_431 : vector<1x16xf32> to vector<16xf32>
    %sub3A_433 = arith.subf %get3A_426, %get3A_432 : vector<16xf32>
    %slice3A_434 = vector.extract_strided_slice %get3A_80 {offsets = [13], sizes = [1], strides = [1]} : vector<16xf32> to vector<1xf32>
    %squeeze3A_435 = vector.extract %slice3A_434[0] : f32 from vector<1xf32>
    %mul3A_436 = vector.broadcast %squeeze3A_435 : f32 to vector<16xf32>
    %mul3A_437 = arith.mulf %sub3A_433, %mul3A_436 : vector<16xf32>
    %swap3A_438 = arith.index_cast %add3A_420 : i32 to index
    %swap3A_439 = arith.constant 0 : index
    %swap3A_440 = tpu.vector_load %arg9[%swap3A_438, %swap3A_439] {strides = array<i32>} : memref<512x16xf32, #tpu.memory_space<vmem>>, vector<1x16xf32>,
    %swap3A_441 = vector.shape_cast %swap3A_440 : vector<1x16xf32> to vector<16xf32>
    %swap3A_442 = vector.shape_cast %mul3A_437 : vector<16xf32> to vector<1x16xf32>
    tpu.vector_store %arg9[%swap3A_438, %swap3A_439], %swap3A_442 {strides = array<i32>} : memref<512x16xf32, #tpu.memory_space<vmem>>, vector<1x16xf32>,
    %mul3A_443 = arith.constant 16 : i32
    %mul3A_444 = arith.muli %scan3A_65, %mul3A_443 : i32
    %add3A_445 = arith.constant 14 : i32
    %add3A_446 = arith.addi %mul3A_444, %add3A_445 : i32
    %slice3A_447 = vector.extract_strided_slice %get3A_75 {offsets = [14], sizes = [1], strides = [1]} : vector<16xi32> to vector<1xi32>
    %squeeze3A_448 = vector.extract %slice3A_447[0] : i32 from vector<1xi32>
    %get3A_449 = arith.index_cast %squeeze3A_448 : i32 to index
    %get3A_450 = arith.constant 0 : index
    %get3A_451 = tpu.vector_load %arg5[%get3A_449, %get3A_450] {strides = array<i32>} : memref<4096x16xf32, #tpu.memory_space<vmem>>, vector<1x16xf32>,
    %get3A_452 = vector.shape_cast %get3A_451 : vector<1x16xf32> to vector<16xf32>
    %slice3A_453 = vector.extract_strided_slice %get3A_70 {offsets = [14], sizes = [1], strides = [1]} : vector<16xi32> to vector<1xi32>
    %squeeze3A_454 = vector.extract %slice3A_453[0] : i32 from vector<1xi32>
    %get3A_455 = arith.index_cast %squeeze3A_454 : i32 to index
    %get3A_456 = arith.constant 0 : index
    %get3A_457 = tpu.vector_load %arg5[%get3A_455, %get3A_456] {strides = array<i32>} : memref<4096x16xf32, #tpu.memory_space<vmem>>, vector<1x16xf32>,
    %get3A_458 = vector.shape_cast %get3A_457 : vector<1x16xf32> to vector<16xf32>
    %sub3A_459 = arith.subf %get3A_452, %get3A_458 : vector<16xf32>
    %slice3A_460 = vector.extract_strided_slice %get3A_80 {offsets = [14], sizes = [1], strides = [1]} : vector<16xf32> to vector<1xf32>
    %squeeze3A_461 = vector.extract %slice3A_460[0] : f32 from vector<1xf32>
    %mul3A_462 = vector.broadcast %squeeze3A_461 : f32 to vector<16xf32>
    %mul3A_463 = arith.mulf %sub3A_459, %mul3A_462 : vector<16xf32>
    %swap3A_464 = arith.index_cast %add3A_446 : i32 to index
    %swap3A_465 = arith.constant 0 : index
    %swap3A_466 = tpu.vector_load %arg9[%swap3A_464, %swap3A_465] {strides = array<i32>} : memref<512x16xf32, #tpu.memory_space<vmem>>, vector<1x16xf32>,
    %swap3A_467 = vector.shape_cast %swap3A_466 : vector<1x16xf32> to vector<16xf32>
    %swap3A_468 = vector.shape_cast %mul3A_463 : vector<16xf32> to vector<1x16xf32>
    tpu.vector_store %arg9[%swap3A_464, %swap3A_465], %swap3A_468 {strides = array<i32>} : memref<512x16xf32, #tpu.memory_space<vmem>>, vector<1x16xf32>,
    %mul3A_469 = arith.constant 16 : i32
    %mul3A_470 = arith.muli %scan3A_65, %mul3A_469 : i32
    %add3A_471 = arith.constant 15 : i32
    %add3A_472 = arith.addi %mul3A_470, %add3A_471 : i32
    %slice3A_473 = vector.extract_strided_slice %get3A_75 {offsets = [15], sizes = [1], strides = [1]} : vector<16xi32> to vector<1xi32>
    %squeeze3A_474 = vector.extract %slice3A_473[0] : i32 from vector<1xi32>
    %get3A_475 = arith.index_cast %squeeze3A_474 : i32 to index
    %get3A_476 = arith.constant 0 : index
    %get3A_477 = tpu.vector_load %arg5[%get3A_475, %get3A_476] {strides = array<i32>} : memref<4096x16xf32, #tpu.memory_space<vmem>>, vector<1x16xf32>,
    %get3A_478 = vector.shape_cast %get3A_477 : vector<1x16xf32> to vector<16xf32>
    %slice3A_479 = vector.extract_strided_slice %get3A_70 {offsets = [15], sizes = [1], strides = [1]} : vector<16xi32> to vector<1xi32>
    %squeeze3A_480 = vector.extract %slice3A_479[0] : i32 from vector<1xi32>
    %get3A_481 = arith.index_cast %squeeze3A_480 : i32 to index
    %get3A_482 = arith.constant 0 : index
    %get3A_483 = tpu.vector_load %arg5[%get3A_481, %get3A_482] {strides = array<i32>} : memref<4096x16xf32, #tpu.memory_space<vmem>>, vector<1x16xf32>,
    %get3A_484 = vector.shape_cast %get3A_483 : vector<1x16xf32> to vector<16xf32>
    %sub3A_485 = arith.subf %get3A_478, %get3A_484 : vector<16xf32>
    %slice3A_486 = vector.extract_strided_slice %get3A_80 {offsets = [15], sizes = [1], strides = [1]} : vector<16xf32> to vector<1xf32>
    %squeeze3A_487 = vector.extract %slice3A_486[0] : f32 from vector<1xf32>
    %mul3A_488 = vector.broadcast %squeeze3A_487 : f32 to vector<16xf32>
    %mul3A_489 = arith.mulf %sub3A_485, %mul3A_488 : vector<16xf32>
    %swap3A_490 = arith.index_cast %add3A_472 : i32 to index
    %swap3A_491 = arith.constant 0 : index
    %swap3A_492 = tpu.vector_load %arg9[%swap3A_490, %swap3A_491] {strides = array<i32>} : memref<512x16xf32, #tpu.memory_space<vmem>>, vector<1x16xf32>,
    %swap3A_493 = vector.shape_cast %swap3A_492 : vector<1x16xf32> to vector<16xf32>
    %swap3A_494 = vector.shape_cast %mul3A_489 : vector<16xf32> to vector<1x16xf32>
    tpu.vector_store %arg9[%swap3A_490, %swap3A_491], %swap3A_494 {strides = array<i32>} : memref<512x16xf32, #tpu.memory_space<vmem>>, vector<1x16xf32>,
    %scan3A_495 = arith.constant 0 : i32
    %scan3A_496 = arith.constant 1 : i32
    %mul3A_497 = arith.constant 16 : i32
    %mul3A_498 = arith.muli %add3A_46, %mul3A_497 : i32
    "tpu.region"() ({
      %run_scoped3A = tpu.sem_alloc : memref<!tpu.dma_semaphore, #tpu.memory_space<semaphore_mem>>
      %dma_start3A = arith.constant 0 : i32
      %dma_start3A_1882 = tpu.memref_slice %arg4[%select_n3A, %dma_start3A, %mul3A_498] : memref<16x512x128xf32, #tpu.memory_space<hbm>> -> memref<1x512x16xf32, #tpu.memory_space<hbm>>
      %dma_start3A_1883 = tpu.memref_squeeze %dma_start3A_1882 : memref<1x512x16xf32, #tpu.memory_space<hbm>> -> memref<512x16xf32, #tpu.memory_space<hbm>>
      %dma_start3A_1884 = arith.constant 0 : i32
      %dma_start3A_1885 = tpu.memref_slice %arg4[%select_n3A, %dma_start3A_1884, %mul3A_498] : memref<16x512x128xf32, #tpu.memory_space<hbm>> -> memref<1x512x16xf32, #tpu.memory_space<hbm>>
      %dma_start3A_1886 = tpu.memref_squeeze %dma_start3A_1885 : memref<1x512x16xf32, #tpu.memory_space<hbm>> -> memref<512x16xf32, #tpu.memory_space<hbm>>
      tpu.enqueue_dma source(%arg9 : memref<512x16xf32, #tpu.memory_space<vmem>>) target(%dma_start3A_1886 : memref<512x16xf32, #tpu.memory_space<hbm>>) target_semaphore(%run_scoped3A : memref<!tpu.dma_semaphore, #tpu.memory_space<semaphore_mem>>)
      %dma_wait3A = arith.constant 0 : i32
      %dma_wait3A_1887 = tpu.memref_slice %arg4[%select_n3A, %dma_wait3A, %mul3A_498] : memref<16x512x128xf32, #tpu.memory_space<hbm>> -> memref<1x512x16xf32, #tpu.memory_space<hbm>>
      %dma_wait3A_1888 = tpu.memref_squeeze %dma_wait3A_1887 : memref<1x512x16xf32, #tpu.memory_space<hbm>> -> memref<512x16xf32, #tpu.memory_space<hbm>>
      %dma_wait3A_1889 = arith.constant 0 : i32
      %dma_wait3A_1890 = tpu.memref_slice %arg4[%select_n3A, %dma_wait3A_1889, %mul3A_498] : memref<16x512x128xf32, #tpu.memory_space<hbm>> -> memref<1x512x16xf32, #tpu.memory_space<hbm>>
      %dma_wait3A_1891 = tpu.memref_squeeze %dma_wait3A_1890 : memref<1x512x16xf32, #tpu.memory_space<hbm>> -> memref<512x16xf32, #tpu.memory_space<hbm>>
      tpu.wait_dma2 semaphore(%run_scoped3A : memref<!tpu.dma_semaphore, #tpu.memory_space<semaphore_mem>>) src(%arg9 : memref<512x16xf32, #tpu.memory_space<vmem>>) dst(%dma_wait3A_1891 : memref<512x16xf32, #tpu.memory_space<hbm>>)
      tpu.yield
    }) : () -> ()
    %mul3A_499 = arith.constant 4 : i32
    %mul3A_500 = arith.muli %select_n3A_30, %mul3A_499 : i32
    %add3A_501 = arith.constant 1 : i32
    %add3A_502 = arith.addi %mul3A_500, %add3A_501 : i32
    %mul3A_503 = arith.constant 16 : i32
    %mul3A_504 = arith.muli %add3A_502, %mul3A_503 : i32
    "tpu.region"() ({
      %run_scoped3A = tpu.sem_alloc : memref<!tpu.dma_semaphore, #tpu.memory_space<semaphore_mem>>
      %dma_start3A = arith.constant 0 : i32
      %dma_start3A_1882 = tpu.memref_slice %arg2[%select_n3A, %dma_start3A, %mul3A_504] : memref<16x4096x128xf32, #tpu.memory_space<hbm>> -> memref<1x4096x16xf32, #tpu.memory_space<hbm>>
      %dma_start3A_1883 = tpu.memref_squeeze %dma_start3A_1882 : memref<1x4096x16xf32, #tpu.memory_space<hbm>> -> memref<4096x16xf32, #tpu.memory_space<hbm>>
      %dma_start3A_1884 = arith.constant 0 : i32
      %dma_start3A_1885 = tpu.memref_slice %arg2[%select_n3A, %dma_start3A_1884, %mul3A_504] : memref<16x4096x128xf32, #tpu.memory_space<hbm>> -> memref<1x4096x16xf32, #tpu.memory_space<hbm>>
      %dma_start3A_1886 = tpu.memref_squeeze %dma_start3A_1885 : memref<1x4096x16xf32, #tpu.memory_space<hbm>> -> memref<4096x16xf32, #tpu.memory_space<hbm>>
      tpu.enqueue_dma source(%dma_start3A_1886 : memref<4096x16xf32, #tpu.memory_space<hbm>>) target(%arg5 : memref<4096x16xf32, #tpu.memory_space<vmem>>) target_semaphore(%run_scoped3A : memref<!tpu.dma_semaphore, #tpu.memory_space<semaphore_mem>>)
      %dma_wait3A = arith.constant 0 : i32
      %dma_wait3A_1887 = tpu.memref_slice %arg2[%select_n3A, %dma_wait3A, %mul3A_504] : memref<16x4096x128xf32, #tpu.memory_space<hbm>> -> memref<1x4096x16xf32, #tpu.memory_space<hbm>>
      %dma_wait3A_1888 = tpu.memref_squeeze %dma_wait3A_1887 : memref<1x4096x16xf32, #tpu.memory_space<hbm>> -> memref<4096x16xf32, #tpu.memory_space<hbm>>
      %dma_wait3A_1889 = arith.constant 0 : i32
      %dma_wait3A_1890 = tpu.memref_slice %arg2[%select_n3A, %dma_wait3A_1889, %mul3A_504] : memref<16x4096x128xf32, #tpu.memory_space<hbm>> -> memref<1x4096x16xf32, #tpu.memory_space<hbm>>
      %dma_wait3A_1891 = tpu.memref_squeeze %dma_wait3A_1890 : memref<1x4096x16xf32, #tpu.memory_space<hbm>> -> memref<4096x16xf32, #tpu.memory_space<hbm>>
      tpu.wait_dma2 semaphore(%run_scoped3A : memref<!tpu.dma_semaphore, #tpu.memory_space<semaphore_mem>>) src(%dma_wait3A_1891 : memref<4096x16xf32, #tpu.memory_space<hbm>>) dst(%arg5 : memref<4096x16xf32, #tpu.memory_space<vmem>>)
      tpu.yield
    }) : () -> ()
    %broadcast_in_dim3A_505 = arith.constant 0.000000e+00 : f32
    %broadcast_in_dim3A_506 = vector.broadcast %broadcast_in_dim3A_505 : f32 to vector<16xf32>
    %scan3A_507 = arith.constant 0 : i32
    %scan3A_508 = arith.constant 0 : i32
    %scan3A_509 = arith.addi %scan3A_507, %scan3A_508 : i32
    %scan3A_510 = arith.constant 0 : i32
    %scan3A_511 = arith.addi %scan3A_507, %scan3A_510 : i32
    %get3A_512 = arith.index_cast %scan3A_511 : i32 to index
    %get3A_513 = arith.constant 0 : index
    %get3A_514 = tpu.vector_load %arg5[%get3A_512, %get3A_513] {strides = array<i32>} : memref<4096x16xf32, #tpu.memory_space<vmem>>, vector<1x16xf32>,
    %get3A_515 = vector.shape_cast %get3A_514 : vector<1x16xf32> to vector<16xf32>
    %add3A_516 = arith.addf %broadcast_in_dim3A_506, %get3A_515 : vector<16xf32>
    %swap3A_517 = arith.index_cast %scan3A_511 : i32 to index
    %swap3A_518 = arith.constant 0 : index
    %swap3A_519 = tpu.vector_load %arg5[%swap3A_517, %swap3A_518] {strides = array<i32>} : memref<4096x16xf32, #tpu.memory_space<vmem>>, vector<1x16xf32>,
    %swap3A_520 = vector.shape_cast %swap3A_519 : vector<1x16xf32> to vector<16xf32>
    %swap3A_521 = vector.shape_cast %add3A_516 : vector<16xf32> to vector<1x16xf32>
    tpu.vector_store %arg5[%swap3A_517, %swap3A_518], %swap3A_521 {strides = array<i32>} : memref<4096x16xf32, #tpu.memory_space<vmem>>, vector<1x16xf32>,
    %scan3A_522 = arith.constant 1 : i32
    %scan3A_523 = arith.constant 0 : i32
    %scan3A_524 = arith.constant 0 : i32
    %mul3A_525 = arith.constant 16 : i32
    %mul3A_526 = arith.muli %scan3A_524, %mul3A_525 : i32
    %get3A_527 = arith.index_cast %mul3A_526 : i32 to index
    %get3A_528 = tpu.vector_load %arg6[%get3A_527] {strides = array<i32>} : memref<512xi32, #tpu.memory_space<vmem>>, vector<16xi32>,
    %get3A_529 = vector.shape_cast %get3A_528 : vector<16xi32> to vector<16xi32>
    %mul3A_530 = arith.constant 16 : i32
    %mul3A_531 = arith.muli %scan3A_524, %mul3A_530 : i32
    %get3A_532 = arith.index_cast %mul3A_531 : i32 to index
    %get3A_533 = tpu.vector_load %arg7[%get3A_532] {strides = array<i32>} : memref<512xi32, #tpu.memory_space<vmem>>, vector<16xi32>,
    %get3A_534 = vector.shape_cast %get3A_533 : vector<16xi32> to vector<16xi32>
    %mul3A_535 = arith.constant 16 : i32
    %mul3A_536 = arith.muli %scan3A_524, %mul3A_535 : i32
    %get3A_537 = arith.index_cast %mul3A_536 : i32 to index
    %get3A_538 = tpu.vector_load %arg8[%get3A_537] {strides = array<i32>} : memref<512xf32, #tpu.memory_space<vmem>>, vector<16xf32>,
    %get3A_539 = vector.shape_cast %get3A_538 : vector<16xf32> to vector<16xf32>
    %mul3A_540 = arith.constant 16 : i32
    %mul3A_541 = arith.muli %scan3A_524, %mul3A_540 : i32
    %add3A_542 = arith.constant 0 : i32
    %add3A_543 = arith.addi %mul3A_541, %add3A_542 : i32
    %slice3A_544 = vector.extract_strided_slice %get3A_534 {offsets = [0], sizes = [1], strides = [1]} : vector<16xi32> to vector<1xi32>
    %squeeze3A_545 = vector.extract %slice3A_544[0] : i32 from vector<1xi32>
    %get3A_546 = arith.index_cast %squeeze3A_545 : i32 to index
    %get3A_547 = arith.constant 0 : index
    %get3A_548 = tpu.vector_load %arg5[%get3A_546, %get3A_547] {strides = array<i32>} : memref<4096x16xf32, #tpu.memory_space<vmem>>, vector<1x16xf32>,
    %get3A_549 = vector.shape_cast %get3A_548 : vector<1x16xf32> to vector<16xf32>
    %slice3A_550 = vector.extract_strided_slice %get3A_529 {offsets = [0], sizes = [1], strides = [1]} : vector<16xi32> to vector<1xi32>
    %squeeze3A_551 = vector.extract %slice3A_550[0] : i32 from vector<1xi32>
    %get3A_552 = arith.index_cast %squeeze3A_551 : i32 to index
    %get3A_553 = arith.constant 0 : index
    %get3A_554 = tpu.vector_load %arg5[%get3A_552, %get3A_553] {strides = array<i32>} : memref<4096x16xf32, #tpu.memory_space<vmem>>, vector<1x16xf32>,
    %get3A_555 = vector.shape_cast %get3A_554 : vector<1x16xf32> to vector<16xf32>
    %sub3A_556 = arith.subf %get3A_549, %get3A_555 : vector<16xf32>
    %slice3A_557 = vector.extract_strided_slice %get3A_539 {offsets = [0], sizes = [1], strides = [1]} : vector<16xf32> to vector<1xf32>
    %squeeze3A_558 = vector.extract %slice3A_557[0] : f32 from vector<1xf32>
    %mul3A_559 = vector.broadcast %squeeze3A_558 : f32 to vector<16xf32>
    %mul3A_560 = arith.mulf %sub3A_556, %mul3A_559 : vector<16xf32>
    %swap3A_561 = arith.index_cast %add3A_543 : i32 to index
    %swap3A_562 = arith.constant 0 : index
    %swap3A_563 = tpu.vector_load %arg9[%swap3A_561, %swap3A_562] {strides = array<i32>} : memref<512x16xf32, #tpu.memory_space<vmem>>, vector<1x16xf32>,
    %swap3A_564 = vector.shape_cast %swap3A_563 : vector<1x16xf32> to vector<16xf32>
    %swap3A_565 = vector.shape_cast %mul3A_560 : vector<16xf32> to vector<1x16xf32>
    tpu.vector_store %arg9[%swap3A_561, %swap3A_562], %swap3A_565 {strides = array<i32>} : memref<512x16xf32, #tpu.memory_space<vmem>>, vector<1x16xf32>,
    %mul3A_566 = arith.constant 16 : i32
    %mul3A_567 = arith.muli %scan3A_524, %mul3A_566 : i32
    %add3A_568 = arith.constant 1 : i32
    %add3A_569 = arith.addi %mul3A_567, %add3A_568 : i32
    %slice3A_570 = vector.extract_strided_slice %get3A_534 {offsets = [1], sizes = [1], strides = [1]} : vector<16xi32> to vector<1xi32>
    %squeeze3A_571 = vector.extract %slice3A_570[0] : i32 from vector<1xi32>
    %get3A_572 = arith.index_cast %squeeze3A_571 : i32 to index
    %get3A_573 = arith.constant 0 : index
    %get3A_574 = tpu.vector_load %arg5[%get3A_572, %get3A_573] {strides = array<i32>} : memref<4096x16xf32, #tpu.memory_space<vmem>>, vector<1x16xf32>,
    %get3A_575 = vector.shape_cast %get3A_574 : vector<1x16xf32> to vector<16xf32>
    %slice3A_576 = vector.extract_strided_slice %get3A_529 {offsets = [1], sizes = [1], strides = [1]} : vector<16xi32> to vector<1xi32>
    %squeeze3A_577 = vector.extract %slice3A_576[0] : i32 from vector<1xi32>
    %get3A_578 = arith.index_cast %squeeze3A_577 : i32 to index
    %get3A_579 = arith.constant 0 : index
    %get3A_580 = tpu.vector_load %arg5[%get3A_578, %get3A_579] {strides = array<i32>} : memref<4096x16xf32, #tpu.memory_space<vmem>>, vector<1x16xf32>,
    %get3A_581 = vector.shape_cast %get3A_580 : vector<1x16xf32> to vector<16xf32>
    %sub3A_582 = arith.subf %get3A_575, %get3A_581 : vector<16xf32>
    %slice3A_583 = vector.extract_strided_slice %get3A_539 {offsets = [1], sizes = [1], strides = [1]} : vector<16xf32> to vector<1xf32>
    %squeeze3A_584 = vector.extract %slice3A_583[0] : f32 from vector<1xf32>
    %mul3A_585 = vector.broadcast %squeeze3A_584 : f32 to vector<16xf32>
    %mul3A_586 = arith.mulf %sub3A_582, %mul3A_585 : vector<16xf32>
    %swap3A_587 = arith.index_cast %add3A_569 : i32 to index
    %swap3A_588 = arith.constant 0 : index
    %swap3A_589 = tpu.vector_load %arg9[%swap3A_587, %swap3A_588] {strides = array<i32>} : memref<512x16xf32, #tpu.memory_space<vmem>>, vector<1x16xf32>,
    %swap3A_590 = vector.shape_cast %swap3A_589 : vector<1x16xf32> to vector<16xf32>
    %swap3A_591 = vector.shape_cast %mul3A_586 : vector<16xf32> to vector<1x16xf32>
    tpu.vector_store %arg9[%swap3A_587, %swap3A_588], %swap3A_591 {strides = array<i32>} : memref<512x16xf32, #tpu.memory_space<vmem>>, vector<1x16xf32>,
    %mul3A_592 = arith.constant 16 : i32
    %mul3A_593 = arith.muli %scan3A_524, %mul3A_592 : i32
    %add3A_594 = arith.constant 2 : i32
    %add3A_595 = arith.addi %mul3A_593, %add3A_594 : i32
    %slice3A_596 = vector.extract_strided_slice %get3A_534 {offsets = [2], sizes = [1], strides = [1]} : vector<16xi32> to vector<1xi32>
    %squeeze3A_597 = vector.extract %slice3A_596[0] : i32 from vector<1xi32>
    %get3A_598 = arith.index_cast %squeeze3A_597 : i32 to index
    %get3A_599 = arith.constant 0 : index
    %get3A_600 = tpu.vector_load %arg5[%get3A_598, %get3A_599] {strides = array<i32>} : memref<4096x16xf32, #tpu.memory_space<vmem>>, vector<1x16xf32>,
    %get3A_601 = vector.shape_cast %get3A_600 : vector<1x16xf32> to vector<16xf32>
    %slice3A_602 = vector.extract_strided_slice %get3A_529 {offsets = [2], sizes = [1], strides = [1]} : vector<16xi32> to vector<1xi32>
    %squeeze3A_603 = vector.extract %slice3A_602[0] : i32 from vector<1xi32>
    %get3A_604 = arith.index_cast %squeeze3A_603 : i32 to index
    %get3A_605 = arith.constant 0 : index
    %get3A_606 = tpu.vector_load %arg5[%get3A_604, %get3A_605] {strides = array<i32>} : memref<4096x16xf32, #tpu.memory_space<vmem>>, vector<1x16xf32>,
    %get3A_607 = vector.shape_cast %get3A_606 : vector<1x16xf32> to vector<16xf32>
    %sub3A_608 = arith.subf %get3A_601, %get3A_607 : vector<16xf32>
    %slice3A_609 = vector.extract_strided_slice %get3A_539 {offsets = [2], sizes = [1], strides = [1]} : vector<16xf32> to vector<1xf32>
    %squeeze3A_610 = vector.extract %slice3A_609[0] : f32 from vector<1xf32>
    %mul3A_611 = vector.broadcast %squeeze3A_610 : f32 to vector<16xf32>
    %mul3A_612 = arith.mulf %sub3A_608, %mul3A_611 : vector<16xf32>
    %swap3A_613 = arith.index_cast %add3A_595 : i32 to index
    %swap3A_614 = arith.constant 0 : index
    %swap3A_615 = tpu.vector_load %arg9[%swap3A_613, %swap3A_614] {strides = array<i32>} : memref<512x16xf32, #tpu.memory_space<vmem>>, vector<1x16xf32>,
    %swap3A_616 = vector.shape_cast %swap3A_615 : vector<1x16xf32> to vector<16xf32>
    %swap3A_617 = vector.shape_cast %mul3A_612 : vector<16xf32> to vector<1x16xf32>
    tpu.vector_store %arg9[%swap3A_613, %swap3A_614], %swap3A_617 {strides = array<i32>} : memref<512x16xf32, #tpu.memory_space<vmem>>, vector<1x16xf32>,
    %mul3A_618 = arith.constant 16 : i32
    %mul3A_619 = arith.muli %scan3A_524, %mul3A_618 : i32
    %add3A_620 = arith.constant 3 : i32
    %add3A_621 = arith.addi %mul3A_619, %add3A_620 : i32
    %slice3A_622 = vector.extract_strided_slice %get3A_534 {offsets = [3], sizes = [1], strides = [1]} : vector<16xi32> to vector<1xi32>
    %squeeze3A_623 = vector.extract %slice3A_622[0] : i32 from vector<1xi32>
    %get3A_624 = arith.index_cast %squeeze3A_623 : i32 to index
    %get3A_625 = arith.constant 0 : index
    %get3A_626 = tpu.vector_load %arg5[%get3A_624, %get3A_625] {strides = array<i32>} : memref<4096x16xf32, #tpu.memory_space<vmem>>, vector<1x16xf32>,
    %get3A_627 = vector.shape_cast %get3A_626 : vector<1x16xf32> to vector<16xf32>
    %slice3A_628 = vector.extract_strided_slice %get3A_529 {offsets = [3], sizes = [1], strides = [1]} : vector<16xi32> to vector<1xi32>
    %squeeze3A_629 = vector.extract %slice3A_628[0] : i32 from vector<1xi32>
    %get3A_630 = arith.index_cast %squeeze3A_629 : i32 to index
    %get3A_631 = arith.constant 0 : index
    %get3A_632 = tpu.vector_load %arg5[%get3A_630, %get3A_631] {strides = array<i32>} : memref<4096x16xf32, #tpu.memory_space<vmem>>, vector<1x16xf32>,
    %get3A_633 = vector.shape_cast %get3A_632 : vector<1x16xf32> to vector<16xf32>
    %sub3A_634 = arith.subf %get3A_627, %get3A_633 : vector<16xf32>
    %slice3A_635 = vector.extract_strided_slice %get3A_539 {offsets = [3], sizes = [1], strides = [1]} : vector<16xf32> to vector<1xf32>
    %squeeze3A_636 = vector.extract %slice3A_635[0] : f32 from vector<1xf32>
    %mul3A_637 = vector.broadcast %squeeze3A_636 : f32 to vector<16xf32>
    %mul3A_638 = arith.mulf %sub3A_634, %mul3A_637 : vector<16xf32>
    %swap3A_639 = arith.index_cast %add3A_621 : i32 to index
    %swap3A_640 = arith.constant 0 : index
    %swap3A_641 = tpu.vector_load %arg9[%swap3A_639, %swap3A_640] {strides = array<i32>} : memref<512x16xf32, #tpu.memory_space<vmem>>, vector<1x16xf32>,
    %swap3A_642 = vector.shape_cast %swap3A_641 : vector<1x16xf32> to vector<16xf32>
    %swap3A_643 = vector.shape_cast %mul3A_638 : vector<16xf32> to vector<1x16xf32>
    tpu.vector_store %arg9[%swap3A_639, %swap3A_640], %swap3A_643 {strides = array<i32>} : memref<512x16xf32, #tpu.memory_space<vmem>>, vector<1x16xf32>,
    %mul3A_644 = arith.constant 16 : i32
    %mul3A_645 = arith.muli %scan3A_524, %mul3A_644 : i32
    %add3A_646 = arith.constant 4 : i32
    %add3A_647 = arith.addi %mul3A_645, %add3A_646 : i32
    %slice3A_648 = vector.extract_strided_slice %get3A_534 {offsets = [4], sizes = [1], strides = [1]} : vector<16xi32> to vector<1xi32>
    %squeeze3A_649 = vector.extract %slice3A_648[0] : i32 from vector<1xi32>
    %get3A_650 = arith.index_cast %squeeze3A_649 : i32 to index
    %get3A_651 = arith.constant 0 : index
    %get3A_652 = tpu.vector_load %arg5[%get3A_650, %get3A_651] {strides = array<i32>} : memref<4096x16xf32, #tpu.memory_space<vmem>>, vector<1x16xf32>,
    %get3A_653 = vector.shape_cast %get3A_652 : vector<1x16xf32> to vector<16xf32>
    %slice3A_654 = vector.extract_strided_slice %get3A_529 {offsets = [4], sizes = [1], strides = [1]} : vector<16xi32> to vector<1xi32>
    %squeeze3A_655 = vector.extract %slice3A_654[0] : i32 from vector<1xi32>
    %get3A_656 = arith.index_cast %squeeze3A_655 : i32 to index
    %get3A_657 = arith.constant 0 : index
    %get3A_658 = tpu.vector_load %arg5[%get3A_656, %get3A_657] {strides = array<i32>} : memref<4096x16xf32, #tpu.memory_space<vmem>>, vector<1x16xf32>,
    %get3A_659 = vector.shape_cast %get3A_658 : vector<1x16xf32> to vector<16xf32>
    %sub3A_660 = arith.subf %get3A_653, %get3A_659 : vector<16xf32>
    %slice3A_661 = vector.extract_strided_slice %get3A_539 {offsets = [4], sizes = [1], strides = [1]} : vector<16xf32> to vector<1xf32>
    %squeeze3A_662 = vector.extract %slice3A_661[0] : f32 from vector<1xf32>
    %mul3A_663 = vector.broadcast %squeeze3A_662 : f32 to vector<16xf32>
    %mul3A_664 = arith.mulf %sub3A_660, %mul3A_663 : vector<16xf32>
    %swap3A_665 = arith.index_cast %add3A_647 : i32 to index
    %swap3A_666 = arith.constant 0 : index
    %swap3A_667 = tpu.vector_load %arg9[%swap3A_665, %swap3A_666] {strides = array<i32>} : memref<512x16xf32, #tpu.memory_space<vmem>>, vector<1x16xf32>,
    %swap3A_668 = vector.shape_cast %swap3A_667 : vector<1x16xf32> to vector<16xf32>
    %swap3A_669 = vector.shape_cast %mul3A_664 : vector<16xf32> to vector<1x16xf32>
    tpu.vector_store %arg9[%swap3A_665, %swap3A_666], %swap3A_669 {strides = array<i32>} : memref<512x16xf32, #tpu.memory_space<vmem>>, vector<1x16xf32>,
    %mul3A_670 = arith.constant 16 : i32
    %mul3A_671 = arith.muli %scan3A_524, %mul3A_670 : i32
    %add3A_672 = arith.constant 5 : i32
    %add3A_673 = arith.addi %mul3A_671, %add3A_672 : i32
    %slice3A_674 = vector.extract_strided_slice %get3A_534 {offsets = [5], sizes = [1], strides = [1]} : vector<16xi32> to vector<1xi32>
    %squeeze3A_675 = vector.extract %slice3A_674[0] : i32 from vector<1xi32>
    %get3A_676 = arith.index_cast %squeeze3A_675 : i32 to index
    %get3A_677 = arith.constant 0 : index
    %get3A_678 = tpu.vector_load %arg5[%get3A_676, %get3A_677] {strides = array<i32>} : memref<4096x16xf32, #tpu.memory_space<vmem>>, vector<1x16xf32>,
    %get3A_679 = vector.shape_cast %get3A_678 : vector<1x16xf32> to vector<16xf32>
    %slice3A_680 = vector.extract_strided_slice %get3A_529 {offsets = [5], sizes = [1], strides = [1]} : vector<16xi32> to vector<1xi32>
    %squeeze3A_681 = vector.extract %slice3A_680[0] : i32 from vector<1xi32>
    %get3A_682 = arith.index_cast %squeeze3A_681 : i32 to index
    %get3A_683 = arith.constant 0 : index
    %get3A_684 = tpu.vector_load %arg5[%get3A_682, %get3A_683] {strides = array<i32>} : memref<4096x16xf32, #tpu.memory_space<vmem>>, vector<1x16xf32>,
    %get3A_685 = vector.shape_cast %get3A_684 : vector<1x16xf32> to vector<16xf32>
    %sub3A_686 = arith.subf %get3A_679, %get3A_685 : vector<16xf32>
    %slice3A_687 = vector.extract_strided_slice %get3A_539 {offsets = [5], sizes = [1], strides = [1]} : vector<16xf32> to vector<1xf32>
    %squeeze3A_688 = vector.extract %slice3A_687[0] : f32 from vector<1xf32>
    %mul3A_689 = vector.broadcast %squeeze3A_688 : f32 to vector<16xf32>
    %mul3A_690 = arith.mulf %sub3A_686, %mul3A_689 : vector<16xf32>
    %swap3A_691 = arith.index_cast %add3A_673 : i32 to index
    %swap3A_692 = arith.constant 0 : index
    %swap3A_693 = tpu.vector_load %arg9[%swap3A_691, %swap3A_692] {strides = array<i32>} : memref<512x16xf32, #tpu.memory_space<vmem>>, vector<1x16xf32>,
    %swap3A_694 = vector.shape_cast %swap3A_693 : vector<1x16xf32> to vector<16xf32>
    %swap3A_695 = vector.shape_cast %mul3A_690 : vector<16xf32> to vector<1x16xf32>
    tpu.vector_store %arg9[%swap3A_691, %swap3A_692], %swap3A_695 {strides = array<i32>} : memref<512x16xf32, #tpu.memory_space<vmem>>, vector<1x16xf32>,
    %mul3A_696 = arith.constant 16 : i32
    %mul3A_697 = arith.muli %scan3A_524, %mul3A_696 : i32
    %add3A_698 = arith.constant 6 : i32
    %add3A_699 = arith.addi %mul3A_697, %add3A_698 : i32
    %slice3A_700 = vector.extract_strided_slice %get3A_534 {offsets = [6], sizes = [1], strides = [1]} : vector<16xi32> to vector<1xi32>
    %squeeze3A_701 = vector.extract %slice3A_700[0] : i32 from vector<1xi32>
    %get3A_702 = arith.index_cast %squeeze3A_701 : i32 to index
    %get3A_703 = arith.constant 0 : index
    %get3A_704 = tpu.vector_load %arg5[%get3A_702, %get3A_703] {strides = array<i32>} : memref<4096x16xf32, #tpu.memory_space<vmem>>, vector<1x16xf32>,
    %get3A_705 = vector.shape_cast %get3A_704 : vector<1x16xf32> to vector<16xf32>
    %slice3A_706 = vector.extract_strided_slice %get3A_529 {offsets = [6], sizes = [1], strides = [1]} : vector<16xi32> to vector<1xi32>
    %squeeze3A_707 = vector.extract %slice3A_706[0] : i32 from vector<1xi32>
    %get3A_708 = arith.index_cast %squeeze3A_707 : i32 to index
    %get3A_709 = arith.constant 0 : index
    %get3A_710 = tpu.vector_load %arg5[%get3A_708, %get3A_709] {strides = array<i32>} : memref<4096x16xf32, #tpu.memory_space<vmem>>, vector<1x16xf32>,
    %get3A_711 = vector.shape_cast %get3A_710 : vector<1x16xf32> to vector<16xf32>
    %sub3A_712 = arith.subf %get3A_705, %get3A_711 : vector<16xf32>
    %slice3A_713 = vector.extract_strided_slice %get3A_539 {offsets = [6], sizes = [1], strides = [1]} : vector<16xf32> to vector<1xf32>
    %squeeze3A_714 = vector.extract %slice3A_713[0] : f32 from vector<1xf32>
    %mul3A_715 = vector.broadcast %squeeze3A_714 : f32 to vector<16xf32>
    %mul3A_716 = arith.mulf %sub3A_712, %mul3A_715 : vector<16xf32>
    %swap3A_717 = arith.index_cast %add3A_699 : i32 to index
    %swap3A_718 = arith.constant 0 : index
    %swap3A_719 = tpu.vector_load %arg9[%swap3A_717, %swap3A_718] {strides = array<i32>} : memref<512x16xf32, #tpu.memory_space<vmem>>, vector<1x16xf32>,
    %swap3A_720 = vector.shape_cast %swap3A_719 : vector<1x16xf32> to vector<16xf32>
    %swap3A_721 = vector.shape_cast %mul3A_716 : vector<16xf32> to vector<1x16xf32>
    tpu.vector_store %arg9[%swap3A_717, %swap3A_718], %swap3A_721 {strides = array<i32>} : memref<512x16xf32, #tpu.memory_space<vmem>>, vector<1x16xf32>,
    %mul3A_722 = arith.constant 16 : i32
    %mul3A_723 = arith.muli %scan3A_524, %mul3A_722 : i32
    %add3A_724 = arith.constant 7 : i32
    %add3A_725 = arith.addi %mul3A_723, %add3A_724 : i32
    %slice3A_726 = vector.extract_strided_slice %get3A_534 {offsets = [7], sizes = [1], strides = [1]} : vector<16xi32> to vector<1xi32>
    %squeeze3A_727 = vector.extract %slice3A_726[0] : i32 from vector<1xi32>
    %get3A_728 = arith.index_cast %squeeze3A_727 : i32 to index
    %get3A_729 = arith.constant 0 : index
    %get3A_730 = tpu.vector_load %arg5[%get3A_728, %get3A_729] {strides = array<i32>} : memref<4096x16xf32, #tpu.memory_space<vmem>>, vector<1x16xf32>,
    %get3A_731 = vector.shape_cast %get3A_730 : vector<1x16xf32> to vector<16xf32>
    %slice3A_732 = vector.extract_strided_slice %get3A_529 {offsets = [7], sizes = [1], strides = [1]} : vector<16xi32> to vector<1xi32>
    %squeeze3A_733 = vector.extract %slice3A_732[0] : i32 from vector<1xi32>
    %get3A_734 = arith.index_cast %squeeze3A_733 : i32 to index
    %get3A_735 = arith.constant 0 : index
    %get3A_736 = tpu.vector_load %arg5[%get3A_734, %get3A_735] {strides = array<i32>} : memref<4096x16xf32, #tpu.memory_space<vmem>>, vector<1x16xf32>,
    %get3A_737 = vector.shape_cast %get3A_736 : vector<1x16xf32> to vector<16xf32>
    %sub3A_738 = arith.subf %get3A_731, %get3A_737 : vector<16xf32>
    %slice3A_739 = vector.extract_strided_slice %get3A_539 {offsets = [7], sizes = [1], strides = [1]} : vector<16xf32> to vector<1xf32>
    %squeeze3A_740 = vector.extract %slice3A_739[0] : f32 from vector<1xf32>
    %mul3A_741 = vector.broadcast %squeeze3A_740 : f32 to vector<16xf32>
    %mul3A_742 = arith.mulf %sub3A_738, %mul3A_741 : vector<16xf32>
    %swap3A_743 = arith.index_cast %add3A_725 : i32 to index
    %swap3A_744 = arith.constant 0 : index
    %swap3A_745 = tpu.vector_load %arg9[%swap3A_743, %swap3A_744] {strides = array<i32>} : memref<512x16xf32, #tpu.memory_space<vmem>>, vector<1x16xf32>,
    %swap3A_746 = vector.shape_cast %swap3A_745 : vector<1x16xf32> to vector<16xf32>
    %swap3A_747 = vector.shape_cast %mul3A_742 : vector<16xf32> to vector<1x16xf32>
    tpu.vector_store %arg9[%swap3A_743, %swap3A_744], %swap3A_747 {strides = array<i32>} : memref<512x16xf32, #tpu.memory_space<vmem>>, vector<1x16xf32>,
    %mul3A_748 = arith.constant 16 : i32
    %mul3A_749 = arith.muli %scan3A_524, %mul3A_748 : i32
    %add3A_750 = arith.constant 8 : i32
    %add3A_751 = arith.addi %mul3A_749, %add3A_750 : i32
    %slice3A_752 = vector.extract_strided_slice %get3A_534 {offsets = [8], sizes = [1], strides = [1]} : vector<16xi32> to vector<1xi32>
    %squeeze3A_753 = vector.extract %slice3A_752[0] : i32 from vector<1xi32>
    %get3A_754 = arith.index_cast %squeeze3A_753 : i32 to index
    %get3A_755 = arith.constant 0 : index
    %get3A_756 = tpu.vector_load %arg5[%get3A_754, %get3A_755] {strides = array<i32>} : memref<4096x16xf32, #tpu.memory_space<vmem>>, vector<1x16xf32>,
    %get3A_757 = vector.shape_cast %get3A_756 : vector<1x16xf32> to vector<16xf32>
    %slice3A_758 = vector.extract_strided_slice %get3A_529 {offsets = [8], sizes = [1], strides = [1]} : vector<16xi32> to vector<1xi32>
    %squeeze3A_759 = vector.extract %slice3A_758[0] : i32 from vector<1xi32>
    %get3A_760 = arith.index_cast %squeeze3A_759 : i32 to index
    %get3A_761 = arith.constant 0 : index
    %get3A_762 = tpu.vector_load %arg5[%get3A_760, %get3A_761] {strides = array<i32>} : memref<4096x16xf32, #tpu.memory_space<vmem>>, vector<1x16xf32>,
    %get3A_763 = vector.shape_cast %get3A_762 : vector<1x16xf32> to vector<16xf32>
    %sub3A_764 = arith.subf %get3A_757, %get3A_763 : vector<16xf32>
    %slice3A_765 = vector.extract_strided_slice %get3A_539 {offsets = [8], sizes = [1], strides = [1]} : vector<16xf32> to vector<1xf32>
    %squeeze3A_766 = vector.extract %slice3A_765[0] : f32 from vector<1xf32>
    %mul3A_767 = vector.broadcast %squeeze3A_766 : f32 to vector<16xf32>
    %mul3A_768 = arith.mulf %sub3A_764, %mul3A_767 : vector<16xf32>
    %swap3A_769 = arith.index_cast %add3A_751 : i32 to index
    %swap3A_770 = arith.constant 0 : index
    %swap3A_771 = tpu.vector_load %arg9[%swap3A_769, %swap3A_770] {strides = array<i32>} : memref<512x16xf32, #tpu.memory_space<vmem>>, vector<1x16xf32>,
    %swap3A_772 = vector.shape_cast %swap3A_771 : vector<1x16xf32> to vector<16xf32>
    %swap3A_773 = vector.shape_cast %mul3A_768 : vector<16xf32> to vector<1x16xf32>
    tpu.vector_store %arg9[%swap3A_769, %swap3A_770], %swap3A_773 {strides = array<i32>} : memref<512x16xf32, #tpu.memory_space<vmem>>, vector<1x16xf32>,
    %mul3A_774 = arith.constant 16 : i32
    %mul3A_775 = arith.muli %scan3A_524, %mul3A_774 : i32
    %add3A_776 = arith.constant 9 : i32
    %add3A_777 = arith.addi %mul3A_775, %add3A_776 : i32
    %slice3A_778 = vector.extract_strided_slice %get3A_534 {offsets = [9], sizes = [1], strides = [1]} : vector<16xi32> to vector<1xi32>
    %squeeze3A_779 = vector.extract %slice3A_778[0] : i32 from vector<1xi32>
    %get3A_780 = arith.index_cast %squeeze3A_779 : i32 to index
    %get3A_781 = arith.constant 0 : index
    %get3A_782 = tpu.vector_load %arg5[%get3A_780, %get3A_781] {strides = array<i32>} : memref<4096x16xf32, #tpu.memory_space<vmem>>, vector<1x16xf32>,
    %get3A_783 = vector.shape_cast %get3A_782 : vector<1x16xf32> to vector<16xf32>
    %slice3A_784 = vector.extract_strided_slice %get3A_529 {offsets = [9], sizes = [1], strides = [1]} : vector<16xi32> to vector<1xi32>
    %squeeze3A_785 = vector.extract %slice3A_784[0] : i32 from vector<1xi32>
    %get3A_786 = arith.index_cast %squeeze3A_785 : i32 to index
    %get3A_787 = arith.constant 0 : index
    %get3A_788 = tpu.vector_load %arg5[%get3A_786, %get3A_787] {strides = array<i32>} : memref<4096x16xf32, #tpu.memory_space<vmem>>, vector<1x16xf32>,
    %get3A_789 = vector.shape_cast %get3A_788 : vector<1x16xf32> to vector<16xf32>
    %sub3A_790 = arith.subf %get3A_783, %get3A_789 : vector<16xf32>
    %slice3A_791 = vector.extract_strided_slice %get3A_539 {offsets = [9], sizes = [1], strides = [1]} : vector<16xf32> to vector<1xf32>
    %squeeze3A_792 = vector.extract %slice3A_791[0] : f32 from vector<1xf32>
    %mul3A_793 = vector.broadcast %squeeze3A_792 : f32 to vector<16xf32>
    %mul3A_794 = arith.mulf %sub3A_790, %mul3A_793 : vector<16xf32>
    %swap3A_795 = arith.index_cast %add3A_777 : i32 to index
    %swap3A_796 = arith.constant 0 : index
    %swap3A_797 = tpu.vector_load %arg9[%swap3A_795, %swap3A_796] {strides = array<i32>} : memref<512x16xf32, #tpu.memory_space<vmem>>, vector<1x16xf32>,
    %swap3A_798 = vector.shape_cast %swap3A_797 : vector<1x16xf32> to vector<16xf32>
    %swap3A_799 = vector.shape_cast %mul3A_794 : vector<16xf32> to vector<1x16xf32>
    tpu.vector_store %arg9[%swap3A_795, %swap3A_796], %swap3A_799 {strides = array<i32>} : memref<512x16xf32, #tpu.memory_space<vmem>>, vector<1x16xf32>,
    %mul3A_800 = arith.constant 16 : i32
    %mul3A_801 = arith.muli %scan3A_524, %mul3A_800 : i32
    %add3A_802 = arith.constant 10 : i32
    %add3A_803 = arith.addi %mul3A_801, %add3A_802 : i32
    %slice3A_804 = vector.extract_strided_slice %get3A_534 {offsets = [10], sizes = [1], strides = [1]} : vector<16xi32> to vector<1xi32>
    %squeeze3A_805 = vector.extract %slice3A_804[0] : i32 from vector<1xi32>
    %get3A_806 = arith.index_cast %squeeze3A_805 : i32 to index
    %get3A_807 = arith.constant 0 : index
    %get3A_808 = tpu.vector_load %arg5[%get3A_806, %get3A_807] {strides = array<i32>} : memref<4096x16xf32, #tpu.memory_space<vmem>>, vector<1x16xf32>,
    %get3A_809 = vector.shape_cast %get3A_808 : vector<1x16xf32> to vector<16xf32>
    %slice3A_810 = vector.extract_strided_slice %get3A_529 {offsets = [10], sizes = [1], strides = [1]} : vector<16xi32> to vector<1xi32>
    %squeeze3A_811 = vector.extract %slice3A_810[0] : i32 from vector<1xi32>
    %get3A_812 = arith.index_cast %squeeze3A_811 : i32 to index
    %get3A_813 = arith.constant 0 : index
    %get3A_814 = tpu.vector_load %arg5[%get3A_812, %get3A_813] {strides = array<i32>} : memref<4096x16xf32, #tpu.memory_space<vmem>>, vector<1x16xf32>,
    %get3A_815 = vector.shape_cast %get3A_814 : vector<1x16xf32> to vector<16xf32>
    %sub3A_816 = arith.subf %get3A_809, %get3A_815 : vector<16xf32>
    %slice3A_817 = vector.extract_strided_slice %get3A_539 {offsets = [10], sizes = [1], strides = [1]} : vector<16xf32> to vector<1xf32>
    %squeeze3A_818 = vector.extract %slice3A_817[0] : f32 from vector<1xf32>
    %mul3A_819 = vector.broadcast %squeeze3A_818 : f32 to vector<16xf32>
    %mul3A_820 = arith.mulf %sub3A_816, %mul3A_819 : vector<16xf32>
    %swap3A_821 = arith.index_cast %add3A_803 : i32 to index
    %swap3A_822 = arith.constant 0 : index
    %swap3A_823 = tpu.vector_load %arg9[%swap3A_821, %swap3A_822] {strides = array<i32>} : memref<512x16xf32, #tpu.memory_space<vmem>>, vector<1x16xf32>,
    %swap3A_824 = vector.shape_cast %swap3A_823 : vector<1x16xf32> to vector<16xf32>
    %swap3A_825 = vector.shape_cast %mul3A_820 : vector<16xf32> to vector<1x16xf32>
    tpu.vector_store %arg9[%swap3A_821, %swap3A_822], %swap3A_825 {strides = array<i32>} : memref<512x16xf32, #tpu.memory_space<vmem>>, vector<1x16xf32>,
    %mul3A_826 = arith.constant 16 : i32
    %mul3A_827 = arith.muli %scan3A_524, %mul3A_826 : i32
    %add3A_828 = arith.constant 11 : i32
    %add3A_829 = arith.addi %mul3A_827, %add3A_828 : i32
    %slice3A_830 = vector.extract_strided_slice %get3A_534 {offsets = [11], sizes = [1], strides = [1]} : vector<16xi32> to vector<1xi32>
    %squeeze3A_831 = vector.extract %slice3A_830[0] : i32 from vector<1xi32>
    %get3A_832 = arith.index_cast %squeeze3A_831 : i32 to index
    %get3A_833 = arith.constant 0 : index
    %get3A_834 = tpu.vector_load %arg5[%get3A_832, %get3A_833] {strides = array<i32>} : memref<4096x16xf32, #tpu.memory_space<vmem>>, vector<1x16xf32>,
    %get3A_835 = vector.shape_cast %get3A_834 : vector<1x16xf32> to vector<16xf32>
    %slice3A_836 = vector.extract_strided_slice %get3A_529 {offsets = [11], sizes = [1], strides = [1]} : vector<16xi32> to vector<1xi32>
    %squeeze3A_837 = vector.extract %slice3A_836[0] : i32 from vector<1xi32>
    %get3A_838 = arith.index_cast %squeeze3A_837 : i32 to index
    %get3A_839 = arith.constant 0 : index
    %get3A_840 = tpu.vector_load %arg5[%get3A_838, %get3A_839] {strides = array<i32>} : memref<4096x16xf32, #tpu.memory_space<vmem>>, vector<1x16xf32>,
    %get3A_841 = vector.shape_cast %get3A_840 : vector<1x16xf32> to vector<16xf32>
    %sub3A_842 = arith.subf %get3A_835, %get3A_841 : vector<16xf32>
    %slice3A_843 = vector.extract_strided_slice %get3A_539 {offsets = [11], sizes = [1], strides = [1]} : vector<16xf32> to vector<1xf32>
    %squeeze3A_844 = vector.extract %slice3A_843[0] : f32 from vector<1xf32>
    %mul3A_845 = vector.broadcast %squeeze3A_844 : f32 to vector<16xf32>
    %mul3A_846 = arith.mulf %sub3A_842, %mul3A_845 : vector<16xf32>
    %swap3A_847 = arith.index_cast %add3A_829 : i32 to index
    %swap3A_848 = arith.constant 0 : index
    %swap3A_849 = tpu.vector_load %arg9[%swap3A_847, %swap3A_848] {strides = array<i32>} : memref<512x16xf32, #tpu.memory_space<vmem>>, vector<1x16xf32>,
    %swap3A_850 = vector.shape_cast %swap3A_849 : vector<1x16xf32> to vector<16xf32>
    %swap3A_851 = vector.shape_cast %mul3A_846 : vector<16xf32> to vector<1x16xf32>
    tpu.vector_store %arg9[%swap3A_847, %swap3A_848], %swap3A_851 {strides = array<i32>} : memref<512x16xf32, #tpu.memory_space<vmem>>, vector<1x16xf32>,
    %mul3A_852 = arith.constant 16 : i32
    %mul3A_853 = arith.muli %scan3A_524, %mul3A_852 : i32
    %add3A_854 = arith.constant 12 : i32
    %add3A_855 = arith.addi %mul3A_853, %add3A_854 : i32
    %slice3A_856 = vector.extract_strided_slice %get3A_534 {offsets = [12], sizes = [1], strides = [1]} : vector<16xi32> to vector<1xi32>
    %squeeze3A_857 = vector.extract %slice3A_856[0] : i32 from vector<1xi32>
    %get3A_858 = arith.index_cast %squeeze3A_857 : i32 to index
    %get3A_859 = arith.constant 0 : index
    %get3A_860 = tpu.vector_load %arg5[%get3A_858, %get3A_859] {strides = array<i32>} : memref<4096x16xf32, #tpu.memory_space<vmem>>, vector<1x16xf32>,
    %get3A_861 = vector.shape_cast %get3A_860 : vector<1x16xf32> to vector<16xf32>
    %slice3A_862 = vector.extract_strided_slice %get3A_529 {offsets = [12], sizes = [1], strides = [1]} : vector<16xi32> to vector<1xi32>
    %squeeze3A_863 = vector.extract %slice3A_862[0] : i32 from vector<1xi32>
    %get3A_864 = arith.index_cast %squeeze3A_863 : i32 to index
    %get3A_865 = arith.constant 0 : index
    %get3A_866 = tpu.vector_load %arg5[%get3A_864, %get3A_865] {strides = array<i32>} : memref<4096x16xf32, #tpu.memory_space<vmem>>, vector<1x16xf32>,
    %get3A_867 = vector.shape_cast %get3A_866 : vector<1x16xf32> to vector<16xf32>
    %sub3A_868 = arith.subf %get3A_861, %get3A_867 : vector<16xf32>
    %slice3A_869 = vector.extract_strided_slice %get3A_539 {offsets = [12], sizes = [1], strides = [1]} : vector<16xf32> to vector<1xf32>
    %squeeze3A_870 = vector.extract %slice3A_869[0] : f32 from vector<1xf32>
    %mul3A_871 = vector.broadcast %squeeze3A_870 : f32 to vector<16xf32>
    %mul3A_872 = arith.mulf %sub3A_868, %mul3A_871 : vector<16xf32>
    %swap3A_873 = arith.index_cast %add3A_855 : i32 to index
    %swap3A_874 = arith.constant 0 : index
    %swap3A_875 = tpu.vector_load %arg9[%swap3A_873, %swap3A_874] {strides = array<i32>} : memref<512x16xf32, #tpu.memory_space<vmem>>, vector<1x16xf32>,
    %swap3A_876 = vector.shape_cast %swap3A_875 : vector<1x16xf32> to vector<16xf32>
    %swap3A_877 = vector.shape_cast %mul3A_872 : vector<16xf32> to vector<1x16xf32>
    tpu.vector_store %arg9[%swap3A_873, %swap3A_874], %swap3A_877 {strides = array<i32>} : memref<512x16xf32, #tpu.memory_space<vmem>>, vector<1x16xf32>,
    %mul3A_878 = arith.constant 16 : i32
    %mul3A_879 = arith.muli %scan3A_524, %mul3A_878 : i32
    %add3A_880 = arith.constant 13 : i32
    %add3A_881 = arith.addi %mul3A_879, %add3A_880 : i32
    %slice3A_882 = vector.extract_strided_slice %get3A_534 {offsets = [13], sizes = [1], strides = [1]} : vector<16xi32> to vector<1xi32>
    %squeeze3A_883 = vector.extract %slice3A_882[0] : i32 from vector<1xi32>
    %get3A_884 = arith.index_cast %squeeze3A_883 : i32 to index
    %get3A_885 = arith.constant 0 : index
    %get3A_886 = tpu.vector_load %arg5[%get3A_884, %get3A_885] {strides = array<i32>} : memref<4096x16xf32, #tpu.memory_space<vmem>>, vector<1x16xf32>,
    %get3A_887 = vector.shape_cast %get3A_886 : vector<1x16xf32> to vector<16xf32>
    %slice3A_888 = vector.extract_strided_slice %get3A_529 {offsets = [13], sizes = [1], strides = [1]} : vector<16xi32> to vector<1xi32>
    %squeeze3A_889 = vector.extract %slice3A_888[0] : i32 from vector<1xi32>
    %get3A_890 = arith.index_cast %squeeze3A_889 : i32 to index
    %get3A_891 = arith.constant 0 : index
    %get3A_892 = tpu.vector_load %arg5[%get3A_890, %get3A_891] {strides = array<i32>} : memref<4096x16xf32, #tpu.memory_space<vmem>>, vector<1x16xf32>,
    %get3A_893 = vector.shape_cast %get3A_892 : vector<1x16xf32> to vector<16xf32>
    %sub3A_894 = arith.subf %get3A_887, %get3A_893 : vector<16xf32>
    %slice3A_895 = vector.extract_strided_slice %get3A_539 {offsets = [13], sizes = [1], strides = [1]} : vector<16xf32> to vector<1xf32>
    %squeeze3A_896 = vector.extract %slice3A_895[0] : f32 from vector<1xf32>
    %mul3A_897 = vector.broadcast %squeeze3A_896 : f32 to vector<16xf32>
    %mul3A_898 = arith.mulf %sub3A_894, %mul3A_897 : vector<16xf32>
    %swap3A_899 = arith.index_cast %add3A_881 : i32 to index
    %swap3A_900 = arith.constant 0 : index
    %swap3A_901 = tpu.vector_load %arg9[%swap3A_899, %swap3A_900] {strides = array<i32>} : memref<512x16xf32, #tpu.memory_space<vmem>>, vector<1x16xf32>,
    %swap3A_902 = vector.shape_cast %swap3A_901 : vector<1x16xf32> to vector<16xf32>
    %swap3A_903 = vector.shape_cast %mul3A_898 : vector<16xf32> to vector<1x16xf32>
    tpu.vector_store %arg9[%swap3A_899, %swap3A_900], %swap3A_903 {strides = array<i32>} : memref<512x16xf32, #tpu.memory_space<vmem>>, vector<1x16xf32>,
    %mul3A_904 = arith.constant 16 : i32
    %mul3A_905 = arith.muli %scan3A_524, %mul3A_904 : i32
    %add3A_906 = arith.constant 14 : i32
    %add3A_907 = arith.addi %mul3A_905, %add3A_906 : i32
    %slice3A_908 = vector.extract_strided_slice %get3A_534 {offsets = [14], sizes = [1], strides = [1]} : vector<16xi32> to vector<1xi32>
    %squeeze3A_909 = vector.extract %slice3A_908[0] : i32 from vector<1xi32>
    %get3A_910 = arith.index_cast %squeeze3A_909 : i32 to index
    %get3A_911 = arith.constant 0 : index
    %get3A_912 = tpu.vector_load %arg5[%get3A_910, %get3A_911] {strides = array<i32>} : memref<4096x16xf32, #tpu.memory_space<vmem>>, vector<1x16xf32>,
    %get3A_913 = vector.shape_cast %get3A_912 : vector<1x16xf32> to vector<16xf32>
    %slice3A_914 = vector.extract_strided_slice %get3A_529 {offsets = [14], sizes = [1], strides = [1]} : vector<16xi32> to vector<1xi32>
    %squeeze3A_915 = vector.extract %slice3A_914[0] : i32 from vector<1xi32>
    %get3A_916 = arith.index_cast %squeeze3A_915 : i32 to index
    %get3A_917 = arith.constant 0 : index
    %get3A_918 = tpu.vector_load %arg5[%get3A_916, %get3A_917] {strides = array<i32>} : memref<4096x16xf32, #tpu.memory_space<vmem>>, vector<1x16xf32>,
    %get3A_919 = vector.shape_cast %get3A_918 : vector<1x16xf32> to vector<16xf32>
    %sub3A_920 = arith.subf %get3A_913, %get3A_919 : vector<16xf32>
    %slice3A_921 = vector.extract_strided_slice %get3A_539 {offsets = [14], sizes = [1], strides = [1]} : vector<16xf32> to vector<1xf32>
    %squeeze3A_922 = vector.extract %slice3A_921[0] : f32 from vector<1xf32>
    %mul3A_923 = vector.broadcast %squeeze3A_922 : f32 to vector<16xf32>
    %mul3A_924 = arith.mulf %sub3A_920, %mul3A_923 : vector<16xf32>
    %swap3A_925 = arith.index_cast %add3A_907 : i32 to index
    %swap3A_926 = arith.constant 0 : index
    %swap3A_927 = tpu.vector_load %arg9[%swap3A_925, %swap3A_926] {strides = array<i32>} : memref<512x16xf32, #tpu.memory_space<vmem>>, vector<1x16xf32>,
    %swap3A_928 = vector.shape_cast %swap3A_927 : vector<1x16xf32> to vector<16xf32>
    %swap3A_929 = vector.shape_cast %mul3A_924 : vector<16xf32> to vector<1x16xf32>
    tpu.vector_store %arg9[%swap3A_925, %swap3A_926], %swap3A_929 {strides = array<i32>} : memref<512x16xf32, #tpu.memory_space<vmem>>, vector<1x16xf32>,
    %mul3A_930 = arith.constant 16 : i32
    %mul3A_931 = arith.muli %scan3A_524, %mul3A_930 : i32
    %add3A_932 = arith.constant 15 : i32
    %add3A_933 = arith.addi %mul3A_931, %add3A_932 : i32
    %slice3A_934 = vector.extract_strided_slice %get3A_534 {offsets = [15], sizes = [1], strides = [1]} : vector<16xi32> to vector<1xi32>
    %squeeze3A_935 = vector.extract %slice3A_934[0] : i32 from vector<1xi32>
    %get3A_936 = arith.index_cast %squeeze3A_935 : i32 to index
    %get3A_937 = arith.constant 0 : index
    %get3A_938 = tpu.vector_load %arg5[%get3A_936, %get3A_937] {strides = array<i32>} : memref<4096x16xf32, #tpu.memory_space<vmem>>, vector<1x16xf32>,
    %get3A_939 = vector.shape_cast %get3A_938 : vector<1x16xf32> to vector<16xf32>
    %slice3A_940 = vector.extract_strided_slice %get3A_529 {offsets = [15], sizes = [1], strides = [1]} : vector<16xi32> to vector<1xi32>
    %squeeze3A_941 = vector.extract %slice3A_940[0] : i32 from vector<1xi32>
    %get3A_942 = arith.index_cast %squeeze3A_941 : i32 to index
    %get3A_943 = arith.constant 0 : index
    %get3A_944 = tpu.vector_load %arg5[%get3A_942, %get3A_943] {strides = array<i32>} : memref<4096x16xf32, #tpu.memory_space<vmem>>, vector<1x16xf32>,
    %get3A_945 = vector.shape_cast %get3A_944 : vector<1x16xf32> to vector<16xf32>
    %sub3A_946 = arith.subf %get3A_939, %get3A_945 : vector<16xf32>
    %slice3A_947 = vector.extract_strided_slice %get3A_539 {offsets = [15], sizes = [1], strides = [1]} : vector<16xf32> to vector<1xf32>
    %squeeze3A_948 = vector.extract %slice3A_947[0] : f32 from vector<1xf32>
    %mul3A_949 = vector.broadcast %squeeze3A_948 : f32 to vector<16xf32>
    %mul3A_950 = arith.mulf %sub3A_946, %mul3A_949 : vector<16xf32>
    %swap3A_951 = arith.index_cast %add3A_933 : i32 to index
    %swap3A_952 = arith.constant 0 : index
    %swap3A_953 = tpu.vector_load %arg9[%swap3A_951, %swap3A_952] {strides = array<i32>} : memref<512x16xf32, #tpu.memory_space<vmem>>, vector<1x16xf32>,
    %swap3A_954 = vector.shape_cast %swap3A_953 : vector<1x16xf32> to vector<16xf32>
    %swap3A_955 = vector.shape_cast %mul3A_950 : vector<16xf32> to vector<1x16xf32>
    tpu.vector_store %arg9[%swap3A_951, %swap3A_952], %swap3A_955 {strides = array<i32>} : memref<512x16xf32, #tpu.memory_space<vmem>>, vector<1x16xf32>,
    %scan3A_956 = arith.constant 0 : i32
    %scan3A_957 = arith.constant 1 : i32
    %mul3A_958 = arith.constant 16 : i32
    %mul3A_959 = arith.muli %add3A_502, %mul3A_958 : i32
    "tpu.region"() ({
      %run_scoped3A = tpu.sem_alloc : memref<!tpu.dma_semaphore, #tpu.memory_space<semaphore_mem>>
      %dma_start3A = arith.constant 0 : i32
      %dma_start3A_1882 = tpu.memref_slice %arg4[%select_n3A, %dma_start3A, %mul3A_959] : memref<16x512x128xf32, #tpu.memory_space<hbm>> -> memref<1x512x16xf32, #tpu.memory_space<hbm>>
      %dma_start3A_1883 = tpu.memref_squeeze %dma_start3A_1882 : memref<1x512x16xf32, #tpu.memory_space<hbm>> -> memref<512x16xf32, #tpu.memory_space<hbm>>
      %dma_start3A_1884 = arith.constant 0 : i32
      %dma_start3A_1885 = tpu.memref_slice %arg4[%select_n3A, %dma_start3A_1884, %mul3A_959] : memref<16x512x128xf32, #tpu.memory_space<hbm>> -> memref<1x512x16xf32, #tpu.memory_space<hbm>>
      %dma_start3A_1886 = tpu.memref_squeeze %dma_start3A_1885 : memref<1x512x16xf32, #tpu.memory_space<hbm>> -> memref<512x16xf32, #tpu.memory_space<hbm>>
      tpu.enqueue_dma source(%arg9 : memref<512x16xf32, #tpu.memory_space<vmem>>) target(%dma_start3A_1886 : memref<512x16xf32, #tpu.memory_space<hbm>>) target_semaphore(%run_scoped3A : memref<!tpu.dma_semaphore, #tpu.memory_space<semaphore_mem>>)
      %dma_wait3A = arith.constant 0 : i32
      %dma_wait3A_1887 = tpu.memref_slice %arg4[%select_n3A, %dma_wait3A, %mul3A_959] : memref<16x512x128xf32, #tpu.memory_space<hbm>> -> memref<1x512x16xf32, #tpu.memory_space<hbm>>
      %dma_wait3A_1888 = tpu.memref_squeeze %dma_wait3A_1887 : memref<1x512x16xf32, #tpu.memory_space<hbm>> -> memref<512x16xf32, #tpu.memory_space<hbm>>
      %dma_wait3A_1889 = arith.constant 0 : i32
      %dma_wait3A_1890 = tpu.memref_slice %arg4[%select_n3A, %dma_wait3A_1889, %mul3A_959] : memref<16x512x128xf32, #tpu.memory_space<hbm>> -> memref<1x512x16xf32, #tpu.memory_space<hbm>>
      %dma_wait3A_1891 = tpu.memref_squeeze %dma_wait3A_1890 : memref<1x512x16xf32, #tpu.memory_space<hbm>> -> memref<512x16xf32, #tpu.memory_space<hbm>>
      tpu.wait_dma2 semaphore(%run_scoped3A : memref<!tpu.dma_semaphore, #tpu.memory_space<semaphore_mem>>) src(%arg9 : memref<512x16xf32, #tpu.memory_space<vmem>>) dst(%dma_wait3A_1891 : memref<512x16xf32, #tpu.memory_space<hbm>>)
      tpu.yield
    }) : () -> ()
    %mul3A_960 = arith.constant 4 : i32
    %mul3A_961 = arith.muli %select_n3A_30, %mul3A_960 : i32
    %add3A_962 = arith.constant 2 : i32
    %add3A_963 = arith.addi %mul3A_961, %add3A_962 : i32
    %mul3A_964 = arith.constant 16 : i32
    %mul3A_965 = arith.muli %add3A_963, %mul3A_964 : i32
    "tpu.region"() ({
      %run_scoped3A = tpu.sem_alloc : memref<!tpu.dma_semaphore, #tpu.memory_space<semaphore_mem>>
      %dma_start3A = arith.constant 0 : i32
      %dma_start3A_1882 = tpu.memref_slice %arg2[%select_n3A, %dma_start3A, %mul3A_965] : memref<16x4096x128xf32, #tpu.memory_space<hbm>> -> memref<1x4096x16xf32, #tpu.memory_space<hbm>>
      %dma_start3A_1883 = tpu.memref_squeeze %dma_start3A_1882 : memref<1x4096x16xf32, #tpu.memory_space<hbm>> -> memref<4096x16xf32, #tpu.memory_space<hbm>>
      %dma_start3A_1884 = arith.constant 0 : i32
      %dma_start3A_1885 = tpu.memref_slice %arg2[%select_n3A, %dma_start3A_1884, %mul3A_965] : memref<16x4096x128xf32, #tpu.memory_space<hbm>> -> memref<1x4096x16xf32, #tpu.memory_space<hbm>>
      %dma_start3A_1886 = tpu.memref_squeeze %dma_start3A_1885 : memref<1x4096x16xf32, #tpu.memory_space<hbm>> -> memref<4096x16xf32, #tpu.memory_space<hbm>>
      tpu.enqueue_dma source(%dma_start3A_1886 : memref<4096x16xf32, #tpu.memory_space<hbm>>) target(%arg5 : memref<4096x16xf32, #tpu.memory_space<vmem>>) target_semaphore(%run_scoped3A : memref<!tpu.dma_semaphore, #tpu.memory_space<semaphore_mem>>)
      %dma_wait3A = arith.constant 0 : i32
      %dma_wait3A_1887 = tpu.memref_slice %arg2[%select_n3A, %dma_wait3A, %mul3A_965] : memref<16x4096x128xf32, #tpu.memory_space<hbm>> -> memref<1x4096x16xf32, #tpu.memory_space<hbm>>
      %dma_wait3A_1888 = tpu.memref_squeeze %dma_wait3A_1887 : memref<1x4096x16xf32, #tpu.memory_space<hbm>> -> memref<4096x16xf32, #tpu.memory_space<hbm>>
      %dma_wait3A_1889 = arith.constant 0 : i32
      %dma_wait3A_1890 = tpu.memref_slice %arg2[%select_n3A, %dma_wait3A_1889, %mul3A_965] : memref<16x4096x128xf32, #tpu.memory_space<hbm>> -> memref<1x4096x16xf32, #tpu.memory_space<hbm>>
      %dma_wait3A_1891 = tpu.memref_squeeze %dma_wait3A_1890 : memref<1x4096x16xf32, #tpu.memory_space<hbm>> -> memref<4096x16xf32, #tpu.memory_space<hbm>>
      tpu.wait_dma2 semaphore(%run_scoped3A : memref<!tpu.dma_semaphore, #tpu.memory_space<semaphore_mem>>) src(%dma_wait3A_1891 : memref<4096x16xf32, #tpu.memory_space<hbm>>) dst(%arg5 : memref<4096x16xf32, #tpu.memory_space<vmem>>)
      tpu.yield
    }) : () -> ()
    %broadcast_in_dim3A_966 = arith.constant 0.000000e+00 : f32
    %broadcast_in_dim3A_967 = vector.broadcast %broadcast_in_dim3A_966 : f32 to vector<16xf32>
    %scan3A_968 = arith.constant 0 : i32
    %scan3A_969 = arith.constant 0 : i32
    %scan3A_970 = arith.addi %scan3A_968, %scan3A_969 : i32
    %scan3A_971 = arith.constant 0 : i32
    %scan3A_972 = arith.addi %scan3A_968, %scan3A_971 : i32
    %get3A_973 = arith.index_cast %scan3A_972 : i32 to index
    %get3A_974 = arith.constant 0 : index
    %get3A_975 = tpu.vector_load %arg5[%get3A_973, %get3A_974] {strides = array<i32>} : memref<4096x16xf32, #tpu.memory_space<vmem>>, vector<1x16xf32>,
    %get3A_976 = vector.shape_cast %get3A_975 : vector<1x16xf32> to vector<16xf32>
    %add3A_977 = arith.addf %broadcast_in_dim3A_967, %get3A_976 : vector<16xf32>
    %swap3A_978 = arith.index_cast %scan3A_972 : i32 to index
    %swap3A_979 = arith.constant 0 : index
    %swap3A_980 = tpu.vector_load %arg5[%swap3A_978, %swap3A_979] {strides = array<i32>} : memref<4096x16xf32, #tpu.memory_space<vmem>>, vector<1x16xf32>,
    %swap3A_981 = vector.shape_cast %swap3A_980 : vector<1x16xf32> to vector<16xf32>
    %swap3A_982 = vector.shape_cast %add3A_977 : vector<16xf32> to vector<1x16xf32>
    tpu.vector_store %arg5[%swap3A_978, %swap3A_979], %swap3A_982 {strides = array<i32>} : memref<4096x16xf32, #tpu.memory_space<vmem>>, vector<1x16xf32>,
    %scan3A_983 = arith.constant 1 : i32
    %scan3A_984 = arith.constant 0 : i32
    %scan3A_985 = arith.constant 0 : i32
    %mul3A_986 = arith.constant 16 : i32
    %mul3A_987 = arith.muli %scan3A_985, %mul3A_986 : i32
    %get3A_988 = arith.index_cast %mul3A_987 : i32 to index
    %get3A_989 = tpu.vector_load %arg6[%get3A_988] {strides = array<i32>} : memref<512xi32, #tpu.memory_space<vmem>>, vector<16xi32>,
    %get3A_990 = vector.shape_cast %get3A_989 : vector<16xi32> to vector<16xi32>
    %mul3A_991 = arith.constant 16 : i32
    %mul3A_992 = arith.muli %scan3A_985, %mul3A_991 : i32
    %get3A_993 = arith.index_cast %mul3A_992 : i32 to index
    %get3A_994 = tpu.vector_load %arg7[%get3A_993] {strides = array<i32>} : memref<512xi32, #tpu.memory_space<vmem>>, vector<16xi32>,
    %get3A_995 = vector.shape_cast %get3A_994 : vector<16xi32> to vector<16xi32>
    %mul3A_996 = arith.constant 16 : i32
    %mul3A_997 = arith.muli %scan3A_985, %mul3A_996 : i32
    %get3A_998 = arith.index_cast %mul3A_997 : i32 to index
    %get3A_999 = tpu.vector_load %arg8[%get3A_998] {strides = array<i32>} : memref<512xf32, #tpu.memory_space<vmem>>, vector<16xf32>,
    %get3A_1000 = vector.shape_cast %get3A_999 : vector<16xf32> to vector<16xf32>
    %mul3A_1001 = arith.constant 16 : i32
    %mul3A_1002 = arith.muli %scan3A_985, %mul3A_1001 : i32
    %add3A_1003 = arith.constant 0 : i32
    %add3A_1004 = arith.addi %mul3A_1002, %add3A_1003 : i32
    %slice3A_1005 = vector.extract_strided_slice %get3A_995 {offsets = [0], sizes = [1], strides = [1]} : vector<16xi32> to vector<1xi32>
    %squeeze3A_1006 = vector.extract %slice3A_1005[0] : i32 from vector<1xi32>
    %get3A_1007 = arith.index_cast %squeeze3A_1006 : i32 to index
    %get3A_1008 = arith.constant 0 : index
    %get3A_1009 = tpu.vector_load %arg5[%get3A_1007, %get3A_1008] {strides = array<i32>} : memref<4096x16xf32, #tpu.memory_space<vmem>>, vector<1x16xf32>,
    %get3A_1010 = vector.shape_cast %get3A_1009 : vector<1x16xf32> to vector<16xf32>
    %slice3A_1011 = vector.extract_strided_slice %get3A_990 {offsets = [0], sizes = [1], strides = [1]} : vector<16xi32> to vector<1xi32>
    %squeeze3A_1012 = vector.extract %slice3A_1011[0] : i32 from vector<1xi32>
    %get3A_1013 = arith.index_cast %squeeze3A_1012 : i32 to index
    %get3A_1014 = arith.constant 0 : index
    %get3A_1015 = tpu.vector_load %arg5[%get3A_1013, %get3A_1014] {strides = array<i32>} : memref<4096x16xf32, #tpu.memory_space<vmem>>, vector<1x16xf32>,
    %get3A_1016 = vector.shape_cast %get3A_1015 : vector<1x16xf32> to vector<16xf32>
    %sub3A_1017 = arith.subf %get3A_1010, %get3A_1016 : vector<16xf32>
    %slice3A_1018 = vector.extract_strided_slice %get3A_1000 {offsets = [0], sizes = [1], strides = [1]} : vector<16xf32> to vector<1xf32>
    %squeeze3A_1019 = vector.extract %slice3A_1018[0] : f32 from vector<1xf32>
    %mul3A_1020 = vector.broadcast %squeeze3A_1019 : f32 to vector<16xf32>
    %mul3A_1021 = arith.mulf %sub3A_1017, %mul3A_1020 : vector<16xf32>
    %swap3A_1022 = arith.index_cast %add3A_1004 : i32 to index
    %swap3A_1023 = arith.constant 0 : index
    %swap3A_1024 = tpu.vector_load %arg9[%swap3A_1022, %swap3A_1023] {strides = array<i32>} : memref<512x16xf32, #tpu.memory_space<vmem>>, vector<1x16xf32>,
    %swap3A_1025 = vector.shape_cast %swap3A_1024 : vector<1x16xf32> to vector<16xf32>
    %swap3A_1026 = vector.shape_cast %mul3A_1021 : vector<16xf32> to vector<1x16xf32>
    tpu.vector_store %arg9[%swap3A_1022, %swap3A_1023], %swap3A_1026 {strides = array<i32>} : memref<512x16xf32, #tpu.memory_space<vmem>>, vector<1x16xf32>,
    %mul3A_1027 = arith.constant 16 : i32
    %mul3A_1028 = arith.muli %scan3A_985, %mul3A_1027 : i32
    %add3A_1029 = arith.constant 1 : i32
    %add3A_1030 = arith.addi %mul3A_1028, %add3A_1029 : i32
    %slice3A_1031 = vector.extract_strided_slice %get3A_995 {offsets = [1], sizes = [1], strides = [1]} : vector<16xi32> to vector<1xi32>
    %squeeze3A_1032 = vector.extract %slice3A_1031[0] : i32 from vector<1xi32>
    %get3A_1033 = arith.index_cast %squeeze3A_1032 : i32 to index
    %get3A_1034 = arith.constant 0 : index
    %get3A_1035 = tpu.vector_load %arg5[%get3A_1033, %get3A_1034] {strides = array<i32>} : memref<4096x16xf32, #tpu.memory_space<vmem>>, vector<1x16xf32>,
    %get3A_1036 = vector.shape_cast %get3A_1035 : vector<1x16xf32> to vector<16xf32>
    %slice3A_1037 = vector.extract_strided_slice %get3A_990 {offsets = [1], sizes = [1], strides = [1]} : vector<16xi32> to vector<1xi32>
    %squeeze3A_1038 = vector.extract %slice3A_1037[0] : i32 from vector<1xi32>
    %get3A_1039 = arith.index_cast %squeeze3A_1038 : i32 to index
    %get3A_1040 = arith.constant 0 : index
    %get3A_1041 = tpu.vector_load %arg5[%get3A_1039, %get3A_1040] {strides = array<i32>} : memref<4096x16xf32, #tpu.memory_space<vmem>>, vector<1x16xf32>,
    %get3A_1042 = vector.shape_cast %get3A_1041 : vector<1x16xf32> to vector<16xf32>
    %sub3A_1043 = arith.subf %get3A_1036, %get3A_1042 : vector<16xf32>
    %slice3A_1044 = vector.extract_strided_slice %get3A_1000 {offsets = [1], sizes = [1], strides = [1]} : vector<16xf32> to vector<1xf32>
    %squeeze3A_1045 = vector.extract %slice3A_1044[0] : f32 from vector<1xf32>
    %mul3A_1046 = vector.broadcast %squeeze3A_1045 : f32 to vector<16xf32>
    %mul3A_1047 = arith.mulf %sub3A_1043, %mul3A_1046 : vector<16xf32>
    %swap3A_1048 = arith.index_cast %add3A_1030 : i32 to index
    %swap3A_1049 = arith.constant 0 : index
    %swap3A_1050 = tpu.vector_load %arg9[%swap3A_1048, %swap3A_1049] {strides = array<i32>} : memref<512x16xf32, #tpu.memory_space<vmem>>, vector<1x16xf32>,
    %swap3A_1051 = vector.shape_cast %swap3A_1050 : vector<1x16xf32> to vector<16xf32>
    %swap3A_1052 = vector.shape_cast %mul3A_1047 : vector<16xf32> to vector<1x16xf32>
    tpu.vector_store %arg9[%swap3A_1048, %swap3A_1049], %swap3A_1052 {strides = array<i32>} : memref<512x16xf32, #tpu.memory_space<vmem>>, vector<1x16xf32>,
    %mul3A_1053 = arith.constant 16 : i32
    %mul3A_1054 = arith.muli %scan3A_985, %mul3A_1053 : i32
    %add3A_1055 = arith.constant 2 : i32
    %add3A_1056 = arith.addi %mul3A_1054, %add3A_1055 : i32
    %slice3A_1057 = vector.extract_strided_slice %get3A_995 {offsets = [2], sizes = [1], strides = [1]} : vector<16xi32> to vector<1xi32>
    %squeeze3A_1058 = vector.extract %slice3A_1057[0] : i32 from vector<1xi32>
    %get3A_1059 = arith.index_cast %squeeze3A_1058 : i32 to index
    %get3A_1060 = arith.constant 0 : index
    %get3A_1061 = tpu.vector_load %arg5[%get3A_1059, %get3A_1060] {strides = array<i32>} : memref<4096x16xf32, #tpu.memory_space<vmem>>, vector<1x16xf32>,
    %get3A_1062 = vector.shape_cast %get3A_1061 : vector<1x16xf32> to vector<16xf32>
    %slice3A_1063 = vector.extract_strided_slice %get3A_990 {offsets = [2], sizes = [1], strides = [1]} : vector<16xi32> to vector<1xi32>
    %squeeze3A_1064 = vector.extract %slice3A_1063[0] : i32 from vector<1xi32>
    %get3A_1065 = arith.index_cast %squeeze3A_1064 : i32 to index
    %get3A_1066 = arith.constant 0 : index
    %get3A_1067 = tpu.vector_load %arg5[%get3A_1065, %get3A_1066] {strides = array<i32>} : memref<4096x16xf32, #tpu.memory_space<vmem>>, vector<1x16xf32>,
    %get3A_1068 = vector.shape_cast %get3A_1067 : vector<1x16xf32> to vector<16xf32>
    %sub3A_1069 = arith.subf %get3A_1062, %get3A_1068 : vector<16xf32>
    %slice3A_1070 = vector.extract_strided_slice %get3A_1000 {offsets = [2], sizes = [1], strides = [1]} : vector<16xf32> to vector<1xf32>
    %squeeze3A_1071 = vector.extract %slice3A_1070[0] : f32 from vector<1xf32>
    %mul3A_1072 = vector.broadcast %squeeze3A_1071 : f32 to vector<16xf32>
    %mul3A_1073 = arith.mulf %sub3A_1069, %mul3A_1072 : vector<16xf32>
    %swap3A_1074 = arith.index_cast %add3A_1056 : i32 to index
    %swap3A_1075 = arith.constant 0 : index
    %swap3A_1076 = tpu.vector_load %arg9[%swap3A_1074, %swap3A_1075] {strides = array<i32>} : memref<512x16xf32, #tpu.memory_space<vmem>>, vector<1x16xf32>,
    %swap3A_1077 = vector.shape_cast %swap3A_1076 : vector<1x16xf32> to vector<16xf32>
    %swap3A_1078 = vector.shape_cast %mul3A_1073 : vector<16xf32> to vector<1x16xf32>
    tpu.vector_store %arg9[%swap3A_1074, %swap3A_1075], %swap3A_1078 {strides = array<i32>} : memref<512x16xf32, #tpu.memory_space<vmem>>, vector<1x16xf32>,
    %mul3A_1079 = arith.constant 16 : i32
    %mul3A_1080 = arith.muli %scan3A_985, %mul3A_1079 : i32
    %add3A_1081 = arith.constant 3 : i32
    %add3A_1082 = arith.addi %mul3A_1080, %add3A_1081 : i32
    %slice3A_1083 = vector.extract_strided_slice %get3A_995 {offsets = [3], sizes = [1], strides = [1]} : vector<16xi32> to vector<1xi32>
    %squeeze3A_1084 = vector.extract %slice3A_1083[0] : i32 from vector<1xi32>
    %get3A_1085 = arith.index_cast %squeeze3A_1084 : i32 to index
    %get3A_1086 = arith.constant 0 : index
    %get3A_1087 = tpu.vector_load %arg5[%get3A_1085, %get3A_1086] {strides = array<i32>} : memref<4096x16xf32, #tpu.memory_space<vmem>>, vector<1x16xf32>,
    %get3A_1088 = vector.shape_cast %get3A_1087 : vector<1x16xf32> to vector<16xf32>
    %slice3A_1089 = vector.extract_strided_slice %get3A_990 {offsets = [3], sizes = [1], strides = [1]} : vector<16xi32> to vector<1xi32>
    %squeeze3A_1090 = vector.extract %slice3A_1089[0] : i32 from vector<1xi32>
    %get3A_1091 = arith.index_cast %squeeze3A_1090 : i32 to index
    %get3A_1092 = arith.constant 0 : index
    %get3A_1093 = tpu.vector_load %arg5[%get3A_1091, %get3A_1092] {strides = array<i32>} : memref<4096x16xf32, #tpu.memory_space<vmem>>, vector<1x16xf32>,
    %get3A_1094 = vector.shape_cast %get3A_1093 : vector<1x16xf32> to vector<16xf32>
    %sub3A_1095 = arith.subf %get3A_1088, %get3A_1094 : vector<16xf32>
    %slice3A_1096 = vector.extract_strided_slice %get3A_1000 {offsets = [3], sizes = [1], strides = [1]} : vector<16xf32> to vector<1xf32>
    %squeeze3A_1097 = vector.extract %slice3A_1096[0] : f32 from vector<1xf32>
    %mul3A_1098 = vector.broadcast %squeeze3A_1097 : f32 to vector<16xf32>
    %mul3A_1099 = arith.mulf %sub3A_1095, %mul3A_1098 : vector<16xf32>
    %swap3A_1100 = arith.index_cast %add3A_1082 : i32 to index
    %swap3A_1101 = arith.constant 0 : index
    %swap3A_1102 = tpu.vector_load %arg9[%swap3A_1100, %swap3A_1101] {strides = array<i32>} : memref<512x16xf32, #tpu.memory_space<vmem>>, vector<1x16xf32>,
    %swap3A_1103 = vector.shape_cast %swap3A_1102 : vector<1x16xf32> to vector<16xf32>
    %swap3A_1104 = vector.shape_cast %mul3A_1099 : vector<16xf32> to vector<1x16xf32>
    tpu.vector_store %arg9[%swap3A_1100, %swap3A_1101], %swap3A_1104 {strides = array<i32>} : memref<512x16xf32, #tpu.memory_space<vmem>>, vector<1x16xf32>,
    %mul3A_1105 = arith.constant 16 : i32
    %mul3A_1106 = arith.muli %scan3A_985, %mul3A_1105 : i32
    %add3A_1107 = arith.constant 4 : i32
    %add3A_1108 = arith.addi %mul3A_1106, %add3A_1107 : i32
    %slice3A_1109 = vector.extract_strided_slice %get3A_995 {offsets = [4], sizes = [1], strides = [1]} : vector<16xi32> to vector<1xi32>
    %squeeze3A_1110 = vector.extract %slice3A_1109[0] : i32 from vector<1xi32>
    %get3A_1111 = arith.index_cast %squeeze3A_1110 : i32 to index
    %get3A_1112 = arith.constant 0 : index
    %get3A_1113 = tpu.vector_load %arg5[%get3A_1111, %get3A_1112] {strides = array<i32>} : memref<4096x16xf32, #tpu.memory_space<vmem>>, vector<1x16xf32>,
    %get3A_1114 = vector.shape_cast %get3A_1113 : vector<1x16xf32> to vector<16xf32>
    %slice3A_1115 = vector.extract_strided_slice %get3A_990 {offsets = [4], sizes = [1], strides = [1]} : vector<16xi32> to vector<1xi32>
    %squeeze3A_1116 = vector.extract %slice3A_1115[0] : i32 from vector<1xi32>
    %get3A_1117 = arith.index_cast %squeeze3A_1116 : i32 to index
    %get3A_1118 = arith.constant 0 : index
    %get3A_1119 = tpu.vector_load %arg5[%get3A_1117, %get3A_1118] {strides = array<i32>} : memref<4096x16xf32, #tpu.memory_space<vmem>>, vector<1x16xf32>,
    %get3A_1120 = vector.shape_cast %get3A_1119 : vector<1x16xf32> to vector<16xf32>
    %sub3A_1121 = arith.subf %get3A_1114, %get3A_1120 : vector<16xf32>
    %slice3A_1122 = vector.extract_strided_slice %get3A_1000 {offsets = [4], sizes = [1], strides = [1]} : vector<16xf32> to vector<1xf32>
    %squeeze3A_1123 = vector.extract %slice3A_1122[0] : f32 from vector<1xf32>
    %mul3A_1124 = vector.broadcast %squeeze3A_1123 : f32 to vector<16xf32>
    %mul3A_1125 = arith.mulf %sub3A_1121, %mul3A_1124 : vector<16xf32>
    %swap3A_1126 = arith.index_cast %add3A_1108 : i32 to index
    %swap3A_1127 = arith.constant 0 : index
    %swap3A_1128 = tpu.vector_load %arg9[%swap3A_1126, %swap3A_1127] {strides = array<i32>} : memref<512x16xf32, #tpu.memory_space<vmem>>, vector<1x16xf32>,
    %swap3A_1129 = vector.shape_cast %swap3A_1128 : vector<1x16xf32> to vector<16xf32>
    %swap3A_1130 = vector.shape_cast %mul3A_1125 : vector<16xf32> to vector<1x16xf32>
    tpu.vector_store %arg9[%swap3A_1126, %swap3A_1127], %swap3A_1130 {strides = array<i32>} : memref<512x16xf32, #tpu.memory_space<vmem>>, vector<1x16xf32>,
    %mul3A_1131 = arith.constant 16 : i32
    %mul3A_1132 = arith.muli %scan3A_985, %mul3A_1131 : i32
    %add3A_1133 = arith.constant 5 : i32
    %add3A_1134 = arith.addi %mul3A_1132, %add3A_1133 : i32
    %slice3A_1135 = vector.extract_strided_slice %get3A_995 {offsets = [5], sizes = [1], strides = [1]} : vector<16xi32> to vector<1xi32>
    %squeeze3A_1136 = vector.extract %slice3A_1135[0] : i32 from vector<1xi32>
    %get3A_1137 = arith.index_cast %squeeze3A_1136 : i32 to index
    %get3A_1138 = arith.constant 0 : index
    %get3A_1139 = tpu.vector_load %arg5[%get3A_1137, %get3A_1138] {strides = array<i32>} : memref<4096x16xf32, #tpu.memory_space<vmem>>, vector<1x16xf32>,
    %get3A_1140 = vector.shape_cast %get3A_1139 : vector<1x16xf32> to vector<16xf32>
    %slice3A_1141 = vector.extract_strided_slice %get3A_990 {offsets = [5], sizes = [1], strides = [1]} : vector<16xi32> to vector<1xi32>
    %squeeze3A_1142 = vector.extract %slice3A_1141[0] : i32 from vector<1xi32>
    %get3A_1143 = arith.index_cast %squeeze3A_1142 : i32 to index
    %get3A_1144 = arith.constant 0 : index
    %get3A_1145 = tpu.vector_load %arg5[%get3A_1143, %get3A_1144] {strides = array<i32>} : memref<4096x16xf32, #tpu.memory_space<vmem>>, vector<1x16xf32>,
    %get3A_1146 = vector.shape_cast %get3A_1145 : vector<1x16xf32> to vector<16xf32>
    %sub3A_1147 = arith.subf %get3A_1140, %get3A_1146 : vector<16xf32>
    %slice3A_1148 = vector.extract_strided_slice %get3A_1000 {offsets = [5], sizes = [1], strides = [1]} : vector<16xf32> to vector<1xf32>
    %squeeze3A_1149 = vector.extract %slice3A_1148[0] : f32 from vector<1xf32>
    %mul3A_1150 = vector.broadcast %squeeze3A_1149 : f32 to vector<16xf32>
    %mul3A_1151 = arith.mulf %sub3A_1147, %mul3A_1150 : vector<16xf32>
    %swap3A_1152 = arith.index_cast %add3A_1134 : i32 to index
    %swap3A_1153 = arith.constant 0 : index
    %swap3A_1154 = tpu.vector_load %arg9[%swap3A_1152, %swap3A_1153] {strides = array<i32>} : memref<512x16xf32, #tpu.memory_space<vmem>>, vector<1x16xf32>,
    %swap3A_1155 = vector.shape_cast %swap3A_1154 : vector<1x16xf32> to vector<16xf32>
    %swap3A_1156 = vector.shape_cast %mul3A_1151 : vector<16xf32> to vector<1x16xf32>
    tpu.vector_store %arg9[%swap3A_1152, %swap3A_1153], %swap3A_1156 {strides = array<i32>} : memref<512x16xf32, #tpu.memory_space<vmem>>, vector<1x16xf32>,
    %mul3A_1157 = arith.constant 16 : i32
    %mul3A_1158 = arith.muli %scan3A_985, %mul3A_1157 : i32
    %add3A_1159 = arith.constant 6 : i32
    %add3A_1160 = arith.addi %mul3A_1158, %add3A_1159 : i32
    %slice3A_1161 = vector.extract_strided_slice %get3A_995 {offsets = [6], sizes = [1], strides = [1]} : vector<16xi32> to vector<1xi32>
    %squeeze3A_1162 = vector.extract %slice3A_1161[0] : i32 from vector<1xi32>
    %get3A_1163 = arith.index_cast %squeeze3A_1162 : i32 to index
    %get3A_1164 = arith.constant 0 : index
    %get3A_1165 = tpu.vector_load %arg5[%get3A_1163, %get3A_1164] {strides = array<i32>} : memref<4096x16xf32, #tpu.memory_space<vmem>>, vector<1x16xf32>,
    %get3A_1166 = vector.shape_cast %get3A_1165 : vector<1x16xf32> to vector<16xf32>
    %slice3A_1167 = vector.extract_strided_slice %get3A_990 {offsets = [6], sizes = [1], strides = [1]} : vector<16xi32> to vector<1xi32>
    %squeeze3A_1168 = vector.extract %slice3A_1167[0] : i32 from vector<1xi32>
    %get3A_1169 = arith.index_cast %squeeze3A_1168 : i32 to index
    %get3A_1170 = arith.constant 0 : index
    %get3A_1171 = tpu.vector_load %arg5[%get3A_1169, %get3A_1170] {strides = array<i32>} : memref<4096x16xf32, #tpu.memory_space<vmem>>, vector<1x16xf32>,
    %get3A_1172 = vector.shape_cast %get3A_1171 : vector<1x16xf32> to vector<16xf32>
    %sub3A_1173 = arith.subf %get3A_1166, %get3A_1172 : vector<16xf32>
    %slice3A_1174 = vector.extract_strided_slice %get3A_1000 {offsets = [6], sizes = [1], strides = [1]} : vector<16xf32> to vector<1xf32>
    %squeeze3A_1175 = vector.extract %slice3A_1174[0] : f32 from vector<1xf32>
    %mul3A_1176 = vector.broadcast %squeeze3A_1175 : f32 to vector<16xf32>
    %mul3A_1177 = arith.mulf %sub3A_1173, %mul3A_1176 : vector<16xf32>
    %swap3A_1178 = arith.index_cast %add3A_1160 : i32 to index
    %swap3A_1179 = arith.constant 0 : index
    %swap3A_1180 = tpu.vector_load %arg9[%swap3A_1178, %swap3A_1179] {strides = array<i32>} : memref<512x16xf32, #tpu.memory_space<vmem>>, vector<1x16xf32>,
    %swap3A_1181 = vector.shape_cast %swap3A_1180 : vector<1x16xf32> to vector<16xf32>
    %swap3A_1182 = vector.shape_cast %mul3A_1177 : vector<16xf32> to vector<1x16xf32>
    tpu.vector_store %arg9[%swap3A_1178, %swap3A_1179], %swap3A_1182 {strides = array<i32>} : memref<512x16xf32, #tpu.memory_space<vmem>>, vector<1x16xf32>,
    %mul3A_1183 = arith.constant 16 : i32
    %mul3A_1184 = arith.muli %scan3A_985, %mul3A_1183 : i32
    %add3A_1185 = arith.constant 7 : i32
    %add3A_1186 = arith.addi %mul3A_1184, %add3A_1185 : i32
    %slice3A_1187 = vector.extract_strided_slice %get3A_995 {offsets = [7], sizes = [1], strides = [1]} : vector<16xi32> to vector<1xi32>
    %squeeze3A_1188 = vector.extract %slice3A_1187[0] : i32 from vector<1xi32>
    %get3A_1189 = arith.index_cast %squeeze3A_1188 : i32 to index
    %get3A_1190 = arith.constant 0 : index
    %get3A_1191 = tpu.vector_load %arg5[%get3A_1189, %get3A_1190] {strides = array<i32>} : memref<4096x16xf32, #tpu.memory_space<vmem>>, vector<1x16xf32>,
    %get3A_1192 = vector.shape_cast %get3A_1191 : vector<1x16xf32> to vector<16xf32>
    %slice3A_1193 = vector.extract_strided_slice %get3A_990 {offsets = [7], sizes = [1], strides = [1]} : vector<16xi32> to vector<1xi32>
    %squeeze3A_1194 = vector.extract %slice3A_1193[0] : i32 from vector<1xi32>
    %get3A_1195 = arith.index_cast %squeeze3A_1194 : i32 to index
    %get3A_1196 = arith.constant 0 : index
    %get3A_1197 = tpu.vector_load %arg5[%get3A_1195, %get3A_1196] {strides = array<i32>} : memref<4096x16xf32, #tpu.memory_space<vmem>>, vector<1x16xf32>,
    %get3A_1198 = vector.shape_cast %get3A_1197 : vector<1x16xf32> to vector<16xf32>
    %sub3A_1199 = arith.subf %get3A_1192, %get3A_1198 : vector<16xf32>
    %slice3A_1200 = vector.extract_strided_slice %get3A_1000 {offsets = [7], sizes = [1], strides = [1]} : vector<16xf32> to vector<1xf32>
    %squeeze3A_1201 = vector.extract %slice3A_1200[0] : f32 from vector<1xf32>
    %mul3A_1202 = vector.broadcast %squeeze3A_1201 : f32 to vector<16xf32>
    %mul3A_1203 = arith.mulf %sub3A_1199, %mul3A_1202 : vector<16xf32>
    %swap3A_1204 = arith.index_cast %add3A_1186 : i32 to index
    %swap3A_1205 = arith.constant 0 : index
    %swap3A_1206 = tpu.vector_load %arg9[%swap3A_1204, %swap3A_1205] {strides = array<i32>} : memref<512x16xf32, #tpu.memory_space<vmem>>, vector<1x16xf32>,
    %swap3A_1207 = vector.shape_cast %swap3A_1206 : vector<1x16xf32> to vector<16xf32>
    %swap3A_1208 = vector.shape_cast %mul3A_1203 : vector<16xf32> to vector<1x16xf32>
    tpu.vector_store %arg9[%swap3A_1204, %swap3A_1205], %swap3A_1208 {strides = array<i32>} : memref<512x16xf32, #tpu.memory_space<vmem>>, vector<1x16xf32>,
    %mul3A_1209 = arith.constant 16 : i32
    %mul3A_1210 = arith.muli %scan3A_985, %mul3A_1209 : i32
    %add3A_1211 = arith.constant 8 : i32
    %add3A_1212 = arith.addi %mul3A_1210, %add3A_1211 : i32
    %slice3A_1213 = vector.extract_strided_slice %get3A_995 {offsets = [8], sizes = [1], strides = [1]} : vector<16xi32> to vector<1xi32>
    %squeeze3A_1214 = vector.extract %slice3A_1213[0] : i32 from vector<1xi32>
    %get3A_1215 = arith.index_cast %squeeze3A_1214 : i32 to index
    %get3A_1216 = arith.constant 0 : index
    %get3A_1217 = tpu.vector_load %arg5[%get3A_1215, %get3A_1216] {strides = array<i32>} : memref<4096x16xf32, #tpu.memory_space<vmem>>, vector<1x16xf32>,
    %get3A_1218 = vector.shape_cast %get3A_1217 : vector<1x16xf32> to vector<16xf32>
    %slice3A_1219 = vector.extract_strided_slice %get3A_990 {offsets = [8], sizes = [1], strides = [1]} : vector<16xi32> to vector<1xi32>
    %squeeze3A_1220 = vector.extract %slice3A_1219[0] : i32 from vector<1xi32>
    %get3A_1221 = arith.index_cast %squeeze3A_1220 : i32 to index
    %get3A_1222 = arith.constant 0 : index
    %get3A_1223 = tpu.vector_load %arg5[%get3A_1221, %get3A_1222] {strides = array<i32>} : memref<4096x16xf32, #tpu.memory_space<vmem>>, vector<1x16xf32>,
    %get3A_1224 = vector.shape_cast %get3A_1223 : vector<1x16xf32> to vector<16xf32>
    %sub3A_1225 = arith.subf %get3A_1218, %get3A_1224 : vector<16xf32>
    %slice3A_1226 = vector.extract_strided_slice %get3A_1000 {offsets = [8], sizes = [1], strides = [1]} : vector<16xf32> to vector<1xf32>
    %squeeze3A_1227 = vector.extract %slice3A_1226[0] : f32 from vector<1xf32>
    %mul3A_1228 = vector.broadcast %squeeze3A_1227 : f32 to vector<16xf32>
    %mul3A_1229 = arith.mulf %sub3A_1225, %mul3A_1228 : vector<16xf32>
    %swap3A_1230 = arith.index_cast %add3A_1212 : i32 to index
    %swap3A_1231 = arith.constant 0 : index
    %swap3A_1232 = tpu.vector_load %arg9[%swap3A_1230, %swap3A_1231] {strides = array<i32>} : memref<512x16xf32, #tpu.memory_space<vmem>>, vector<1x16xf32>,
    %swap3A_1233 = vector.shape_cast %swap3A_1232 : vector<1x16xf32> to vector<16xf32>
    %swap3A_1234 = vector.shape_cast %mul3A_1229 : vector<16xf32> to vector<1x16xf32>
    tpu.vector_store %arg9[%swap3A_1230, %swap3A_1231], %swap3A_1234 {strides = array<i32>} : memref<512x16xf32, #tpu.memory_space<vmem>>, vector<1x16xf32>,
    %mul3A_1235 = arith.constant 16 : i32
    %mul3A_1236 = arith.muli %scan3A_985, %mul3A_1235 : i32
    %add3A_1237 = arith.constant 9 : i32
    %add3A_1238 = arith.addi %mul3A_1236, %add3A_1237 : i32
    %slice3A_1239 = vector.extract_strided_slice %get3A_995 {offsets = [9], sizes = [1], strides = [1]} : vector<16xi32> to vector<1xi32>
    %squeeze3A_1240 = vector.extract %slice3A_1239[0] : i32 from vector<1xi32>
    %get3A_1241 = arith.index_cast %squeeze3A_1240 : i32 to index
    %get3A_1242 = arith.constant 0 : index
    %get3A_1243 = tpu.vector_load %arg5[%get3A_1241, %get3A_1242] {strides = array<i32>} : memref<4096x16xf32, #tpu.memory_space<vmem>>, vector<1x16xf32>,
    %get3A_1244 = vector.shape_cast %get3A_1243 : vector<1x16xf32> to vector<16xf32>
    %slice3A_1245 = vector.extract_strided_slice %get3A_990 {offsets = [9], sizes = [1], strides = [1]} : vector<16xi32> to vector<1xi32>
    %squeeze3A_1246 = vector.extract %slice3A_1245[0] : i32 from vector<1xi32>
    %get3A_1247 = arith.index_cast %squeeze3A_1246 : i32 to index
    %get3A_1248 = arith.constant 0 : index
    %get3A_1249 = tpu.vector_load %arg5[%get3A_1247, %get3A_1248] {strides = array<i32>} : memref<4096x16xf32, #tpu.memory_space<vmem>>, vector<1x16xf32>,
    %get3A_1250 = vector.shape_cast %get3A_1249 : vector<1x16xf32> to vector<16xf32>
    %sub3A_1251 = arith.subf %get3A_1244, %get3A_1250 : vector<16xf32>
    %slice3A_1252 = vector.extract_strided_slice %get3A_1000 {offsets = [9], sizes = [1], strides = [1]} : vector<16xf32> to vector<1xf32>
    %squeeze3A_1253 = vector.extract %slice3A_1252[0] : f32 from vector<1xf32>
    %mul3A_1254 = vector.broadcast %squeeze3A_1253 : f32 to vector<16xf32>
    %mul3A_1255 = arith.mulf %sub3A_1251, %mul3A_1254 : vector<16xf32>
    %swap3A_1256 = arith.index_cast %add3A_1238 : i32 to index
    %swap3A_1257 = arith.constant 0 : index
    %swap3A_1258 = tpu.vector_load %arg9[%swap3A_1256, %swap3A_1257] {strides = array<i32>} : memref<512x16xf32, #tpu.memory_space<vmem>>, vector<1x16xf32>,
    %swap3A_1259 = vector.shape_cast %swap3A_1258 : vector<1x16xf32> to vector<16xf32>
    %swap3A_1260 = vector.shape_cast %mul3A_1255 : vector<16xf32> to vector<1x16xf32>
    tpu.vector_store %arg9[%swap3A_1256, %swap3A_1257], %swap3A_1260 {strides = array<i32>} : memref<512x16xf32, #tpu.memory_space<vmem>>, vector<1x16xf32>,
    %mul3A_1261 = arith.constant 16 : i32
    %mul3A_1262 = arith.muli %scan3A_985, %mul3A_1261 : i32
    %add3A_1263 = arith.constant 10 : i32
    %add3A_1264 = arith.addi %mul3A_1262, %add3A_1263 : i32
    %slice3A_1265 = vector.extract_strided_slice %get3A_995 {offsets = [10], sizes = [1], strides = [1]} : vector<16xi32> to vector<1xi32>
    %squeeze3A_1266 = vector.extract %slice3A_1265[0] : i32 from vector<1xi32>
    %get3A_1267 = arith.index_cast %squeeze3A_1266 : i32 to index
    %get3A_1268 = arith.constant 0 : index
    %get3A_1269 = tpu.vector_load %arg5[%get3A_1267, %get3A_1268] {strides = array<i32>} : memref<4096x16xf32, #tpu.memory_space<vmem>>, vector<1x16xf32>,
    %get3A_1270 = vector.shape_cast %get3A_1269 : vector<1x16xf32> to vector<16xf32>
    %slice3A_1271 = vector.extract_strided_slice %get3A_990 {offsets = [10], sizes = [1], strides = [1]} : vector<16xi32> to vector<1xi32>
    %squeeze3A_1272 = vector.extract %slice3A_1271[0] : i32 from vector<1xi32>
    %get3A_1273 = arith.index_cast %squeeze3A_1272 : i32 to index
    %get3A_1274 = arith.constant 0 : index
    %get3A_1275 = tpu.vector_load %arg5[%get3A_1273, %get3A_1274] {strides = array<i32>} : memref<4096x16xf32, #tpu.memory_space<vmem>>, vector<1x16xf32>,
    %get3A_1276 = vector.shape_cast %get3A_1275 : vector<1x16xf32> to vector<16xf32>
    %sub3A_1277 = arith.subf %get3A_1270, %get3A_1276 : vector<16xf32>
    %slice3A_1278 = vector.extract_strided_slice %get3A_1000 {offsets = [10], sizes = [1], strides = [1]} : vector<16xf32> to vector<1xf32>
    %squeeze3A_1279 = vector.extract %slice3A_1278[0] : f32 from vector<1xf32>
    %mul3A_1280 = vector.broadcast %squeeze3A_1279 : f32 to vector<16xf32>
    %mul3A_1281 = arith.mulf %sub3A_1277, %mul3A_1280 : vector<16xf32>
    %swap3A_1282 = arith.index_cast %add3A_1264 : i32 to index
    %swap3A_1283 = arith.constant 0 : index
    %swap3A_1284 = tpu.vector_load %arg9[%swap3A_1282, %swap3A_1283] {strides = array<i32>} : memref<512x16xf32, #tpu.memory_space<vmem>>, vector<1x16xf32>,
    %swap3A_1285 = vector.shape_cast %swap3A_1284 : vector<1x16xf32> to vector<16xf32>
    %swap3A_1286 = vector.shape_cast %mul3A_1281 : vector<16xf32> to vector<1x16xf32>
    tpu.vector_store %arg9[%swap3A_1282, %swap3A_1283], %swap3A_1286 {strides = array<i32>} : memref<512x16xf32, #tpu.memory_space<vmem>>, vector<1x16xf32>,
    %mul3A_1287 = arith.constant 16 : i32
    %mul3A_1288 = arith.muli %scan3A_985, %mul3A_1287 : i32
    %add3A_1289 = arith.constant 11 : i32
    %add3A_1290 = arith.addi %mul3A_1288, %add3A_1289 : i32
    %slice3A_1291 = vector.extract_strided_slice %get3A_995 {offsets = [11], sizes = [1], strides = [1]} : vector<16xi32> to vector<1xi32>
    %squeeze3A_1292 = vector.extract %slice3A_1291[0] : i32 from vector<1xi32>
    %get3A_1293 = arith.index_cast %squeeze3A_1292 : i32 to index
    %get3A_1294 = arith.constant 0 : index
    %get3A_1295 = tpu.vector_load %arg5[%get3A_1293, %get3A_1294] {strides = array<i32>} : memref<4096x16xf32, #tpu.memory_space<vmem>>, vector<1x16xf32>,
    %get3A_1296 = vector.shape_cast %get3A_1295 : vector<1x16xf32> to vector<16xf32>
    %slice3A_1297 = vector.extract_strided_slice %get3A_990 {offsets = [11], sizes = [1], strides = [1]} : vector<16xi32> to vector<1xi32>
    %squeeze3A_1298 = vector.extract %slice3A_1297[0] : i32 from vector<1xi32>
    %get3A_1299 = arith.index_cast %squeeze3A_1298 : i32 to index
    %get3A_1300 = arith.constant 0 : index
    %get3A_1301 = tpu.vector_load %arg5[%get3A_1299, %get3A_1300] {strides = array<i32>} : memref<4096x16xf32, #tpu.memory_space<vmem>>, vector<1x16xf32>,
    %get3A_1302 = vector.shape_cast %get3A_1301 : vector<1x16xf32> to vector<16xf32>
    %sub3A_1303 = arith.subf %get3A_1296, %get3A_1302 : vector<16xf32>
    %slice3A_1304 = vector.extract_strided_slice %get3A_1000 {offsets = [11], sizes = [1], strides = [1]} : vector<16xf32> to vector<1xf32>
    %squeeze3A_1305 = vector.extract %slice3A_1304[0] : f32 from vector<1xf32>
    %mul3A_1306 = vector.broadcast %squeeze3A_1305 : f32 to vector<16xf32>
    %mul3A_1307 = arith.mulf %sub3A_1303, %mul3A_1306 : vector<16xf32>
    %swap3A_1308 = arith.index_cast %add3A_1290 : i32 to index
    %swap3A_1309 = arith.constant 0 : index
    %swap3A_1310 = tpu.vector_load %arg9[%swap3A_1308, %swap3A_1309] {strides = array<i32>} : memref<512x16xf32, #tpu.memory_space<vmem>>, vector<1x16xf32>,
    %swap3A_1311 = vector.shape_cast %swap3A_1310 : vector<1x16xf32> to vector<16xf32>
    %swap3A_1312 = vector.shape_cast %mul3A_1307 : vector<16xf32> to vector<1x16xf32>
    tpu.vector_store %arg9[%swap3A_1308, %swap3A_1309], %swap3A_1312 {strides = array<i32>} : memref<512x16xf32, #tpu.memory_space<vmem>>, vector<1x16xf32>,
    %mul3A_1313 = arith.constant 16 : i32
    %mul3A_1314 = arith.muli %scan3A_985, %mul3A_1313 : i32
    %add3A_1315 = arith.constant 12 : i32
    %add3A_1316 = arith.addi %mul3A_1314, %add3A_1315 : i32
    %slice3A_1317 = vector.extract_strided_slice %get3A_995 {offsets = [12], sizes = [1], strides = [1]} : vector<16xi32> to vector<1xi32>
    %squeeze3A_1318 = vector.extract %slice3A_1317[0] : i32 from vector<1xi32>
    %get3A_1319 = arith.index_cast %squeeze3A_1318 : i32 to index
    %get3A_1320 = arith.constant 0 : index
    %get3A_1321 = tpu.vector_load %arg5[%get3A_1319, %get3A_1320] {strides = array<i32>} : memref<4096x16xf32, #tpu.memory_space<vmem>>, vector<1x16xf32>,
    %get3A_1322 = vector.shape_cast %get3A_1321 : vector<1x16xf32> to vector<16xf32>
    %slice3A_1323 = vector.extract_strided_slice %get3A_990 {offsets = [12], sizes = [1], strides = [1]} : vector<16xi32> to vector<1xi32>
    %squeeze3A_1324 = vector.extract %slice3A_1323[0] : i32 from vector<1xi32>
    %get3A_1325 = arith.index_cast %squeeze3A_1324 : i32 to index
    %get3A_1326 = arith.constant 0 : index
    %get3A_1327 = tpu.vector_load %arg5[%get3A_1325, %get3A_1326] {strides = array<i32>} : memref<4096x16xf32, #tpu.memory_space<vmem>>, vector<1x16xf32>,
    %get3A_1328 = vector.shape_cast %get3A_1327 : vector<1x16xf32> to vector<16xf32>
    %sub3A_1329 = arith.subf %get3A_1322, %get3A_1328 : vector<16xf32>
    %slice3A_1330 = vector.extract_strided_slice %get3A_1000 {offsets = [12], sizes = [1], strides = [1]} : vector<16xf32> to vector<1xf32>
    %squeeze3A_1331 = vector.extract %slice3A_1330[0] : f32 from vector<1xf32>
    %mul3A_1332 = vector.broadcast %squeeze3A_1331 : f32 to vector<16xf32>
    %mul3A_1333 = arith.mulf %sub3A_1329, %mul3A_1332 : vector<16xf32>
    %swap3A_1334 = arith.index_cast %add3A_1316 : i32 to index
    %swap3A_1335 = arith.constant 0 : index
    %swap3A_1336 = tpu.vector_load %arg9[%swap3A_1334, %swap3A_1335] {strides = array<i32>} : memref<512x16xf32, #tpu.memory_space<vmem>>, vector<1x16xf32>,
    %swap3A_1337 = vector.shape_cast %swap3A_1336 : vector<1x16xf32> to vector<16xf32>
    %swap3A_1338 = vector.shape_cast %mul3A_1333 : vector<16xf32> to vector<1x16xf32>
    tpu.vector_store %arg9[%swap3A_1334, %swap3A_1335], %swap3A_1338 {strides = array<i32>} : memref<512x16xf32, #tpu.memory_space<vmem>>, vector<1x16xf32>,
    %mul3A_1339 = arith.constant 16 : i32
    %mul3A_1340 = arith.muli %scan3A_985, %mul3A_1339 : i32
    %add3A_1341 = arith.constant 13 : i32
    %add3A_1342 = arith.addi %mul3A_1340, %add3A_1341 : i32
    %slice3A_1343 = vector.extract_strided_slice %get3A_995 {offsets = [13], sizes = [1], strides = [1]} : vector<16xi32> to vector<1xi32>
    %squeeze3A_1344 = vector.extract %slice3A_1343[0] : i32 from vector<1xi32>
    %get3A_1345 = arith.index_cast %squeeze3A_1344 : i32 to index
    %get3A_1346 = arith.constant 0 : index
    %get3A_1347 = tpu.vector_load %arg5[%get3A_1345, %get3A_1346] {strides = array<i32>} : memref<4096x16xf32, #tpu.memory_space<vmem>>, vector<1x16xf32>,
    %get3A_1348 = vector.shape_cast %get3A_1347 : vector<1x16xf32> to vector<16xf32>
    %slice3A_1349 = vector.extract_strided_slice %get3A_990 {offsets = [13], sizes = [1], strides = [1]} : vector<16xi32> to vector<1xi32>
    %squeeze3A_1350 = vector.extract %slice3A_1349[0] : i32 from vector<1xi32>
    %get3A_1351 = arith.index_cast %squeeze3A_1350 : i32 to index
    %get3A_1352 = arith.constant 0 : index
    %get3A_1353 = tpu.vector_load %arg5[%get3A_1351, %get3A_1352] {strides = array<i32>} : memref<4096x16xf32, #tpu.memory_space<vmem>>, vector<1x16xf32>,
    %get3A_1354 = vector.shape_cast %get3A_1353 : vector<1x16xf32> to vector<16xf32>
    %sub3A_1355 = arith.subf %get3A_1348, %get3A_1354 : vector<16xf32>
    %slice3A_1356 = vector.extract_strided_slice %get3A_1000 {offsets = [13], sizes = [1], strides = [1]} : vector<16xf32> to vector<1xf32>
    %squeeze3A_1357 = vector.extract %slice3A_1356[0] : f32 from vector<1xf32>
    %mul3A_1358 = vector.broadcast %squeeze3A_1357 : f32 to vector<16xf32>
    %mul3A_1359 = arith.mulf %sub3A_1355, %mul3A_1358 : vector<16xf32>
    %swap3A_1360 = arith.index_cast %add3A_1342 : i32 to index
    %swap3A_1361 = arith.constant 0 : index
    %swap3A_1362 = tpu.vector_load %arg9[%swap3A_1360, %swap3A_1361] {strides = array<i32>} : memref<512x16xf32, #tpu.memory_space<vmem>>, vector<1x16xf32>,
    %swap3A_1363 = vector.shape_cast %swap3A_1362 : vector<1x16xf32> to vector<16xf32>
    %swap3A_1364 = vector.shape_cast %mul3A_1359 : vector<16xf32> to vector<1x16xf32>
    tpu.vector_store %arg9[%swap3A_1360, %swap3A_1361], %swap3A_1364 {strides = array<i32>} : memref<512x16xf32, #tpu.memory_space<vmem>>, vector<1x16xf32>,
    %mul3A_1365 = arith.constant 16 : i32
    %mul3A_1366 = arith.muli %scan3A_985, %mul3A_1365 : i32
    %add3A_1367 = arith.constant 14 : i32
    %add3A_1368 = arith.addi %mul3A_1366, %add3A_1367 : i32
    %slice3A_1369 = vector.extract_strided_slice %get3A_995 {offsets = [14], sizes = [1], strides = [1]} : vector<16xi32> to vector<1xi32>
    %squeeze3A_1370 = vector.extract %slice3A_1369[0] : i32 from vector<1xi32>
    %get3A_1371 = arith.index_cast %squeeze3A_1370 : i32 to index
    %get3A_1372 = arith.constant 0 : index
    %get3A_1373 = tpu.vector_load %arg5[%get3A_1371, %get3A_1372] {strides = array<i32>} : memref<4096x16xf32, #tpu.memory_space<vmem>>, vector<1x16xf32>,
    %get3A_1374 = vector.shape_cast %get3A_1373 : vector<1x16xf32> to vector<16xf32>
    %slice3A_1375 = vector.extract_strided_slice %get3A_990 {offsets = [14], sizes = [1], strides = [1]} : vector<16xi32> to vector<1xi32>
    %squeeze3A_1376 = vector.extract %slice3A_1375[0] : i32 from vector<1xi32>
    %get3A_1377 = arith.index_cast %squeeze3A_1376 : i32 to index
    %get3A_1378 = arith.constant 0 : index
    %get3A_1379 = tpu.vector_load %arg5[%get3A_1377, %get3A_1378] {strides = array<i32>} : memref<4096x16xf32, #tpu.memory_space<vmem>>, vector<1x16xf32>,
    %get3A_1380 = vector.shape_cast %get3A_1379 : vector<1x16xf32> to vector<16xf32>
    %sub3A_1381 = arith.subf %get3A_1374, %get3A_1380 : vector<16xf32>
    %slice3A_1382 = vector.extract_strided_slice %get3A_1000 {offsets = [14], sizes = [1], strides = [1]} : vector<16xf32> to vector<1xf32>
    %squeeze3A_1383 = vector.extract %slice3A_1382[0] : f32 from vector<1xf32>
    %mul3A_1384 = vector.broadcast %squeeze3A_1383 : f32 to vector<16xf32>
    %mul3A_1385 = arith.mulf %sub3A_1381, %mul3A_1384 : vector<16xf32>
    %swap3A_1386 = arith.index_cast %add3A_1368 : i32 to index
    %swap3A_1387 = arith.constant 0 : index
    %swap3A_1388 = tpu.vector_load %arg9[%swap3A_1386, %swap3A_1387] {strides = array<i32>} : memref<512x16xf32, #tpu.memory_space<vmem>>, vector<1x16xf32>,
    %swap3A_1389 = vector.shape_cast %swap3A_1388 : vector<1x16xf32> to vector<16xf32>
    %swap3A_1390 = vector.shape_cast %mul3A_1385 : vector<16xf32> to vector<1x16xf32>
    tpu.vector_store %arg9[%swap3A_1386, %swap3A_1387], %swap3A_1390 {strides = array<i32>} : memref<512x16xf32, #tpu.memory_space<vmem>>, vector<1x16xf32>,
    %mul3A_1391 = arith.constant 16 : i32
    %mul3A_1392 = arith.muli %scan3A_985, %mul3A_1391 : i32
    %add3A_1393 = arith.constant 15 : i32
    %add3A_1394 = arith.addi %mul3A_1392, %add3A_1393 : i32
    %slice3A_1395 = vector.extract_strided_slice %get3A_995 {offsets = [15], sizes = [1], strides = [1]} : vector<16xi32> to vector<1xi32>
    %squeeze3A_1396 = vector.extract %slice3A_1395[0] : i32 from vector<1xi32>
    %get3A_1397 = arith.index_cast %squeeze3A_1396 : i32 to index
    %get3A_1398 = arith.constant 0 : index
    %get3A_1399 = tpu.vector_load %arg5[%get3A_1397, %get3A_1398] {strides = array<i32>} : memref<4096x16xf32, #tpu.memory_space<vmem>>, vector<1x16xf32>,
    %get3A_1400 = vector.shape_cast %get3A_1399 : vector<1x16xf32> to vector<16xf32>
    %slice3A_1401 = vector.extract_strided_slice %get3A_990 {offsets = [15], sizes = [1], strides = [1]} : vector<16xi32> to vector<1xi32>
    %squeeze3A_1402 = vector.extract %slice3A_1401[0] : i32 from vector<1xi32>
    %get3A_1403 = arith.index_cast %squeeze3A_1402 : i32 to index
    %get3A_1404 = arith.constant 0 : index
    %get3A_1405 = tpu.vector_load %arg5[%get3A_1403, %get3A_1404] {strides = array<i32>} : memref<4096x16xf32, #tpu.memory_space<vmem>>, vector<1x16xf32>,
    %get3A_1406 = vector.shape_cast %get3A_1405 : vector<1x16xf32> to vector<16xf32>
    %sub3A_1407 = arith.subf %get3A_1400, %get3A_1406 : vector<16xf32>
    %slice3A_1408 = vector.extract_strided_slice %get3A_1000 {offsets = [15], sizes = [1], strides = [1]} : vector<16xf32> to vector<1xf32>
    %squeeze3A_1409 = vector.extract %slice3A_1408[0] : f32 from vector<1xf32>
    %mul3A_1410 = vector.broadcast %squeeze3A_1409 : f32 to vector<16xf32>
    %mul3A_1411 = arith.mulf %sub3A_1407, %mul3A_1410 : vector<16xf32>
    %swap3A_1412 = arith.index_cast %add3A_1394 : i32 to index
    %swap3A_1413 = arith.constant 0 : index
    %swap3A_1414 = tpu.vector_load %arg9[%swap3A_1412, %swap3A_1413] {strides = array<i32>} : memref<512x16xf32, #tpu.memory_space<vmem>>, vector<1x16xf32>,
    %swap3A_1415 = vector.shape_cast %swap3A_1414 : vector<1x16xf32> to vector<16xf32>
    %swap3A_1416 = vector.shape_cast %mul3A_1411 : vector<16xf32> to vector<1x16xf32>
    tpu.vector_store %arg9[%swap3A_1412, %swap3A_1413], %swap3A_1416 {strides = array<i32>} : memref<512x16xf32, #tpu.memory_space<vmem>>, vector<1x16xf32>,
    %scan3A_1417 = arith.constant 0 : i32
    %scan3A_1418 = arith.constant 1 : i32
    %mul3A_1419 = arith.constant 16 : i32
    %mul3A_1420 = arith.muli %add3A_963, %mul3A_1419 : i32
    "tpu.region"() ({
      %run_scoped3A = tpu.sem_alloc : memref<!tpu.dma_semaphore, #tpu.memory_space<semaphore_mem>>
      %dma_start3A = arith.constant 0 : i32
      %dma_start3A_1882 = tpu.memref_slice %arg4[%select_n3A, %dma_start3A, %mul3A_1420] : memref<16x512x128xf32, #tpu.memory_space<hbm>> -> memref<1x512x16xf32, #tpu.memory_space<hbm>>
      %dma_start3A_1883 = tpu.memref_squeeze %dma_start3A_1882 : memref<1x512x16xf32, #tpu.memory_space<hbm>> -> memref<512x16xf32, #tpu.memory_space<hbm>>
      %dma_start3A_1884 = arith.constant 0 : i32
      %dma_start3A_1885 = tpu.memref_slice %arg4[%select_n3A, %dma_start3A_1884, %mul3A_1420] : memref<16x512x128xf32, #tpu.memory_space<hbm>> -> memref<1x512x16xf32, #tpu.memory_space<hbm>>
      %dma_start3A_1886 = tpu.memref_squeeze %dma_start3A_1885 : memref<1x512x16xf32, #tpu.memory_space<hbm>> -> memref<512x16xf32, #tpu.memory_space<hbm>>
      tpu.enqueue_dma source(%arg9 : memref<512x16xf32, #tpu.memory_space<vmem>>) target(%dma_start3A_1886 : memref<512x16xf32, #tpu.memory_space<hbm>>) target_semaphore(%run_scoped3A : memref<!tpu.dma_semaphore, #tpu.memory_space<semaphore_mem>>)
      %dma_wait3A = arith.constant 0 : i32
      %dma_wait3A_1887 = tpu.memref_slice %arg4[%select_n3A, %dma_wait3A, %mul3A_1420] : memref<16x512x128xf32, #tpu.memory_space<hbm>> -> memref<1x512x16xf32, #tpu.memory_space<hbm>>
      %dma_wait3A_1888 = tpu.memref_squeeze %dma_wait3A_1887 : memref<1x512x16xf32, #tpu.memory_space<hbm>> -> memref<512x16xf32, #tpu.memory_space<hbm>>
      %dma_wait3A_1889 = arith.constant 0 : i32
      %dma_wait3A_1890 = tpu.memref_slice %arg4[%select_n3A, %dma_wait3A_1889, %mul3A_1420] : memref<16x512x128xf32, #tpu.memory_space<hbm>> -> memref<1x512x16xf32, #tpu.memory_space<hbm>>
      %dma_wait3A_1891 = tpu.memref_squeeze %dma_wait3A_1890 : memref<1x512x16xf32, #tpu.memory_space<hbm>> -> memref<512x16xf32, #tpu.memory_space<hbm>>
      tpu.wait_dma2 semaphore(%run_scoped3A : memref<!tpu.dma_semaphore, #tpu.memory_space<semaphore_mem>>) src(%arg9 : memref<512x16xf32, #tpu.memory_space<vmem>>) dst(%dma_wait3A_1891 : memref<512x16xf32, #tpu.memory_space<hbm>>)
      tpu.yield
    }) : () -> ()
    %mul3A_1421 = arith.constant 4 : i32
    %mul3A_1422 = arith.muli %select_n3A_30, %mul3A_1421 : i32
    %add3A_1423 = arith.constant 3 : i32
    %add3A_1424 = arith.addi %mul3A_1422, %add3A_1423 : i32
    %mul3A_1425 = arith.constant 16 : i32
    %mul3A_1426 = arith.muli %add3A_1424, %mul3A_1425 : i32
    "tpu.region"() ({
      %run_scoped3A = tpu.sem_alloc : memref<!tpu.dma_semaphore, #tpu.memory_space<semaphore_mem>>
      %dma_start3A = arith.constant 0 : i32
      %dma_start3A_1882 = tpu.memref_slice %arg2[%select_n3A, %dma_start3A, %mul3A_1426] : memref<16x4096x128xf32, #tpu.memory_space<hbm>> -> memref<1x4096x16xf32, #tpu.memory_space<hbm>>
      %dma_start3A_1883 = tpu.memref_squeeze %dma_start3A_1882 : memref<1x4096x16xf32, #tpu.memory_space<hbm>> -> memref<4096x16xf32, #tpu.memory_space<hbm>>
      %dma_start3A_1884 = arith.constant 0 : i32
      %dma_start3A_1885 = tpu.memref_slice %arg2[%select_n3A, %dma_start3A_1884, %mul3A_1426] : memref<16x4096x128xf32, #tpu.memory_space<hbm>> -> memref<1x4096x16xf32, #tpu.memory_space<hbm>>
      %dma_start3A_1886 = tpu.memref_squeeze %dma_start3A_1885 : memref<1x4096x16xf32, #tpu.memory_space<hbm>> -> memref<4096x16xf32, #tpu.memory_space<hbm>>
      tpu.enqueue_dma source(%dma_start3A_1886 : memref<4096x16xf32, #tpu.memory_space<hbm>>) target(%arg5 : memref<4096x16xf32, #tpu.memory_space<vmem>>) target_semaphore(%run_scoped3A : memref<!tpu.dma_semaphore, #tpu.memory_space<semaphore_mem>>)
      %dma_wait3A = arith.constant 0 : i32
      %dma_wait3A_1887 = tpu.memref_slice %arg2[%select_n3A, %dma_wait3A, %mul3A_1426] : memref<16x4096x128xf32, #tpu.memory_space<hbm>> -> memref<1x4096x16xf32, #tpu.memory_space<hbm>>
      %dma_wait3A_1888 = tpu.memref_squeeze %dma_wait3A_1887 : memref<1x4096x16xf32, #tpu.memory_space<hbm>> -> memref<4096x16xf32, #tpu.memory_space<hbm>>
      %dma_wait3A_1889 = arith.constant 0 : i32
      %dma_wait3A_1890 = tpu.memref_slice %arg2[%select_n3A, %dma_wait3A_1889, %mul3A_1426] : memref<16x4096x128xf32, #tpu.memory_space<hbm>> -> memref<1x4096x16xf32, #tpu.memory_space<hbm>>
      %dma_wait3A_1891 = tpu.memref_squeeze %dma_wait3A_1890 : memref<1x4096x16xf32, #tpu.memory_space<hbm>> -> memref<4096x16xf32, #tpu.memory_space<hbm>>
      tpu.wait_dma2 semaphore(%run_scoped3A : memref<!tpu.dma_semaphore, #tpu.memory_space<semaphore_mem>>) src(%dma_wait3A_1891 : memref<4096x16xf32, #tpu.memory_space<hbm>>) dst(%arg5 : memref<4096x16xf32, #tpu.memory_space<vmem>>)
      tpu.yield
    }) : () -> ()
    %broadcast_in_dim3A_1427 = arith.constant 0.000000e+00 : f32
    %broadcast_in_dim3A_1428 = vector.broadcast %broadcast_in_dim3A_1427 : f32 to vector<16xf32>
    %scan3A_1429 = arith.constant 0 : i32
    %scan3A_1430 = arith.constant 0 : i32
    %scan3A_1431 = arith.addi %scan3A_1429, %scan3A_1430 : i32
    %scan3A_1432 = arith.constant 0 : i32
    %scan3A_1433 = arith.addi %scan3A_1429, %scan3A_1432 : i32
    %get3A_1434 = arith.index_cast %scan3A_1433 : i32 to index
    %get3A_1435 = arith.constant 0 : index
    %get3A_1436 = tpu.vector_load %arg5[%get3A_1434, %get3A_1435] {strides = array<i32>} : memref<4096x16xf32, #tpu.memory_space<vmem>>, vector<1x16xf32>,
    %get3A_1437 = vector.shape_cast %get3A_1436 : vector<1x16xf32> to vector<16xf32>
    %add3A_1438 = arith.addf %broadcast_in_dim3A_1428, %get3A_1437 : vector<16xf32>
    %swap3A_1439 = arith.index_cast %scan3A_1433 : i32 to index
    %swap3A_1440 = arith.constant 0 : index
    %swap3A_1441 = tpu.vector_load %arg5[%swap3A_1439, %swap3A_1440] {strides = array<i32>} : memref<4096x16xf32, #tpu.memory_space<vmem>>, vector<1x16xf32>,
    %swap3A_1442 = vector.shape_cast %swap3A_1441 : vector<1x16xf32> to vector<16xf32>
    %swap3A_1443 = vector.shape_cast %add3A_1438 : vector<16xf32> to vector<1x16xf32>
    tpu.vector_store %arg5[%swap3A_1439, %swap3A_1440], %swap3A_1443 {strides = array<i32>} : memref<4096x16xf32, #tpu.memory_space<vmem>>, vector<1x16xf32>,
    %scan3A_1444 = arith.constant 1 : i32
    %scan3A_1445 = arith.constant 0 : i32
    %scan3A_1446 = arith.constant 0 : i32
    %mul3A_1447 = arith.constant 16 : i32
    %mul3A_1448 = arith.muli %scan3A_1446, %mul3A_1447 : i32
    %get3A_1449 = arith.index_cast %mul3A_1448 : i32 to index
    %get3A_1450 = tpu.vector_load %arg6[%get3A_1449] {strides = array<i32>} : memref<512xi32, #tpu.memory_space<vmem>>, vector<16xi32>,
    %get3A_1451 = vector.shape_cast %get3A_1450 : vector<16xi32> to vector<16xi32>
    %mul3A_1452 = arith.constant 16 : i32
    %mul3A_1453 = arith.muli %scan3A_1446, %mul3A_1452 : i32
    %get3A_1454 = arith.index_cast %mul3A_1453 : i32 to index
    %get3A_1455 = tpu.vector_load %arg7[%get3A_1454] {strides = array<i32>} : memref<512xi32, #tpu.memory_space<vmem>>, vector<16xi32>,
    %get3A_1456 = vector.shape_cast %get3A_1455 : vector<16xi32> to vector<16xi32>
    %mul3A_1457 = arith.constant 16 : i32
    %mul3A_1458 = arith.muli %scan3A_1446, %mul3A_1457 : i32
    %get3A_1459 = arith.index_cast %mul3A_1458 : i32 to index
    %get3A_1460 = tpu.vector_load %arg8[%get3A_1459] {strides = array<i32>} : memref<512xf32, #tpu.memory_space<vmem>>, vector<16xf32>,
    %get3A_1461 = vector.shape_cast %get3A_1460 : vector<16xf32> to vector<16xf32>
    %mul3A_1462 = arith.constant 16 : i32
    %mul3A_1463 = arith.muli %scan3A_1446, %mul3A_1462 : i32
    %add3A_1464 = arith.constant 0 : i32
    %add3A_1465 = arith.addi %mul3A_1463, %add3A_1464 : i32
    %slice3A_1466 = vector.extract_strided_slice %get3A_1456 {offsets = [0], sizes = [1], strides = [1]} : vector<16xi32> to vector<1xi32>
    %squeeze3A_1467 = vector.extract %slice3A_1466[0] : i32 from vector<1xi32>
    %get3A_1468 = arith.index_cast %squeeze3A_1467 : i32 to index
    %get3A_1469 = arith.constant 0 : index
    %get3A_1470 = tpu.vector_load %arg5[%get3A_1468, %get3A_1469] {strides = array<i32>} : memref<4096x16xf32, #tpu.memory_space<vmem>>, vector<1x16xf32>,
    %get3A_1471 = vector.shape_cast %get3A_1470 : vector<1x16xf32> to vector<16xf32>
    %slice3A_1472 = vector.extract_strided_slice %get3A_1451 {offsets = [0], sizes = [1], strides = [1]} : vector<16xi32> to vector<1xi32>
    %squeeze3A_1473 = vector.extract %slice3A_1472[0] : i32 from vector<1xi32>
    %get3A_1474 = arith.index_cast %squeeze3A_1473 : i32 to index
    %get3A_1475 = arith.constant 0 : index
    %get3A_1476 = tpu.vector_load %arg5[%get3A_1474, %get3A_1475] {strides = array<i32>} : memref<4096x16xf32, #tpu.memory_space<vmem>>, vector<1x16xf32>,
    %get3A_1477 = vector.shape_cast %get3A_1476 : vector<1x16xf32> to vector<16xf32>
    %sub3A_1478 = arith.subf %get3A_1471, %get3A_1477 : vector<16xf32>
    %slice3A_1479 = vector.extract_strided_slice %get3A_1461 {offsets = [0], sizes = [1], strides = [1]} : vector<16xf32> to vector<1xf32>
    %squeeze3A_1480 = vector.extract %slice3A_1479[0] : f32 from vector<1xf32>
    %mul3A_1481 = vector.broadcast %squeeze3A_1480 : f32 to vector<16xf32>
    %mul3A_1482 = arith.mulf %sub3A_1478, %mul3A_1481 : vector<16xf32>
    %swap3A_1483 = arith.index_cast %add3A_1465 : i32 to index
    %swap3A_1484 = arith.constant 0 : index
    %swap3A_1485 = tpu.vector_load %arg9[%swap3A_1483, %swap3A_1484] {strides = array<i32>} : memref<512x16xf32, #tpu.memory_space<vmem>>, vector<1x16xf32>,
    %swap3A_1486 = vector.shape_cast %swap3A_1485 : vector<1x16xf32> to vector<16xf32>
    %swap3A_1487 = vector.shape_cast %mul3A_1482 : vector<16xf32> to vector<1x16xf32>
    tpu.vector_store %arg9[%swap3A_1483, %swap3A_1484], %swap3A_1487 {strides = array<i32>} : memref<512x16xf32, #tpu.memory_space<vmem>>, vector<1x16xf32>,
    %mul3A_1488 = arith.constant 16 : i32
    %mul3A_1489 = arith.muli %scan3A_1446, %mul3A_1488 : i32
    %add3A_1490 = arith.constant 1 : i32
    %add3A_1491 = arith.addi %mul3A_1489, %add3A_1490 : i32
    %slice3A_1492 = vector.extract_strided_slice %get3A_1456 {offsets = [1], sizes = [1], strides = [1]} : vector<16xi32> to vector<1xi32>
    %squeeze3A_1493 = vector.extract %slice3A_1492[0] : i32 from vector<1xi32>
    %get3A_1494 = arith.index_cast %squeeze3A_1493 : i32 to index
    %get3A_1495 = arith.constant 0 : index
    %get3A_1496 = tpu.vector_load %arg5[%get3A_1494, %get3A_1495] {strides = array<i32>} : memref<4096x16xf32, #tpu.memory_space<vmem>>, vector<1x16xf32>,
    %get3A_1497 = vector.shape_cast %get3A_1496 : vector<1x16xf32> to vector<16xf32>
    %slice3A_1498 = vector.extract_strided_slice %get3A_1451 {offsets = [1], sizes = [1], strides = [1]} : vector<16xi32> to vector<1xi32>
    %squeeze3A_1499 = vector.extract %slice3A_1498[0] : i32 from vector<1xi32>
    %get3A_1500 = arith.index_cast %squeeze3A_1499 : i32 to index
    %get3A_1501 = arith.constant 0 : index
    %get3A_1502 = tpu.vector_load %arg5[%get3A_1500, %get3A_1501] {strides = array<i32>} : memref<4096x16xf32, #tpu.memory_space<vmem>>, vector<1x16xf32>,
    %get3A_1503 = vector.shape_cast %get3A_1502 : vector<1x16xf32> to vector<16xf32>
    %sub3A_1504 = arith.subf %get3A_1497, %get3A_1503 : vector<16xf32>
    %slice3A_1505 = vector.extract_strided_slice %get3A_1461 {offsets = [1], sizes = [1], strides = [1]} : vector<16xf32> to vector<1xf32>
    %squeeze3A_1506 = vector.extract %slice3A_1505[0] : f32 from vector<1xf32>
    %mul3A_1507 = vector.broadcast %squeeze3A_1506 : f32 to vector<16xf32>
    %mul3A_1508 = arith.mulf %sub3A_1504, %mul3A_1507 : vector<16xf32>
    %swap3A_1509 = arith.index_cast %add3A_1491 : i32 to index
    %swap3A_1510 = arith.constant 0 : index
    %swap3A_1511 = tpu.vector_load %arg9[%swap3A_1509, %swap3A_1510] {strides = array<i32>} : memref<512x16xf32, #tpu.memory_space<vmem>>, vector<1x16xf32>,
    %swap3A_1512 = vector.shape_cast %swap3A_1511 : vector<1x16xf32> to vector<16xf32>
    %swap3A_1513 = vector.shape_cast %mul3A_1508 : vector<16xf32> to vector<1x16xf32>
    tpu.vector_store %arg9[%swap3A_1509, %swap3A_1510], %swap3A_1513 {strides = array<i32>} : memref<512x16xf32, #tpu.memory_space<vmem>>, vector<1x16xf32>,
    %mul3A_1514 = arith.constant 16 : i32
    %mul3A_1515 = arith.muli %scan3A_1446, %mul3A_1514 : i32
    %add3A_1516 = arith.constant 2 : i32
    %add3A_1517 = arith.addi %mul3A_1515, %add3A_1516 : i32
    %slice3A_1518 = vector.extract_strided_slice %get3A_1456 {offsets = [2], sizes = [1], strides = [1]} : vector<16xi32> to vector<1xi32>
    %squeeze3A_1519 = vector.extract %slice3A_1518[0] : i32 from vector<1xi32>
    %get3A_1520 = arith.index_cast %squeeze3A_1519 : i32 to index
    %get3A_1521 = arith.constant 0 : index
    %get3A_1522 = tpu.vector_load %arg5[%get3A_1520, %get3A_1521] {strides = array<i32>} : memref<4096x16xf32, #tpu.memory_space<vmem>>, vector<1x16xf32>,
    %get3A_1523 = vector.shape_cast %get3A_1522 : vector<1x16xf32> to vector<16xf32>
    %slice3A_1524 = vector.extract_strided_slice %get3A_1451 {offsets = [2], sizes = [1], strides = [1]} : vector<16xi32> to vector<1xi32>
    %squeeze3A_1525 = vector.extract %slice3A_1524[0] : i32 from vector<1xi32>
    %get3A_1526 = arith.index_cast %squeeze3A_1525 : i32 to index
    %get3A_1527 = arith.constant 0 : index
    %get3A_1528 = tpu.vector_load %arg5[%get3A_1526, %get3A_1527] {strides = array<i32>} : memref<4096x16xf32, #tpu.memory_space<vmem>>, vector<1x16xf32>,
    %get3A_1529 = vector.shape_cast %get3A_1528 : vector<1x16xf32> to vector<16xf32>
    %sub3A_1530 = arith.subf %get3A_1523, %get3A_1529 : vector<16xf32>
    %slice3A_1531 = vector.extract_strided_slice %get3A_1461 {offsets = [2], sizes = [1], strides = [1]} : vector<16xf32> to vector<1xf32>
    %squeeze3A_1532 = vector.extract %slice3A_1531[0] : f32 from vector<1xf32>
    %mul3A_1533 = vector.broadcast %squeeze3A_1532 : f32 to vector<16xf32>
    %mul3A_1534 = arith.mulf %sub3A_1530, %mul3A_1533 : vector<16xf32>
    %swap3A_1535 = arith.index_cast %add3A_1517 : i32 to index
    %swap3A_1536 = arith.constant 0 : index
    %swap3A_1537 = tpu.vector_load %arg9[%swap3A_1535, %swap3A_1536] {strides = array<i32>} : memref<512x16xf32, #tpu.memory_space<vmem>>, vector<1x16xf32>,
    %swap3A_1538 = vector.shape_cast %swap3A_1537 : vector<1x16xf32> to vector<16xf32>
    %swap3A_1539 = vector.shape_cast %mul3A_1534 : vector<16xf32> to vector<1x16xf32>
    tpu.vector_store %arg9[%swap3A_1535, %swap3A_1536], %swap3A_1539 {strides = array<i32>} : memref<512x16xf32, #tpu.memory_space<vmem>>, vector<1x16xf32>,
    %mul3A_1540 = arith.constant 16 : i32
    %mul3A_1541 = arith.muli %scan3A_1446, %mul3A_1540 : i32
    %add3A_1542 = arith.constant 3 : i32
    %add3A_1543 = arith.addi %mul3A_1541, %add3A_1542 : i32
    %slice3A_1544 = vector.extract_strided_slice %get3A_1456 {offsets = [3], sizes = [1], strides = [1]} : vector<16xi32> to vector<1xi32>
    %squeeze3A_1545 = vector.extract %slice3A_1544[0] : i32 from vector<1xi32>
    %get3A_1546 = arith.index_cast %squeeze3A_1545 : i32 to index
    %get3A_1547 = arith.constant 0 : index
    %get3A_1548 = tpu.vector_load %arg5[%get3A_1546, %get3A_1547] {strides = array<i32>} : memref<4096x16xf32, #tpu.memory_space<vmem>>, vector<1x16xf32>,
    %get3A_1549 = vector.shape_cast %get3A_1548 : vector<1x16xf32> to vector<16xf32>
    %slice3A_1550 = vector.extract_strided_slice %get3A_1451 {offsets = [3], sizes = [1], strides = [1]} : vector<16xi32> to vector<1xi32>
    %squeeze3A_1551 = vector.extract %slice3A_1550[0] : i32 from vector<1xi32>
    %get3A_1552 = arith.index_cast %squeeze3A_1551 : i32 to index
    %get3A_1553 = arith.constant 0 : index
    %get3A_1554 = tpu.vector_load %arg5[%get3A_1552, %get3A_1553] {strides = array<i32>} : memref<4096x16xf32, #tpu.memory_space<vmem>>, vector<1x16xf32>,
    %get3A_1555 = vector.shape_cast %get3A_1554 : vector<1x16xf32> to vector<16xf32>
    %sub3A_1556 = arith.subf %get3A_1549, %get3A_1555 : vector<16xf32>
    %slice3A_1557 = vector.extract_strided_slice %get3A_1461 {offsets = [3], sizes = [1], strides = [1]} : vector<16xf32> to vector<1xf32>
    %squeeze3A_1558 = vector.extract %slice3A_1557[0] : f32 from vector<1xf32>
    %mul3A_1559 = vector.broadcast %squeeze3A_1558 : f32 to vector<16xf32>
    %mul3A_1560 = arith.mulf %sub3A_1556, %mul3A_1559 : vector<16xf32>
    %swap3A_1561 = arith.index_cast %add3A_1543 : i32 to index
    %swap3A_1562 = arith.constant 0 : index
    %swap3A_1563 = tpu.vector_load %arg9[%swap3A_1561, %swap3A_1562] {strides = array<i32>} : memref<512x16xf32, #tpu.memory_space<vmem>>, vector<1x16xf32>,
    %swap3A_1564 = vector.shape_cast %swap3A_1563 : vector<1x16xf32> to vector<16xf32>
    %swap3A_1565 = vector.shape_cast %mul3A_1560 : vector<16xf32> to vector<1x16xf32>
    tpu.vector_store %arg9[%swap3A_1561, %swap3A_1562], %swap3A_1565 {strides = array<i32>} : memref<512x16xf32, #tpu.memory_space<vmem>>, vector<1x16xf32>,
    %mul3A_1566 = arith.constant 16 : i32
    %mul3A_1567 = arith.muli %scan3A_1446, %mul3A_1566 : i32
    %add3A_1568 = arith.constant 4 : i32
    %add3A_1569 = arith.addi %mul3A_1567, %add3A_1568 : i32
    %slice3A_1570 = vector.extract_strided_slice %get3A_1456 {offsets = [4], sizes = [1], strides = [1]} : vector<16xi32> to vector<1xi32>
    %squeeze3A_1571 = vector.extract %slice3A_1570[0] : i32 from vector<1xi32>
    %get3A_1572 = arith.index_cast %squeeze3A_1571 : i32 to index
    %get3A_1573 = arith.constant 0 : index
    %get3A_1574 = tpu.vector_load %arg5[%get3A_1572, %get3A_1573] {strides = array<i32>} : memref<4096x16xf32, #tpu.memory_space<vmem>>, vector<1x16xf32>,
    %get3A_1575 = vector.shape_cast %get3A_1574 : vector<1x16xf32> to vector<16xf32>
    %slice3A_1576 = vector.extract_strided_slice %get3A_1451 {offsets = [4], sizes = [1], strides = [1]} : vector<16xi32> to vector<1xi32>
    %squeeze3A_1577 = vector.extract %slice3A_1576[0] : i32 from vector<1xi32>
    %get3A_1578 = arith.index_cast %squeeze3A_1577 : i32 to index
    %get3A_1579 = arith.constant 0 : index
    %get3A_1580 = tpu.vector_load %arg5[%get3A_1578, %get3A_1579] {strides = array<i32>} : memref<4096x16xf32, #tpu.memory_space<vmem>>, vector<1x16xf32>,
    %get3A_1581 = vector.shape_cast %get3A_1580 : vector<1x16xf32> to vector<16xf32>
    %sub3A_1582 = arith.subf %get3A_1575, %get3A_1581 : vector<16xf32>
    %slice3A_1583 = vector.extract_strided_slice %get3A_1461 {offsets = [4], sizes = [1], strides = [1]} : vector<16xf32> to vector<1xf32>
    %squeeze3A_1584 = vector.extract %slice3A_1583[0] : f32 from vector<1xf32>
    %mul3A_1585 = vector.broadcast %squeeze3A_1584 : f32 to vector<16xf32>
    %mul3A_1586 = arith.mulf %sub3A_1582, %mul3A_1585 : vector<16xf32>
    %swap3A_1587 = arith.index_cast %add3A_1569 : i32 to index
    %swap3A_1588 = arith.constant 0 : index
    %swap3A_1589 = tpu.vector_load %arg9[%swap3A_1587, %swap3A_1588] {strides = array<i32>} : memref<512x16xf32, #tpu.memory_space<vmem>>, vector<1x16xf32>,
    %swap3A_1590 = vector.shape_cast %swap3A_1589 : vector<1x16xf32> to vector<16xf32>
    %swap3A_1591 = vector.shape_cast %mul3A_1586 : vector<16xf32> to vector<1x16xf32>
    tpu.vector_store %arg9[%swap3A_1587, %swap3A_1588], %swap3A_1591 {strides = array<i32>} : memref<512x16xf32, #tpu.memory_space<vmem>>, vector<1x16xf32>,
    %mul3A_1592 = arith.constant 16 : i32
    %mul3A_1593 = arith.muli %scan3A_1446, %mul3A_1592 : i32
    %add3A_1594 = arith.constant 5 : i32
    %add3A_1595 = arith.addi %mul3A_1593, %add3A_1594 : i32
    %slice3A_1596 = vector.extract_strided_slice %get3A_1456 {offsets = [5], sizes = [1], strides = [1]} : vector<16xi32> to vector<1xi32>
    %squeeze3A_1597 = vector.extract %slice3A_1596[0] : i32 from vector<1xi32>
    %get3A_1598 = arith.index_cast %squeeze3A_1597 : i32 to index
    %get3A_1599 = arith.constant 0 : index
    %get3A_1600 = tpu.vector_load %arg5[%get3A_1598, %get3A_1599] {strides = array<i32>} : memref<4096x16xf32, #tpu.memory_space<vmem>>, vector<1x16xf32>,
    %get3A_1601 = vector.shape_cast %get3A_1600 : vector<1x16xf32> to vector<16xf32>
    %slice3A_1602 = vector.extract_strided_slice %get3A_1451 {offsets = [5], sizes = [1], strides = [1]} : vector<16xi32> to vector<1xi32>
    %squeeze3A_1603 = vector.extract %slice3A_1602[0] : i32 from vector<1xi32>
    %get3A_1604 = arith.index_cast %squeeze3A_1603 : i32 to index
    %get3A_1605 = arith.constant 0 : index
    %get3A_1606 = tpu.vector_load %arg5[%get3A_1604, %get3A_1605] {strides = array<i32>} : memref<4096x16xf32, #tpu.memory_space<vmem>>, vector<1x16xf32>,
    %get3A_1607 = vector.shape_cast %get3A_1606 : vector<1x16xf32> to vector<16xf32>
    %sub3A_1608 = arith.subf %get3A_1601, %get3A_1607 : vector<16xf32>
    %slice3A_1609 = vector.extract_strided_slice %get3A_1461 {offsets = [5], sizes = [1], strides = [1]} : vector<16xf32> to vector<1xf32>
    %squeeze3A_1610 = vector.extract %slice3A_1609[0] : f32 from vector<1xf32>
    %mul3A_1611 = vector.broadcast %squeeze3A_1610 : f32 to vector<16xf32>
    %mul3A_1612 = arith.mulf %sub3A_1608, %mul3A_1611 : vector<16xf32>
    %swap3A_1613 = arith.index_cast %add3A_1595 : i32 to index
    %swap3A_1614 = arith.constant 0 : index
    %swap3A_1615 = tpu.vector_load %arg9[%swap3A_1613, %swap3A_1614] {strides = array<i32>} : memref<512x16xf32, #tpu.memory_space<vmem>>, vector<1x16xf32>,
    %swap3A_1616 = vector.shape_cast %swap3A_1615 : vector<1x16xf32> to vector<16xf32>
    %swap3A_1617 = vector.shape_cast %mul3A_1612 : vector<16xf32> to vector<1x16xf32>
    tpu.vector_store %arg9[%swap3A_1613, %swap3A_1614], %swap3A_1617 {strides = array<i32>} : memref<512x16xf32, #tpu.memory_space<vmem>>, vector<1x16xf32>,
    %mul3A_1618 = arith.constant 16 : i32
    %mul3A_1619 = arith.muli %scan3A_1446, %mul3A_1618 : i32
    %add3A_1620 = arith.constant 6 : i32
    %add3A_1621 = arith.addi %mul3A_1619, %add3A_1620 : i32
    %slice3A_1622 = vector.extract_strided_slice %get3A_1456 {offsets = [6], sizes = [1], strides = [1]} : vector<16xi32> to vector<1xi32>
    %squeeze3A_1623 = vector.extract %slice3A_1622[0] : i32 from vector<1xi32>
    %get3A_1624 = arith.index_cast %squeeze3A_1623 : i32 to index
    %get3A_1625 = arith.constant 0 : index
    %get3A_1626 = tpu.vector_load %arg5[%get3A_1624, %get3A_1625] {strides = array<i32>} : memref<4096x16xf32, #tpu.memory_space<vmem>>, vector<1x16xf32>,
    %get3A_1627 = vector.shape_cast %get3A_1626 : vector<1x16xf32> to vector<16xf32>
    %slice3A_1628 = vector.extract_strided_slice %get3A_1451 {offsets = [6], sizes = [1], strides = [1]} : vector<16xi32> to vector<1xi32>
    %squeeze3A_1629 = vector.extract %slice3A_1628[0] : i32 from vector<1xi32>
    %get3A_1630 = arith.index_cast %squeeze3A_1629 : i32 to index
    %get3A_1631 = arith.constant 0 : index
    %get3A_1632 = tpu.vector_load %arg5[%get3A_1630, %get3A_1631] {strides = array<i32>} : memref<4096x16xf32, #tpu.memory_space<vmem>>, vector<1x16xf32>,
    %get3A_1633 = vector.shape_cast %get3A_1632 : vector<1x16xf32> to vector<16xf32>
    %sub3A_1634 = arith.subf %get3A_1627, %get3A_1633 : vector<16xf32>
    %slice3A_1635 = vector.extract_strided_slice %get3A_1461 {offsets = [6], sizes = [1], strides = [1]} : vector<16xf32> to vector<1xf32>
    %squeeze3A_1636 = vector.extract %slice3A_1635[0] : f32 from vector<1xf32>
    %mul3A_1637 = vector.broadcast %squeeze3A_1636 : f32 to vector<16xf32>
    %mul3A_1638 = arith.mulf %sub3A_1634, %mul3A_1637 : vector<16xf32>
    %swap3A_1639 = arith.index_cast %add3A_1621 : i32 to index
    %swap3A_1640 = arith.constant 0 : index
    %swap3A_1641 = tpu.vector_load %arg9[%swap3A_1639, %swap3A_1640] {strides = array<i32>} : memref<512x16xf32, #tpu.memory_space<vmem>>, vector<1x16xf32>,
    %swap3A_1642 = vector.shape_cast %swap3A_1641 : vector<1x16xf32> to vector<16xf32>
    %swap3A_1643 = vector.shape_cast %mul3A_1638 : vector<16xf32> to vector<1x16xf32>
    tpu.vector_store %arg9[%swap3A_1639, %swap3A_1640], %swap3A_1643 {strides = array<i32>} : memref<512x16xf32, #tpu.memory_space<vmem>>, vector<1x16xf32>,
    %mul3A_1644 = arith.constant 16 : i32
    %mul3A_1645 = arith.muli %scan3A_1446, %mul3A_1644 : i32
    %add3A_1646 = arith.constant 7 : i32
    %add3A_1647 = arith.addi %mul3A_1645, %add3A_1646 : i32
    %slice3A_1648 = vector.extract_strided_slice %get3A_1456 {offsets = [7], sizes = [1], strides = [1]} : vector<16xi32> to vector<1xi32>
    %squeeze3A_1649 = vector.extract %slice3A_1648[0] : i32 from vector<1xi32>
    %get3A_1650 = arith.index_cast %squeeze3A_1649 : i32 to index
    %get3A_1651 = arith.constant 0 : index
    %get3A_1652 = tpu.vector_load %arg5[%get3A_1650, %get3A_1651] {strides = array<i32>} : memref<4096x16xf32, #tpu.memory_space<vmem>>, vector<1x16xf32>,
    %get3A_1653 = vector.shape_cast %get3A_1652 : vector<1x16xf32> to vector<16xf32>
    %slice3A_1654 = vector.extract_strided_slice %get3A_1451 {offsets = [7], sizes = [1], strides = [1]} : vector<16xi32> to vector<1xi32>
    %squeeze3A_1655 = vector.extract %slice3A_1654[0] : i32 from vector<1xi32>
    %get3A_1656 = arith.index_cast %squeeze3A_1655 : i32 to index
    %get3A_1657 = arith.constant 0 : index
    %get3A_1658 = tpu.vector_load %arg5[%get3A_1656, %get3A_1657] {strides = array<i32>} : memref<4096x16xf32, #tpu.memory_space<vmem>>, vector<1x16xf32>,
    %get3A_1659 = vector.shape_cast %get3A_1658 : vector<1x16xf32> to vector<16xf32>
    %sub3A_1660 = arith.subf %get3A_1653, %get3A_1659 : vector<16xf32>
    %slice3A_1661 = vector.extract_strided_slice %get3A_1461 {offsets = [7], sizes = [1], strides = [1]} : vector<16xf32> to vector<1xf32>
    %squeeze3A_1662 = vector.extract %slice3A_1661[0] : f32 from vector<1xf32>
    %mul3A_1663 = vector.broadcast %squeeze3A_1662 : f32 to vector<16xf32>
    %mul3A_1664 = arith.mulf %sub3A_1660, %mul3A_1663 : vector<16xf32>
    %swap3A_1665 = arith.index_cast %add3A_1647 : i32 to index
    %swap3A_1666 = arith.constant 0 : index
    %swap3A_1667 = tpu.vector_load %arg9[%swap3A_1665, %swap3A_1666] {strides = array<i32>} : memref<512x16xf32, #tpu.memory_space<vmem>>, vector<1x16xf32>,
    %swap3A_1668 = vector.shape_cast %swap3A_1667 : vector<1x16xf32> to vector<16xf32>
    %swap3A_1669 = vector.shape_cast %mul3A_1664 : vector<16xf32> to vector<1x16xf32>
    tpu.vector_store %arg9[%swap3A_1665, %swap3A_1666], %swap3A_1669 {strides = array<i32>} : memref<512x16xf32, #tpu.memory_space<vmem>>, vector<1x16xf32>,
    %mul3A_1670 = arith.constant 16 : i32
    %mul3A_1671 = arith.muli %scan3A_1446, %mul3A_1670 : i32
    %add3A_1672 = arith.constant 8 : i32
    %add3A_1673 = arith.addi %mul3A_1671, %add3A_1672 : i32
    %slice3A_1674 = vector.extract_strided_slice %get3A_1456 {offsets = [8], sizes = [1], strides = [1]} : vector<16xi32> to vector<1xi32>
    %squeeze3A_1675 = vector.extract %slice3A_1674[0] : i32 from vector<1xi32>
    %get3A_1676 = arith.index_cast %squeeze3A_1675 : i32 to index
    %get3A_1677 = arith.constant 0 : index
    %get3A_1678 = tpu.vector_load %arg5[%get3A_1676, %get3A_1677] {strides = array<i32>} : memref<4096x16xf32, #tpu.memory_space<vmem>>, vector<1x16xf32>,
    %get3A_1679 = vector.shape_cast %get3A_1678 : vector<1x16xf32> to vector<16xf32>
    %slice3A_1680 = vector.extract_strided_slice %get3A_1451 {offsets = [8], sizes = [1], strides = [1]} : vector<16xi32> to vector<1xi32>
    %squeeze3A_1681 = vector.extract %slice3A_1680[0] : i32 from vector<1xi32>
    %get3A_1682 = arith.index_cast %squeeze3A_1681 : i32 to index
    %get3A_1683 = arith.constant 0 : index
    %get3A_1684 = tpu.vector_load %arg5[%get3A_1682, %get3A_1683] {strides = array<i32>} : memref<4096x16xf32, #tpu.memory_space<vmem>>, vector<1x16xf32>,
    %get3A_1685 = vector.shape_cast %get3A_1684 : vector<1x16xf32> to vector<16xf32>
    %sub3A_1686 = arith.subf %get3A_1679, %get3A_1685 : vector<16xf32>
    %slice3A_1687 = vector.extract_strided_slice %get3A_1461 {offsets = [8], sizes = [1], strides = [1]} : vector<16xf32> to vector<1xf32>
    %squeeze3A_1688 = vector.extract %slice3A_1687[0] : f32 from vector<1xf32>
    %mul3A_1689 = vector.broadcast %squeeze3A_1688 : f32 to vector<16xf32>
    %mul3A_1690 = arith.mulf %sub3A_1686, %mul3A_1689 : vector<16xf32>
    %swap3A_1691 = arith.index_cast %add3A_1673 : i32 to index
    %swap3A_1692 = arith.constant 0 : index
    %swap3A_1693 = tpu.vector_load %arg9[%swap3A_1691, %swap3A_1692] {strides = array<i32>} : memref<512x16xf32, #tpu.memory_space<vmem>>, vector<1x16xf32>,
    %swap3A_1694 = vector.shape_cast %swap3A_1693 : vector<1x16xf32> to vector<16xf32>
    %swap3A_1695 = vector.shape_cast %mul3A_1690 : vector<16xf32> to vector<1x16xf32>
    tpu.vector_store %arg9[%swap3A_1691, %swap3A_1692], %swap3A_1695 {strides = array<i32>} : memref<512x16xf32, #tpu.memory_space<vmem>>, vector<1x16xf32>,
    %mul3A_1696 = arith.constant 16 : i32
    %mul3A_1697 = arith.muli %scan3A_1446, %mul3A_1696 : i32
    %add3A_1698 = arith.constant 9 : i32
    %add3A_1699 = arith.addi %mul3A_1697, %add3A_1698 : i32
    %slice3A_1700 = vector.extract_strided_slice %get3A_1456 {offsets = [9], sizes = [1], strides = [1]} : vector<16xi32> to vector<1xi32>
    %squeeze3A_1701 = vector.extract %slice3A_1700[0] : i32 from vector<1xi32>
    %get3A_1702 = arith.index_cast %squeeze3A_1701 : i32 to index
    %get3A_1703 = arith.constant 0 : index
    %get3A_1704 = tpu.vector_load %arg5[%get3A_1702, %get3A_1703] {strides = array<i32>} : memref<4096x16xf32, #tpu.memory_space<vmem>>, vector<1x16xf32>,
    %get3A_1705 = vector.shape_cast %get3A_1704 : vector<1x16xf32> to vector<16xf32>
    %slice3A_1706 = vector.extract_strided_slice %get3A_1451 {offsets = [9], sizes = [1], strides = [1]} : vector<16xi32> to vector<1xi32>
    %squeeze3A_1707 = vector.extract %slice3A_1706[0] : i32 from vector<1xi32>
    %get3A_1708 = arith.index_cast %squeeze3A_1707 : i32 to index
    %get3A_1709 = arith.constant 0 : index
    %get3A_1710 = tpu.vector_load %arg5[%get3A_1708, %get3A_1709] {strides = array<i32>} : memref<4096x16xf32, #tpu.memory_space<vmem>>, vector<1x16xf32>,
    %get3A_1711 = vector.shape_cast %get3A_1710 : vector<1x16xf32> to vector<16xf32>
    %sub3A_1712 = arith.subf %get3A_1705, %get3A_1711 : vector<16xf32>
    %slice3A_1713 = vector.extract_strided_slice %get3A_1461 {offsets = [9], sizes = [1], strides = [1]} : vector<16xf32> to vector<1xf32>
    %squeeze3A_1714 = vector.extract %slice3A_1713[0] : f32 from vector<1xf32>
    %mul3A_1715 = vector.broadcast %squeeze3A_1714 : f32 to vector<16xf32>
    %mul3A_1716 = arith.mulf %sub3A_1712, %mul3A_1715 : vector<16xf32>
    %swap3A_1717 = arith.index_cast %add3A_1699 : i32 to index
    %swap3A_1718 = arith.constant 0 : index
    %swap3A_1719 = tpu.vector_load %arg9[%swap3A_1717, %swap3A_1718] {strides = array<i32>} : memref<512x16xf32, #tpu.memory_space<vmem>>, vector<1x16xf32>,
    %swap3A_1720 = vector.shape_cast %swap3A_1719 : vector<1x16xf32> to vector<16xf32>
    %swap3A_1721 = vector.shape_cast %mul3A_1716 : vector<16xf32> to vector<1x16xf32>
    tpu.vector_store %arg9[%swap3A_1717, %swap3A_1718], %swap3A_1721 {strides = array<i32>} : memref<512x16xf32, #tpu.memory_space<vmem>>, vector<1x16xf32>,
    %mul3A_1722 = arith.constant 16 : i32
    %mul3A_1723 = arith.muli %scan3A_1446, %mul3A_1722 : i32
    %add3A_1724 = arith.constant 10 : i32
    %add3A_1725 = arith.addi %mul3A_1723, %add3A_1724 : i32
    %slice3A_1726 = vector.extract_strided_slice %get3A_1456 {offsets = [10], sizes = [1], strides = [1]} : vector<16xi32> to vector<1xi32>
    %squeeze3A_1727 = vector.extract %slice3A_1726[0] : i32 from vector<1xi32>
    %get3A_1728 = arith.index_cast %squeeze3A_1727 : i32 to index
    %get3A_1729 = arith.constant 0 : index
    %get3A_1730 = tpu.vector_load %arg5[%get3A_1728, %get3A_1729] {strides = array<i32>} : memref<4096x16xf32, #tpu.memory_space<vmem>>, vector<1x16xf32>,
    %get3A_1731 = vector.shape_cast %get3A_1730 : vector<1x16xf32> to vector<16xf32>
    %slice3A_1732 = vector.extract_strided_slice %get3A_1451 {offsets = [10], sizes = [1], strides = [1]} : vector<16xi32> to vector<1xi32>
    %squeeze3A_1733 = vector.extract %slice3A_1732[0] : i32 from vector<1xi32>
    %get3A_1734 = arith.index_cast %squeeze3A_1733 : i32 to index
    %get3A_1735 = arith.constant 0 : index
    %get3A_1736 = tpu.vector_load %arg5[%get3A_1734, %get3A_1735] {strides = array<i32>} : memref<4096x16xf32, #tpu.memory_space<vmem>>, vector<1x16xf32>,
    %get3A_1737 = vector.shape_cast %get3A_1736 : vector<1x16xf32> to vector<16xf32>
    %sub3A_1738 = arith.subf %get3A_1731, %get3A_1737 : vector<16xf32>
    %slice3A_1739 = vector.extract_strided_slice %get3A_1461 {offsets = [10], sizes = [1], strides = [1]} : vector<16xf32> to vector<1xf32>
    %squeeze3A_1740 = vector.extract %slice3A_1739[0] : f32 from vector<1xf32>
    %mul3A_1741 = vector.broadcast %squeeze3A_1740 : f32 to vector<16xf32>
    %mul3A_1742 = arith.mulf %sub3A_1738, %mul3A_1741 : vector<16xf32>
    %swap3A_1743 = arith.index_cast %add3A_1725 : i32 to index
    %swap3A_1744 = arith.constant 0 : index
    %swap3A_1745 = tpu.vector_load %arg9[%swap3A_1743, %swap3A_1744] {strides = array<i32>} : memref<512x16xf32, #tpu.memory_space<vmem>>, vector<1x16xf32>,
    %swap3A_1746 = vector.shape_cast %swap3A_1745 : vector<1x16xf32> to vector<16xf32>
    %swap3A_1747 = vector.shape_cast %mul3A_1742 : vector<16xf32> to vector<1x16xf32>
    tpu.vector_store %arg9[%swap3A_1743, %swap3A_1744], %swap3A_1747 {strides = array<i32>} : memref<512x16xf32, #tpu.memory_space<vmem>>, vector<1x16xf32>,
    %mul3A_1748 = arith.constant 16 : i32
    %mul3A_1749 = arith.muli %scan3A_1446, %mul3A_1748 : i32
    %add3A_1750 = arith.constant 11 : i32
    %add3A_1751 = arith.addi %mul3A_1749, %add3A_1750 : i32
    %slice3A_1752 = vector.extract_strided_slice %get3A_1456 {offsets = [11], sizes = [1], strides = [1]} : vector<16xi32> to vector<1xi32>
    %squeeze3A_1753 = vector.extract %slice3A_1752[0] : i32 from vector<1xi32>
    %get3A_1754 = arith.index_cast %squeeze3A_1753 : i32 to index
    %get3A_1755 = arith.constant 0 : index
    %get3A_1756 = tpu.vector_load %arg5[%get3A_1754, %get3A_1755] {strides = array<i32>} : memref<4096x16xf32, #tpu.memory_space<vmem>>, vector<1x16xf32>,
    %get3A_1757 = vector.shape_cast %get3A_1756 : vector<1x16xf32> to vector<16xf32>
    %slice3A_1758 = vector.extract_strided_slice %get3A_1451 {offsets = [11], sizes = [1], strides = [1]} : vector<16xi32> to vector<1xi32>
    %squeeze3A_1759 = vector.extract %slice3A_1758[0] : i32 from vector<1xi32>
    %get3A_1760 = arith.index_cast %squeeze3A_1759 : i32 to index
    %get3A_1761 = arith.constant 0 : index
    %get3A_1762 = tpu.vector_load %arg5[%get3A_1760, %get3A_1761] {strides = array<i32>} : memref<4096x16xf32, #tpu.memory_space<vmem>>, vector<1x16xf32>,
    %get3A_1763 = vector.shape_cast %get3A_1762 : vector<1x16xf32> to vector<16xf32>
    %sub3A_1764 = arith.subf %get3A_1757, %get3A_1763 : vector<16xf32>
    %slice3A_1765 = vector.extract_strided_slice %get3A_1461 {offsets = [11], sizes = [1], strides = [1]} : vector<16xf32> to vector<1xf32>
    %squeeze3A_1766 = vector.extract %slice3A_1765[0] : f32 from vector<1xf32>
    %mul3A_1767 = vector.broadcast %squeeze3A_1766 : f32 to vector<16xf32>
    %mul3A_1768 = arith.mulf %sub3A_1764, %mul3A_1767 : vector<16xf32>
    %swap3A_1769 = arith.index_cast %add3A_1751 : i32 to index
    %swap3A_1770 = arith.constant 0 : index
    %swap3A_1771 = tpu.vector_load %arg9[%swap3A_1769, %swap3A_1770] {strides = array<i32>} : memref<512x16xf32, #tpu.memory_space<vmem>>, vector<1x16xf32>,
    %swap3A_1772 = vector.shape_cast %swap3A_1771 : vector<1x16xf32> to vector<16xf32>
    %swap3A_1773 = vector.shape_cast %mul3A_1768 : vector<16xf32> to vector<1x16xf32>
    tpu.vector_store %arg9[%swap3A_1769, %swap3A_1770], %swap3A_1773 {strides = array<i32>} : memref<512x16xf32, #tpu.memory_space<vmem>>, vector<1x16xf32>,
    %mul3A_1774 = arith.constant 16 : i32
    %mul3A_1775 = arith.muli %scan3A_1446, %mul3A_1774 : i32
    %add3A_1776 = arith.constant 12 : i32
    %add3A_1777 = arith.addi %mul3A_1775, %add3A_1776 : i32
    %slice3A_1778 = vector.extract_strided_slice %get3A_1456 {offsets = [12], sizes = [1], strides = [1]} : vector<16xi32> to vector<1xi32>
    %squeeze3A_1779 = vector.extract %slice3A_1778[0] : i32 from vector<1xi32>
    %get3A_1780 = arith.index_cast %squeeze3A_1779 : i32 to index
    %get3A_1781 = arith.constant 0 : index
    %get3A_1782 = tpu.vector_load %arg5[%get3A_1780, %get3A_1781] {strides = array<i32>} : memref<4096x16xf32, #tpu.memory_space<vmem>>, vector<1x16xf32>,
    %get3A_1783 = vector.shape_cast %get3A_1782 : vector<1x16xf32> to vector<16xf32>
    %slice3A_1784 = vector.extract_strided_slice %get3A_1451 {offsets = [12], sizes = [1], strides = [1]} : vector<16xi32> to vector<1xi32>
    %squeeze3A_1785 = vector.extract %slice3A_1784[0] : i32 from vector<1xi32>
    %get3A_1786 = arith.index_cast %squeeze3A_1785 : i32 to index
    %get3A_1787 = arith.constant 0 : index
    %get3A_1788 = tpu.vector_load %arg5[%get3A_1786, %get3A_1787] {strides = array<i32>} : memref<4096x16xf32, #tpu.memory_space<vmem>>, vector<1x16xf32>,
    %get3A_1789 = vector.shape_cast %get3A_1788 : vector<1x16xf32> to vector<16xf32>
    %sub3A_1790 = arith.subf %get3A_1783, %get3A_1789 : vector<16xf32>
    %slice3A_1791 = vector.extract_strided_slice %get3A_1461 {offsets = [12], sizes = [1], strides = [1]} : vector<16xf32> to vector<1xf32>
    %squeeze3A_1792 = vector.extract %slice3A_1791[0] : f32 from vector<1xf32>
    %mul3A_1793 = vector.broadcast %squeeze3A_1792 : f32 to vector<16xf32>
    %mul3A_1794 = arith.mulf %sub3A_1790, %mul3A_1793 : vector<16xf32>
    %swap3A_1795 = arith.index_cast %add3A_1777 : i32 to index
    %swap3A_1796 = arith.constant 0 : index
    %swap3A_1797 = tpu.vector_load %arg9[%swap3A_1795, %swap3A_1796] {strides = array<i32>} : memref<512x16xf32, #tpu.memory_space<vmem>>, vector<1x16xf32>,
    %swap3A_1798 = vector.shape_cast %swap3A_1797 : vector<1x16xf32> to vector<16xf32>
    %swap3A_1799 = vector.shape_cast %mul3A_1794 : vector<16xf32> to vector<1x16xf32>
    tpu.vector_store %arg9[%swap3A_1795, %swap3A_1796], %swap3A_1799 {strides = array<i32>} : memref<512x16xf32, #tpu.memory_space<vmem>>, vector<1x16xf32>,
    %mul3A_1800 = arith.constant 16 : i32
    %mul3A_1801 = arith.muli %scan3A_1446, %mul3A_1800 : i32
    %add3A_1802 = arith.constant 13 : i32
    %add3A_1803 = arith.addi %mul3A_1801, %add3A_1802 : i32
    %slice3A_1804 = vector.extract_strided_slice %get3A_1456 {offsets = [13], sizes = [1], strides = [1]} : vector<16xi32> to vector<1xi32>
    %squeeze3A_1805 = vector.extract %slice3A_1804[0] : i32 from vector<1xi32>
    %get3A_1806 = arith.index_cast %squeeze3A_1805 : i32 to index
    %get3A_1807 = arith.constant 0 : index
    %get3A_1808 = tpu.vector_load %arg5[%get3A_1806, %get3A_1807] {strides = array<i32>} : memref<4096x16xf32, #tpu.memory_space<vmem>>, vector<1x16xf32>,
    %get3A_1809 = vector.shape_cast %get3A_1808 : vector<1x16xf32> to vector<16xf32>
    %slice3A_1810 = vector.extract_strided_slice %get3A_1451 {offsets = [13], sizes = [1], strides = [1]} : vector<16xi32> to vector<1xi32>
    %squeeze3A_1811 = vector.extract %slice3A_1810[0] : i32 from vector<1xi32>
    %get3A_1812 = arith.index_cast %squeeze3A_1811 : i32 to index
    %get3A_1813 = arith.constant 0 : index
    %get3A_1814 = tpu.vector_load %arg5[%get3A_1812, %get3A_1813] {strides = array<i32>} : memref<4096x16xf32, #tpu.memory_space<vmem>>, vector<1x16xf32>,
    %get3A_1815 = vector.shape_cast %get3A_1814 : vector<1x16xf32> to vector<16xf32>
    %sub3A_1816 = arith.subf %get3A_1809, %get3A_1815 : vector<16xf32>
    %slice3A_1817 = vector.extract_strided_slice %get3A_1461 {offsets = [13], sizes = [1], strides = [1]} : vector<16xf32> to vector<1xf32>
    %squeeze3A_1818 = vector.extract %slice3A_1817[0] : f32 from vector<1xf32>
    %mul3A_1819 = vector.broadcast %squeeze3A_1818 : f32 to vector<16xf32>
    %mul3A_1820 = arith.mulf %sub3A_1816, %mul3A_1819 : vector<16xf32>
    %swap3A_1821 = arith.index_cast %add3A_1803 : i32 to index
    %swap3A_1822 = arith.constant 0 : index
    %swap3A_1823 = tpu.vector_load %arg9[%swap3A_1821, %swap3A_1822] {strides = array<i32>} : memref<512x16xf32, #tpu.memory_space<vmem>>, vector<1x16xf32>,
    %swap3A_1824 = vector.shape_cast %swap3A_1823 : vector<1x16xf32> to vector<16xf32>
    %swap3A_1825 = vector.shape_cast %mul3A_1820 : vector<16xf32> to vector<1x16xf32>
    tpu.vector_store %arg9[%swap3A_1821, %swap3A_1822], %swap3A_1825 {strides = array<i32>} : memref<512x16xf32, #tpu.memory_space<vmem>>, vector<1x16xf32>,
    %mul3A_1826 = arith.constant 16 : i32
    %mul3A_1827 = arith.muli %scan3A_1446, %mul3A_1826 : i32
    %add3A_1828 = arith.constant 14 : i32
    %add3A_1829 = arith.addi %mul3A_1827, %add3A_1828 : i32
    %slice3A_1830 = vector.extract_strided_slice %get3A_1456 {offsets = [14], sizes = [1], strides = [1]} : vector<16xi32> to vector<1xi32>
    %squeeze3A_1831 = vector.extract %slice3A_1830[0] : i32 from vector<1xi32>
    %get3A_1832 = arith.index_cast %squeeze3A_1831 : i32 to index
    %get3A_1833 = arith.constant 0 : index
    %get3A_1834 = tpu.vector_load %arg5[%get3A_1832, %get3A_1833] {strides = array<i32>} : memref<4096x16xf32, #tpu.memory_space<vmem>>, vector<1x16xf32>,
    %get3A_1835 = vector.shape_cast %get3A_1834 : vector<1x16xf32> to vector<16xf32>
    %slice3A_1836 = vector.extract_strided_slice %get3A_1451 {offsets = [14], sizes = [1], strides = [1]} : vector<16xi32> to vector<1xi32>
    %squeeze3A_1837 = vector.extract %slice3A_1836[0] : i32 from vector<1xi32>
    %get3A_1838 = arith.index_cast %squeeze3A_1837 : i32 to index
    %get3A_1839 = arith.constant 0 : index
    %get3A_1840 = tpu.vector_load %arg5[%get3A_1838, %get3A_1839] {strides = array<i32>} : memref<4096x16xf32, #tpu.memory_space<vmem>>, vector<1x16xf32>,
    %get3A_1841 = vector.shape_cast %get3A_1840 : vector<1x16xf32> to vector<16xf32>
    %sub3A_1842 = arith.subf %get3A_1835, %get3A_1841 : vector<16xf32>
    %slice3A_1843 = vector.extract_strided_slice %get3A_1461 {offsets = [14], sizes = [1], strides = [1]} : vector<16xf32> to vector<1xf32>
    %squeeze3A_1844 = vector.extract %slice3A_1843[0] : f32 from vector<1xf32>
    %mul3A_1845 = vector.broadcast %squeeze3A_1844 : f32 to vector<16xf32>
    %mul3A_1846 = arith.mulf %sub3A_1842, %mul3A_1845 : vector<16xf32>
    %swap3A_1847 = arith.index_cast %add3A_1829 : i32 to index
    %swap3A_1848 = arith.constant 0 : index
    %swap3A_1849 = tpu.vector_load %arg9[%swap3A_1847, %swap3A_1848] {strides = array<i32>} : memref<512x16xf32, #tpu.memory_space<vmem>>, vector<1x16xf32>,
    %swap3A_1850 = vector.shape_cast %swap3A_1849 : vector<1x16xf32> to vector<16xf32>
    %swap3A_1851 = vector.shape_cast %mul3A_1846 : vector<16xf32> to vector<1x16xf32>
    tpu.vector_store %arg9[%swap3A_1847, %swap3A_1848], %swap3A_1851 {strides = array<i32>} : memref<512x16xf32, #tpu.memory_space<vmem>>, vector<1x16xf32>,
    %mul3A_1852 = arith.constant 16 : i32
    %mul3A_1853 = arith.muli %scan3A_1446, %mul3A_1852 : i32
    %add3A_1854 = arith.constant 15 : i32
    %add3A_1855 = arith.addi %mul3A_1853, %add3A_1854 : i32
    %slice3A_1856 = vector.extract_strided_slice %get3A_1456 {offsets = [15], sizes = [1], strides = [1]} : vector<16xi32> to vector<1xi32>
    %squeeze3A_1857 = vector.extract %slice3A_1856[0] : i32 from vector<1xi32>
    %get3A_1858 = arith.index_cast %squeeze3A_1857 : i32 to index
    %get3A_1859 = arith.constant 0 : index
    %get3A_1860 = tpu.vector_load %arg5[%get3A_1858, %get3A_1859] {strides = array<i32>} : memref<4096x16xf32, #tpu.memory_space<vmem>>, vector<1x16xf32>,
    %get3A_1861 = vector.shape_cast %get3A_1860 : vector<1x16xf32> to vector<16xf32>
    %slice3A_1862 = vector.extract_strided_slice %get3A_1451 {offsets = [15], sizes = [1], strides = [1]} : vector<16xi32> to vector<1xi32>
    %squeeze3A_1863 = vector.extract %slice3A_1862[0] : i32 from vector<1xi32>
    %get3A_1864 = arith.index_cast %squeeze3A_1863 : i32 to index
    %get3A_1865 = arith.constant 0 : index
    %get3A_1866 = tpu.vector_load %arg5[%get3A_1864, %get3A_1865] {strides = array<i32>} : memref<4096x16xf32, #tpu.memory_space<vmem>>, vector<1x16xf32>,
    %get3A_1867 = vector.shape_cast %get3A_1866 : vector<1x16xf32> to vector<16xf32>
    %sub3A_1868 = arith.subf %get3A_1861, %get3A_1867 : vector<16xf32>
    %slice3A_1869 = vector.extract_strided_slice %get3A_1461 {offsets = [15], sizes = [1], strides = [1]} : vector<16xf32> to vector<1xf32>
    %squeeze3A_1870 = vector.extract %slice3A_1869[0] : f32 from vector<1xf32>
    %mul3A_1871 = vector.broadcast %squeeze3A_1870 : f32 to vector<16xf32>
    %mul3A_1872 = arith.mulf %sub3A_1868, %mul3A_1871 : vector<16xf32>
    %swap3A_1873 = arith.index_cast %add3A_1855 : i32 to index
    %swap3A_1874 = arith.constant 0 : index
    %swap3A_1875 = tpu.vector_load %arg9[%swap3A_1873, %swap3A_1874] {strides = array<i32>} : memref<512x16xf32, #tpu.memory_space<vmem>>, vector<1x16xf32>,
    %swap3A_1876 = vector.shape_cast %swap3A_1875 : vector<1x16xf32> to vector<16xf32>
    %swap3A_1877 = vector.shape_cast %mul3A_1872 : vector<16xf32> to vector<1x16xf32>
    tpu.vector_store %arg9[%swap3A_1873, %swap3A_1874], %swap3A_1877 {strides = array<i32>} : memref<512x16xf32, #tpu.memory_space<vmem>>, vector<1x16xf32>,
    %scan3A_1878 = arith.constant 0 : i32
    %scan3A_1879 = arith.constant 1 : i32
    %mul3A_1880 = arith.constant 16 : i32
    %mul3A_1881 = arith.muli %add3A_1424, %mul3A_1880 : i32
    "tpu.region"() ({
      %run_scoped3A = tpu.sem_alloc : memref<!tpu.dma_semaphore, #tpu.memory_space<semaphore_mem>>
      %dma_start3A = arith.constant 0 : i32
      %dma_start3A_1882 = tpu.memref_slice %arg4[%select_n3A, %dma_start3A, %mul3A_1881] : memref<16x512x128xf32, #tpu.memory_space<hbm>> -> memref<1x512x16xf32, #tpu.memory_space<hbm>>
      %dma_start3A_1883 = tpu.memref_squeeze %dma_start3A_1882 : memref<1x512x16xf32, #tpu.memory_space<hbm>> -> memref<512x16xf32, #tpu.memory_space<hbm>>
      %dma_start3A_1884 = arith.constant 0 : i32
      %dma_start3A_1885 = tpu.memref_slice %arg4[%select_n3A, %dma_start3A_1884, %mul3A_1881] : memref<16x512x128xf32, #tpu.memory_space<hbm>> -> memref<1x512x16xf32, #tpu.memory_space<hbm>>
      %dma_start3A_1886 = tpu.memref_squeeze %dma_start3A_1885 : memref<1x512x16xf32, #tpu.memory_space<hbm>> -> memref<512x16xf32, #tpu.memory_space<hbm>>
      tpu.enqueue_dma source(%arg9 : memref<512x16xf32, #tpu.memory_space<vmem>>) target(%dma_start3A_1886 : memref<512x16xf32, #tpu.memory_space<hbm>>) target_semaphore(%run_scoped3A : memref<!tpu.dma_semaphore, #tpu.memory_space<semaphore_mem>>)
      %dma_wait3A = arith.constant 0 : i32
      %dma_wait3A_1887 = tpu.memref_slice %arg4[%select_n3A, %dma_wait3A, %mul3A_1881] : memref<16x512x128xf32, #tpu.memory_space<hbm>> -> memref<1x512x16xf32, #tpu.memory_space<hbm>>
      %dma_wait3A_1888 = tpu.memref_squeeze %dma_wait3A_1887 : memref<1x512x16xf32, #tpu.memory_space<hbm>> -> memref<512x16xf32, #tpu.memory_space<hbm>>
      %dma_wait3A_1889 = arith.constant 0 : i32
      %dma_wait3A_1890 = tpu.memref_slice %arg4[%select_n3A, %dma_wait3A_1889, %mul3A_1881] : memref<16x512x128xf32, #tpu.memory_space<hbm>> -> memref<1x512x16xf32, #tpu.memory_space<hbm>>
      %dma_wait3A_1891 = tpu.memref_squeeze %dma_wait3A_1890 : memref<1x512x16xf32, #tpu.memory_space<hbm>> -> memref<512x16xf32, #tpu.memory_space<hbm>>
      tpu.wait_dma2 semaphore(%run_scoped3A : memref<!tpu.dma_semaphore, #tpu.memory_space<semaphore_mem>>) src(%arg9 : memref<512x16xf32, #tpu.memory_space<vmem>>) dst(%dma_wait3A_1891 : memref<512x16xf32, #tpu.memory_space<hbm>>)
      tpu.yield
    }) : () -> ()
    return
  }
}

</mosaic_0001>

<sc_bundles>
// kernel: kernel.3.cloned.1.call-start
scs
__scs_entry_jumppad:
0x0: {  	(pc) =	sbr.rel $0x88, $3  }
0x1: {  	(tag) =	ssettag $0x0;
	lr =	simm.s32 $0x1  }
0x2: {  	[smem:$0x3F9F] =	sst lr;
	_ =	strace $0xD0000000  }
0x3: {  	_ = 	snop  }
0x4: {  	_ = 	snop  }
0x5: {  	_ = 	snop  }
0x6: {  	_ = 	snop  }
0x7: {  	_ = 	snop  }
__scs_overlays_trampoline_lowered:
0x8: {  	[smem:$0x3FAE] =	sst s0  }
0x9: {  	[smem:$0x3FAF] =	sst s1  }
0xa: {  	[smem:$0x3FB0] =	sst s2  }
0xb: {  	[smem:$0x3FB1] =	sst s3  }
0xc: {  	[smem:$0x3FB2] =	sst s4  }
0xd: {  	[smem:$0x3FB3] =	sst s5  }
0xe: {  	[smem:$0x3FB4] =	sst s6  }
0xf: {  	[smem:$0x3FB5] =	sst s7  }
0x10: {  	[smem:$0x3FB6] =	sst s8  }
0x11: {  	[smem:$0x3FB7] =	sst s9;
	s0 =	simm.s32 @!p0 $0x0  }
0x12: {  	s1 =	sld [smem:$0x3F9D];
	s0 =	simm.s32 @p0 $0x1  }
0x13: {  	[smem:$0x3FB8] =	sst s0;
	s0 =	simm.s32 @!p1 $0x0  }
0x14: {  	s2 =	sld [smem:$0x3F9C];
	s0 =	simm.s32 @p1 $0x1  }
0x15: {  	[smem:$0x3FB9] =	sst s0;
	s0 =	simm.s32 @!p2 $0x0  }
0x16: {  	s3 =	sld [smem:$0x3FDB];
	s0 =	simm.s32 @p2 $0x1  }
0x17: {  	s4 =	simm.s32 $0x1BF5;
	[smem:$0x3FBB] =	sst s0  }
0x18: {  	s0 =	sld [smem:$0x3F9E];
	_ =	swait.ge [sflag:s4], $0x0  }
0x19: {  	s7 =	sld [smem:$0x3F9F]  }
0x1a: {  	s8 =	sadd.s32 $0xFFFFE003, lr  }
0x1b: {  	s9 =	sadd.s32 $0xFFFFFEF7, lr;
	s5 =	simm.s32 $0xFFFFFFFF;
	p2 =	slt.u32 s8, $0xFFFFF086  }
0x1c: {  	p1 =	slt.u32 s9, $0xF7A;
	s5 =	simm.s32 @!p2 $0x0  }
0x1d: {  	s5 =	simm.s32 @p1 $0x1;
	p0 =	seq.s32 s7, s2  }
0x1e: {  	s7 =	smul.u32 @!p0 $0xF7A, s2;
	p2 =	seq.s32 @!p0 s5, $0x0  }
0x1f: {  	s9 =	smul.u32 $0xF7A, s1;
	s8 =	simm.s32 @!p0 $0x1BF5;
	p2 =	por !p2, p0  }
0x20: {  	[sflag:s8] =	ssyncset.s32 @!p0 $0xFFFFF086;
	s6 =	sadd.s32 @!p0 s3, s7;
	s7 =	simm.s32 @!p0 $0x108  }
0x21: {  	s3 =	sadd.s32 s3, s9;
	s6 =	sadd.s32 @!p0 $0x88, s6;
	s7 =	simm.s32 @p2 $0x1082  }
0x22: {  	[simem:s7], [sflag:s8] =	dma.local @!p0 [hbm:s6], $0xF7A  }
0x23: {  	s9 =	sor.u32 $0xD0000000, s2;
	s6 =	simm.s32 $0x108;
	_ =	swait.ge @!p0 [sflag:s8], $0x0  }
0x24: {  	s3 =	sadd.s32 $0x88, s3;
	s6 =	simm.s32 @!p1 $0x1082;
	[sflag:s4] =	ssyncset.s32 $0xFFFFF086  }
0x25: {  	[simem:s6], [sflag:s4] =	dma.local [hbm:s3], $0xF7A  }
0x26: {  	[smem:$0x3F9F] =	sst s1;
	(tag) =	ssettag s2;
	_ =	strace s9  }
0x27: {  	s1 =	sld [smem:$0x3FAF]  }
0x28: {  	s2 =	sld [smem:$0x3FB0]  }
0x29: {  	s4 =	sld [smem:$0x3FB2]  }
0x2a: {  	p0 =	seq.s32 s5, $0x0;
	s5 =	sld [smem:$0x3FB3]  }
0x2b: {  	s6 =	sld [smem:$0x3FB4]  }
0x2c: {  	s7 =	sld [smem:$0x3FB5]  }
0x2d: {  	s3 =	simm.s32 $0x108;
	s8 =	sld [smem:$0x3FB6]  }
0x2e: {  	s3 =	simm.s32 @!p0 $0x1082;
	s9 =	sld [smem:$0x3FB7]  }
0x2f: {  	lr =	sadd.s32 s0, s3;
	s0 =	sld [smem:$0x3FAE]  }
0x30: {  	s3 =	sld [smem:$0x3FB1]  }
0x31: {  	[smem:$0x3FBA] =	sst s10  }
0x32: {  	s10 =	sld [smem:$0x3FB8];
	_ =	sdelay $0x3  }
0x33: {  	p0 =	seq.s32 s10, $0x1;
	s10 =	sld [smem:$0x3FBA];
	_ =	sdelay $0x3  }
0x34: {  	[smem:$0x3FBA] =	sst s10  }
0x35: {  	s10 =	sld [smem:$0x3FB9];
	_ =	sdelay $0x3  }
0x36: {  	p1 =	seq.s32 s10, $0x1;
	s10 =	sld [smem:$0x3FBA];
	_ =	sdelay $0x3  }
0x37: {  	[smem:$0x3FBA] =	sst s10  }
0x38: {  	s10 =	sld [smem:$0x3FBB]  }
0x39: {  	_ = 	snop;
	(pc) =	sbr.ind lr, $3  }
0x3a: {  	_ = 	snop  }
0x3b: {  	_ = 	snop  }
0x3c: {  	p2 =	seq.s32 s10, $0x1;
	s10 =	sld [smem:$0x3FBA]  }
0x3d: {  	_ =	shalt  }
0x3e: {  	_ =	shalt  }
0x3f: {  	_ =	shalt  }
0x40: {  	_ =	shalt  }
0x41: {  	_ =	shalt  }
0x42: {  	_ =	shalt  }
0x43: {  	_ =	shalt  }
0x44: {  	_ =	shalt  }
0x45: {  	_ =	shalt  }
0x46: {  	_ =	shalt  }
0x47: {  	_ =	shalt  }
0x48: {  	_ =	shalt  }
0x49: {  	_ =	shalt  }
0x4a: {  	_ =	shalt  }
0x4b: {  	_ =	shalt  }
0x4c: {  	_ =	shalt  }
0x4d: {  	_ =	shalt  }
0x4e: {  	_ =	shalt  }
0x4f: {  	_ =	shalt  }
0x50: {  	_ =	shalt  }
0x51: {  	_ =	shalt  }
0x52: {  	_ =	shalt  }
0x53: {  	_ =	shalt  }
0x54: {  	_ =	shalt  }
0x55: {  	_ =	shalt  }
0x56: {  	_ =	shalt  }
0x57: {  	_ =	shalt  }
0x58: {  	_ =	shalt  }
0x59: {  	_ =	shalt  }
0x5a: {  	_ =	shalt  }
0x5b: {  	_ =	shalt  }
0x5c: {  	_ =	shalt  }
0x5d: {  	_ =	shalt  }
0x5e: {  	_ =	shalt  }
0x5f: {  	_ =	shalt  }
0x60: {  	_ =	shalt  }
0x61: {  	_ =	shalt  }
0x62: {  	_ =	shalt  }
0x63: {  	_ =	shalt  }
0x64: {  	_ =	shalt  }
0x65: {  	_ =	shalt  }
0x66: {  	_ =	shalt  }
0x67: {  	_ =	shalt  }
0x68: {  	_ =	shalt  }
0x69: {  	_ =	shalt  }
0x6a: {  	_ =	shalt  }
0x6b: {  	_ =	shalt  }
0x6c: {  	_ =	shalt  }
0x6d: {  	_ =	shalt  }
0x6e: {  	_ =	shalt  }
0x6f: {  	_ =	shalt  }
0x70: {  	_ =	shalt  }
0x71: {  	_ =	shalt  }
0x72: {  	_ =	shalt  }
0x73: {  	_ =	shalt  }
0x74: {  	_ =	shalt  }
0x75: {  	_ =	shalt  }
0x76: {  	_ =	shalt  }
0x77: {  	_ =	shalt  }
0x78: {  	_ =	shalt  }
0x79: {  	_ =	shalt  }
0x7a: {  	_ =	shalt  }
0x7b: {  	_ =	shalt  }
0x7c: {  	_ =	shalt  }
0x7d: {  	_ =	shalt  }
0x7e: {  	_ =	shalt  }
0x7f: {  	_ =	shalt  }
0x80: {  	_ =	shalt  }
0x81: {  	_ =	shalt  }
0x82: {  	_ =	shalt  }
0x83: {  	_ =	shalt  }
0x84: {  	_ =	shalt  }
0x85: {  	_ =	shalt  }
0x86: {  	_ =	shalt  }
0x87: {  	_ =	shalt  }
.Lfunc_end0:
.L_simem_size_0:
called_computation_lowered:
.L_overlay_start_0:
0x88: {  	s2 =	sld [smem:$0x3FD9]  }
0x89: {  	s3 =	sld [smem:$0x3FFE];
	_ =	sdelay $0x1  }
0x8a: {  	s1 =	srdreg.scid  }
0x8b: {  	s0 =	sand.u32 $0x1, s1  }
0x8c: {  	s17 =	sshll.u32 s0, $0xA;
	s2 =	sadd.s32 s3, s2  }
0x8d: {  	s2 =	sadd.s32 s2, s17  }
0x8e: {  	[smem:$0x3FC6] =	sst s2  }
0x8f: {  	_ = 	snop  }
0x90: {  	s2 =	sld [smem:$0x3FC9]  }
0x91: {  	s18 =	sld [smem:$0x3FD0];
	(tm) =	ssettm $0x1  }
0x92: {  	s4 =	sld [smem:$0x3FFB];
	_ =	sdelay $0x3  }
0x93: {  	_ =	strace s4  }
0x94: {  	s4 =	sld [smem:$0x3FFC];
	_ =	sdelay $0x3  }
0x95: {  	_ =	strace s4  }
0x96: {  	s4 =	sld [smem:$0x3FFD];
	_ =	sdelay $0x3  }
0x97: {  	_ =	strace s4  }
0x98: {  	_ =	strace $0x8FFFFFFF  }
0x99: {  	s19 =	sld [smem:$0x3FDB];
	_ =	sdelay $0x1  }
0x9a: {  	s5 =	simm.s32 $_scs_section_size  }
0x9b: {  	s6 =	simm.s32 $_size__tile_overlayer_lowered;
	s7 =	simm.s32 $_tile_overlayer_lowered  }
0x9c: {  	s22 =	simm.s32 $0x1BFF;
	s21 =	sshll.u32 s7, $0x1;
	s4 =	sadd.s32 s5, s19  }
0x9d: {  	s8 =	simm.s32 $0x0;
	s20 =	sshll.u32 s6, $0x1;
	s6 =	sadd.s32 s21, s4  }
0x9e: {  	[timem:s8], [sflag:s22] =	dma.local [hbm:s6], s20  }
0x9f: {  	_ =	swait.ge [sflag:s22], s20  }
0xa0: {  	s5 =	ssub.s32 $0x0, s20;
	[sflag:s22] =	ssyncset.done $0x0  }
0xa1: {  	[sflag:s22] =	ssyncadd.s32 s5;
	_ =	sdelay $0x1  }
0xa2: {  	s23 =	simm.s32 $0x1B8B  }
0xa3: {  	_ =	swait.ge [sflag:s23], $0x1  }
0xa4: {  	[sflag:s23] =	ssyncset.done $0x0  }
0xa5: {  	s25 =	simm.s32 $0x1B8E;
	s24 =	sld [smem:$0x3FFE];
	[sflag:s23] =	ssyncadd.s32 $0xFFFFFFFF  }
0xa6: {  	s26 =	simm.s32 $execute0_lowered;
	[smem:$0x3FD2] =	sst s25  }
0xa7: {  	s6 =	sshll.u32 s26, $0x1;
	_ =	strace $0x80000046;
	[dreg:$0x1] =	wrdreg $0xFFFFFFFF  }
0xa8: {  	s28 =	simm.s32 $_size_execute0_lowered;
	s4 =	sadd.s32 s4, s6;
	[dreg:$0x0] =	wrdreg $0x0  }
0xa9: {  	s6 =	sshll.u32 s28, $0x1;
	[dreg:$0x2] =	wrdreg s4  }
0xaa: {  	[dreg:$0x3] =	wrdreg s6  }
0xab: {  	[dreg:$0x4] =	wrdreg $0xC0  }
0xac: {  	_ =	task [dreg:s8], $0x5FFFF  }
0xad: {  	[dreg:$0x1] =	wrdreg $0xFFFFFFFF  }
0xae: {  	[dreg:$0x0] =	wrdreg $0x60  }
0xaf: {  	[dreg:$0x2] =	wrdreg s2  }
0xb0: {  	[dreg:$0x3] =	wrdreg s24  }
0xb1: {  	[dreg:$0x4] =	wrdreg s18  }
0xb2: {  	[dreg:$0x5] =	wrdreg $0x9  }
0xb3: {  	_ =	task.clear_ibuf [dreg:s8], $0x6FFFF;
	_ =	strace $0x90000046  }
0xb4: {  	s29 =	simm.s32 $0x9;
	_ =	strace $0x80000048  }
0xb5: {  	_ =	swait.ge [sflag:s29], $0x1  }
0xb6: {  	[sflag:s29] =	ssyncadd.s32 $0xFFFFFFFF  }
0xb7: {  	_ =	strace $0x90000048  }
0xb8: {  	_ =	sfence  }
0xb9: {  	s30 =	sld [smem:$0x0];
	_ =	sdelay $0x2  }
0xba: {  	s31 =	sshll.u32 s1, $0xD;
	s1 =	sshrl.u32 s1, $0x2  }
0xbb: {  	s3 =	sand.u32 $0x4000, s31;
	s1 =	sadd.s32 s1, s30  }
0xbc: {  	s0 =	sor.u32 s3, s0;
	s1 =	sshll.u32 s1, $0x11  }
0xbd: {  	s0 =	sor.u32 s1, s0  }
0xbe: {  	s0 =	sadd.s32 $0x8F2B, s0  }
0xbf: {  	[sflag:s0] =	ssyncadd.remote.s32 $0x1  }
0xc0: {  	_ =	sfence.sel $0xFFFF  }
0xc1: {  	[dreg:$0x0] =	wrdreg $0xFFFFFFFF;
	(pc) =	sbr.abs _section_cstart, $3  }
0xc2: {  	[dreg:$0x1] =	wrdreg $0xFFFFFFFF  }
0xc3: {  	_ =	task.clear_ibuf [dreg:s8], $0x2FFFF;
	_ =	strace $0x9FFFFFFF  }
0xc4: {  	(tm) =	ssettm $0x7FFFFFFF  }
0xc5: {  	_ =	shalt  }
tec
execute0_lowered:
.L_overlay_start_1:
0x0: {  	(tag) =	ssettag $0x1  }
0x1: {  	s1 =	srdreg.scid;
	s12 =	rddreg [dreg:$0x0]  }
0x2: {  	s0 =	stileid.u32;
	s5 =	rddreg [dreg:$0x1]  }
0x3: {  	s3 =	simm.s32 $0x1;
	s13 =	rddreg [dreg:$0x2];
	s4 =	sand.u32 $0x1, s1  }
0x4: {  	s2 =	simm.s32 $0x0;
	s19 =	simm.s32 $0x10600;
	s1 =	sor.u32 s4, s0  }
0x5: {  	s20 =	simm.s32 $0x0;
	p1 =	seq.s32 s4, $0x1;
	p0 =	seq.s32 s1, $0x0  }
0x6: {  	[smem:$0x7FF] =	sst s2;
	s7 =	ssub.s32 $0x2, s4;
	p0 =	por !p0, !p1  }
0x7: {  	s15 =	sshll.u32 s4, $0x6;
	s1 =	rddreg [dreg:$0x3];
	p0 =	por !p0, !p0  }
0x8: {  	_ =	strace $0x80000047;
	s9 =	sshrl.u32 s7, $0x1;
	s3 =	simm.s32 @!p0 $0x0  }
0x9: {  	s26 =	sor.u32 $0x10, s15;
	s14 =	ssub.s32 s7, s9;
	s6 =	ssub.s32 s0, s3  }
0xa: {  	s17 =	sor.u32 $0x20, s15;
	s14 =	smax.u32 s14, $0x1;
	s3 =	sshll.u32 s6, $0x7  }
0xb: {  	s11 =	sshll.u32 s6, $0x13;
	s16 =	sshll.u32 s6, $0x10;
	s8 =	sand.u32 $0x1FFFFF80, s3  }
0xc: {  	s3 =	simm.s32 $0x1;
	s24 =	sor.u32 s15, s11;
	s25 =	sor.u32 s15, s16  }
0xd: {  	s28 =	sor.u32 s26, s11;
	s18 =	sor.u32 s17, s11;
	s17 =	sor.u32 s17, s16  }
0xe: {  	s15 =	sor.u32 $0x30, s15;
	s5 =	sadd.s32 s8, s5;
	s6 =	sshrl.u32 s24, $0x3  }
0xf: {  	s7 =	sshrl.u32 s25, $0x3;
	s8 =	sor.u32 s26, s16;
	s9 =	sshrl.u32 s28, $0x3  }
0x10: {  	s29 =	sshrl.u32 s18, $0x3;
	s17 =	sshrl.u32 s17, $0x3;
	s30 =	sor.u32 s15, s11  }
0x11: {  	s15 =	sor.u32 s15, s16;
	s16 =	simm.s32 $0x10200;
	s18 =	simm.s32 $0x80  }
0x12: {  	s4 =	sadd.s32 $0x400, s5;
	s5 =	sadd.s32 $0x440, s5;
	s6 =	sadd.s32 s12, s6  }
0x13: {  	s7 =	sadd.s32 s13, s7;
	s10 =	sshrl.u32 s8, $0x3;
	s8 =	sadd.s32 s12, s9  }
0x14: {  	s11 =	sadd.s32 s13, s17;
	s31 =	sshrl.u32 s30, $0x3;
	s15 =	sshrl.u32 s15, $0x3  }
0x15: {  	s17 =	simm.s32 $0x10;
	s9 =	sadd.s32 s13, s10;
	s10 =	sadd.s32 s12, s29  }
0x16: {  	s12 =	sadd.s32 s12, s31;
	s13 =	sadd.s32 s13, s15;
	s15 =	simm.s32 $0x10000  }
.LBB2_1:
0x17: {  	[tilespmem:s15], [sflag:$0x1] =	stream.linear.gather [hbm4b:s4+s2], $0x200, $0x38;
	[tilespmem:$0x12600] =	vst v63  }
0x18: {  	_ =	swait.ge [sflag:s3], $0x200  }
0x19: {  	[sflag:s3] =	ssyncset.done $0x0  }
0x1a: {  	[sflag:s3] =	ssyncadd.s32 $0xFFFFFE00  }
0x1b: {  	[tilespmem:s16], [sflag:$0x1] =	stream.linear.gather [hbm4b:s5+s2], $0x200, $0x38;
	[tilespmem:$0x12600] =	vst v63  }
0x1c: {  	_ =	swait.ge [sflag:s3], $0x200  }
0x1d: {  	[sflag:s3] =	ssyncset.done $0x0  }
0x1e: {  	s21 =	simm.s32 $0x10020;
	[sflag:s3] =	ssyncadd.s32 $0xFFFFFE00  }
0x1f: {  	s22 =	simm.s32 $0x10220;
	v0 =	vld [tilespmem:s21+$0xFFFFFFE0]  }
0x20: {  	v1 =	vld [tilespmem:s22+$0xFFFFFFE0];
	_ =	sdelay $0x4  }
0x21: {  	vm0 =	vgt.s32 v0, $0x0;
	vm1 =	vgt.s32 v1, $0x0  }
0x22: {  	v0 =	vnsel vm0, $0x0, v0;
	v1 =	vnsel vm1, $0x0, v1  }
0x23: {  	v0 =	vmin.u32 v0, $0xFFF;
	v1 =	vmin.u32 v1, $0xFFF  }
0x24: {  	v2 =	vsub.s32 v1, v0  }
0x25: {  	v2 =	vadd.s32 $0x1, v2  }
0x26: {  	v2 =	vcvt.s32.f32 v2;
	_ =	sdelay $0x1  }
0x27: {  	(erf) = vrcp.f32 v2;
	_ =	sdelay $0x7  }
0x28: {  	[tilespmem:s21+$0xFFFFFFE0] =	vst v0  }
0x29: {  	s23 =	simm.s32 $0x10420;
	[tilespmem:s22+$0xFFFFFFE0] =	vst v1;
	v57 =	vpop (erf)  }
0x2a: {  	[tilespmem:s23+$0xFFFFFFE0] =	vst v57  }
0x2b: {  	v0 =	vld [tilespmem:s22+$0xFFFFFFF0]  }
0x2c: {  	v1 =	vld [tilespmem:s21+$0xFFFFFFF0];
	_ =	sdelay $0x4  }
0x2d: {  	vm10 =	vgt.s32 v0, $0x0;
	vm11 =	vgt.s32 v1, $0x0  }
0x2e: {  	v0 =	vnsel vm10, $0x0, v0;
	v1 =	vnsel vm11, $0x0, v1  }
0x2f: {  	v0 =	vmin.u32 v0, $0xFFF;
	v1 =	vmin.u32 v1, $0xFFF  }
0x30: {  	v58 =	vsub.s32 v0, v1  }
0x31: {  	v2 =	vadd.s32 $0x1, v58  }
0x32: {  	v2 =	vcvt.s32.f32 v2;
	_ =	sdelay $0x1  }
0x33: {  	(erf) = vrcp.f32 v2;
	_ =	sdelay $0x7  }
0x34: {  	[tilespmem:s21+$0xFFFFFFF0] =	vst v1  }
0x35: {  	[tilespmem:s22+$0xFFFFFFF0] =	vst v0;
	v59 =	vpop (erf)  }
0x36: {  	[tilespmem:s23+$0xFFFFFFF0] =	vst v59  }
0x37: {  	v0 =	vld [tilespmem:s21+$0x0]  }
0x38: {  	v1 =	vld [tilespmem:s22+$0x0];
	_ =	sdelay $0x4  }
0x39: {  	vm12 =	vgt.s32 v0, $0x0;
	vm13 =	vgt.s32 v1, $0x0  }
0x3a: {  	v0 =	vnsel vm12, $0x0, v0;
	v1 =	vnsel vm13, $0x0, v1  }
0x3b: {  	v0 =	vmin.u32 v0, $0xFFF;
	v1 =	vmin.u32 v1, $0xFFF  }
0x3c: {  	v60 =	vsub.s32 v1, v0  }
0x3d: {  	v2 =	vadd.s32 $0x1, v60  }
0x3e: {  	v2 =	vcvt.s32.f32 v2;
	_ =	sdelay $0x1  }
0x3f: {  	(erf) = vrcp.f32 v2;
	_ =	sdelay $0x7  }
0x40: {  	[tilespmem:s21+$0x0] =	vst v0  }
0x41: {  	[tilespmem:s22+$0x0] =	vst v1;
	v61 =	vpop (erf)  }
0x42: {  	[tilespmem:s23+$0x0] =	vst v61  }
0x43: {  	v0 =	vld [tilespmem:s21+$0x10]  }
0x44: {  	v62 =	vld [tilespmem:s22+$0x10];
	_ =	sdelay $0x4  }
0x45: {  	vm14 =	vgt.s32 v0, $0x0;
	vm15 =	vgt.s32 v62, $0x0  }
0x46: {  	v0 =	vnsel vm14, $0x0, v0;
	v1 =	vnsel vm15, $0x0, v62  }
0x47: {  	v0 =	vmin.u32 v0, $0xFFF;
	v1 =	vmin.u32 v1, $0xFFF  }
0x48: {  	v63 =	vsub.s32 v1, v0  }
0x49: {  	v2 =	vadd.s32 $0x1, v63  }
0x4a: {  	v2 =	vcvt.s32.f32 v2;
	_ =	sdelay $0x1  }
0x4b: {  	(erf) = vrcp.f32 v2;
	_ =	sdelay $0x4  }
0x4c: {  	[tilespmem:s21+$0x10] =	vst v0  }
0x4d: {  	s24 =	simm.s32 $0x0;
	s25 =	simm.s32 $0x10460;
	[tilespmem:s22+$0x10] =	vst v1  }
.LBB2_2:
0x4e: {  	s24 =	sadd.s32 $0x4, s24;
	s21 =	sadd.s32 $0x40, s21;
	s22 =	sadd.s32 $0x40, s22  }
0x4f: {  	p0 =	slt.u32 s24, $0x1C  }
0x50: {  	v0 =	vpop (erf)  }
0x51: {  	[tilespmem:s23+$0x10] =	vst v0;
	s23 =	smov.u32 s25  }
0x52: {  	v0 =	vld [tilespmem:s21+$0xFFFFFFE0]  }
0x53: {  	v1 =	vld [tilespmem:s22+$0xFFFFFFE0];
	_ =	sdelay $0x3  }
0x54: {  	vm0 =	vgt.s32 v0, $0x0  }
0x55: {  	v0 =	vnsel vm0, $0x0, v0;
	vm0 =	vgt.s32 v1, $0x0  }
0x56: {  	v1 =	vnsel vm0, $0x0, v1  }
0x57: {  	v0 =	vmin.u32 v0, $0xFFF;
	v1 =	vmin.u32 v1, $0xFFF  }
0x58: {  	v2 =	vsub.s32 v1, v0  }
0x59: {  	v2 =	vadd.s32 $0x1, v2  }
0x5a: {  	v2 =	vcvt.s32.f32 v2;
	_ =	sdelay $0x1  }
0x5b: {  	(erf) = vrcp.f32 v2;
	_ =	sdelay $0x7  }
0x5c: {  	[tilespmem:s21+$0xFFFFFFE0] =	vst v0  }
0x5d: {  	[tilespmem:s22+$0xFFFFFFE0] =	vst v1;
	v0 =	vpop (erf)  }
0x5e: {  	[tilespmem:s25+$0xFFFFFFE0] =	vst v0  }
0x5f: {  	v0 =	vld [tilespmem:s22+$0xFFFFFFF0]  }
0x60: {  	v1 =	vld [tilespmem:s21+$0xFFFFFFF0];
	_ =	sdelay $0x3  }
0x61: {  	vm0 =	vgt.s32 v0, $0x0  }
0x62: {  	vm1 =	vgt.s32 v1, $0x0;
	v0 =	vnsel vm0, $0x0, v0  }
0x63: {  	v1 =	vnsel vm1, $0x0, v1;
	v0 =	vmin.u32 v0, $0xFFF  }
0x64: {  	v1 =	vmin.u32 v1, $0xFFF  }
0x65: {  	v2 =	vsub.s32 v0, v1  }
0x66: {  	v2 =	vadd.s32 $0x1, v2  }
0x67: {  	v2 =	vcvt.s32.f32 v2;
	_ =	sdelay $0x1  }
0x68: {  	(erf) = vrcp.f32 v2;
	_ =	sdelay $0x7  }
0x69: {  	[tilespmem:s21+$0xFFFFFFF0] =	vst v1  }
0x6a: {  	[tilespmem:s22+$0xFFFFFFF0] =	vst v0;
	v0 =	vpop (erf)  }
0x6b: {  	[tilespmem:s25+$0xFFFFFFF0] =	vst v0  }
0x6c: {  	v0 =	vld [tilespmem:s21+$0x0]  }
0x6d: {  	v1 =	vld [tilespmem:s22+$0x0];
	_ =	sdelay $0x3  }
0x6e: {  	vm0 =	vgt.s32 v0, $0x0  }
0x6f: {  	v0 =	vnsel vm0, $0x0, v0;
	vm0 =	vgt.s32 v1, $0x0  }
0x70: {  	v0 =	vmin.u32 v0, $0xFFF;
	v1 =	vnsel vm0, $0x0, v1  }
0x71: {  	v1 =	vmin.u32 v1, $0xFFF;
	[tilespmem:s21+$0x0] =	vst v0  }
0x72: {  	[tilespmem:s22+$0x0] =	vst v1;
	v0 =	vsub.s32 v1, v0  }
0x73: {  	v0 =	vadd.s32 $0x1, v0  }
0x74: {  	v0 =	vcvt.s32.f32 v0;
	_ =	sdelay $0x1  }
0x75: {  	(erf) = vrcp.f32 v0;
	_ =	sdelay $0x8  }
0x76: {  	v0 =	vpop (erf)  }
0x77: {  	[tilespmem:s25+$0x0] =	vst v0  }
0x78: {  	v0 =	vld [tilespmem:s21+$0x10]  }
0x79: {  	v1 =	vld [tilespmem:s22+$0x10];
	_ =	sdelay $0x3  }
0x7a: {  	vm0 =	vgt.s32 v0, $0x0  }
0x7b: {  	v0 =	vnsel vm0, $0x0, v0;
	vm0 =	vgt.s32 v1, $0x0  }
0x7c: {  	v0 =	vmin.u32 v0, $0xFFF;
	v1 =	vnsel vm0, $0x0, v1  }
0x7d: {  	v1 =	vmin.u32 v1, $0xFFF;
	[tilespmem:s21+$0x10] =	vst v0  }
0x7e: {  	[tilespmem:s22+$0x10] =	vst v1;
	v0 =	vsub.s32 v1, v0  }
0x7f: {  	v0 =	vadd.s32 $0x1, v0  }
0x80: {  	v0 =	vcvt.s32.f32 v0;
	_ =	sdelay $0x1  }
0x81: {  	(erf) = vrcp.f32 v0;
	_ =	sdelay $0x1  }
.Ltmp0:
0x82: {  	(pc) =	sbr.rel @p0 .LBB2_2-.Ltmp0, $2  }
0x83: {  	_ =	sdelay $0x2  }
0x84: {  	s25 =	sadd.s32 $0x40, s25  }
0x85: {  	_ =	sdelay $0x1  }
0x86: {  	v0 =	vpop (erf)  }
0x87: {  	[tilespmem:s23+$0x10] =	vst v0  }
0x88: {  	[tilespmem:s2], [sflag:$0x1] =	stream.strided.gather [hbm4b:s6+s17], $0x10000, s18, s17, $0x38;
	[tilespmem:$0x12600] =	vst v63  }
0x89: {  	_ =	swait.ge [sflag:s3], $0x10000  }
0x8a: {  	[sflag:s3] =	ssyncset.done $0x0  }
0x8b: {  	[sflag:s3] =	ssyncadd.s32 $0xFFFF0000  }
0x8c: {  	v26 =	vld [tilespmem:$0x10200]  }
0x8d: {  	v2 =	vld [tilespmem:$0x10000];
	_ =	sdelay $0x3  }
0x8e: {  	v0 =	vshll.u32 v26, $0x6  }
0x8f: {  	v27 =	vshll.u32 v2, $0x6;
	v1 =	vshra.s32 v0, $0x2  }
0x90: {  	v2 =	vshra.s32 v27, $0x2;
	(v2sf) =	vpush v1, $0x0  }
0x91: {  	(v2sf) =	vpush v2, $0x0;
	_ =	sdelay $0x6  }
0x92: {  	v28 =	vld [tilespmem:$0x0];
	_ =	sdelay $0x2  }
0x93: {  	(v2sf) =	vpush v1, $0x1  }
0x94: {  	(v2sf) =	vpush v2, $0x1  }
0x95: {  	v0 =	vadd.f32 $0.0e+00, v28;
	_ =	sdelay $0x1  }
0x96: {  	v29 =	vld [tilespmem:$0x10400];
	[tilespmem:$0x0] =	vst v0;
	s21 =	spop (v2sf)  }
0x97: {  	v3 =	vld [tilespmem:s21+$0x0];
	s31 =	spop (v2sf)  }
0x98: {  	v4 =	vld [tilespmem:s31+$0x0];
	_ =	sdelay $0x4  }
0x99: {  	v30 =	vbroadcast v29, $0x0;
	(v2sf) =	vpush v1, $0x2;
	v3 =	vsub.f32 v3, v4  }
0x9a: {  	(v2sf) =	vpush v2, $0x2  }
0x9b: {  	v3 =	vmul.f32 v3, v30;
	_ =	sdelay $0x1  }
0x9c: {  	s22 =	spop (v2sf);
	[tilespmem:$0x10600] =	vst v3  }
0x9d: {  	s23 =	spop (v2sf);
	v3 =	vld [tilespmem:s22+$0x0]  }
0x9e: {  	v31 =	vld [tilespmem:s23+$0x0];
	_ =	sdelay $0x4  }
0x9f: {  	v32 =	vbroadcast v29, $0x1;
	(v2sf) =	vpush v1, $0x3;
	v3 =	vsub.f32 v3, v31  }
0xa0: {  	(v2sf) =	vpush v2, $0x3  }
0xa1: {  	v3 =	vmul.f32 v3, v32;
	_ =	sdelay $0x1  }
0xa2: {  	s24 =	spop (v2sf);
	[tilespmem:$0x10610] =	vst v3  }
0xa3: {  	s25 =	spop (v2sf);
	v3 =	vld [tilespmem:s24+$0x0]  }
0xa4: {  	v33 =	vld [tilespmem:s25+$0x0];
	_ =	sdelay $0x4  }
0xa5: {  	v34 =	vbroadcast v29, $0x2;
	(v2sf) =	vpush v1, $0x4;
	v3 =	vsub.f32 v3, v33  }
0xa6: {  	(v2sf) =	vpush v2, $0x4  }
0xa7: {  	v3 =	vmul.f32 v3, v34;
	_ =	sdelay $0x1  }
0xa8: {  	s26 =	spop (v2sf);
	[tilespmem:$0x10620] =	vst v3  }
0xa9: {  	s28 =	spop (v2sf);
	v3 =	vld [tilespmem:s26+$0x0]  }
0xaa: {  	v35 =	vld [tilespmem:s28+$0x0];
	_ =	sdelay $0x4  }
0xab: {  	v36 =	vbroadcast v29, $0x3;
	(v2sf) =	vpush v1, $0x5;
	v3 =	vsub.f32 v3, v35  }
0xac: {  	(v2sf) =	vpush v2, $0x5  }
0xad: {  	v3 =	vmul.f32 v3, v36;
	_ =	sdelay $0x1  }
0xae: {  	s29 =	spop (v2sf);
	[tilespmem:$0x10630] =	vst v3  }
0xaf: {  	s30 =	spop (v2sf);
	v3 =	vld [tilespmem:s29+$0x0]  }
0xb0: {  	v37 =	vld [tilespmem:s30+$0x0];
	_ =	sdelay $0x4  }
0xb1: {  	v38 =	vbroadcast v29, $0x4;
	(v2sf) =	vpush v1, $0x6;
	v3 =	vsub.f32 v3, v37  }
0xb2: {  	(v2sf) =	vpush v2, $0x6  }
0xb3: {  	v3 =	vmul.f32 v3, v38;
	_ =	sdelay $0x1  }
0xb4: {  	s31 =	spop (v2sf);
	[tilespmem:$0x10640] =	vst v3  }
0xb5: {  	s22 =	spop (v2sf);
	v3 =	vld [tilespmem:s31+$0x0]  }
0xb6: {  	v39 =	vld [tilespmem:s22+$0x0];
	_ =	sdelay $0x4  }
0xb7: {  	v40 =	vbroadcast v29, $0x5;
	(v2sf) =	vpush v1, $0x7;
	v3 =	vsub.f32 v3, v39  }
0xb8: {  	(v2sf) =	vpush v2, $0x7  }
0xb9: {  	v3 =	vmul.f32 v3, v40;
	_ =	sdelay $0x1  }
0xba: {  	s23 =	spop (v2sf);
	[tilespmem:$0x10650] =	vst v3  }
0xbb: {  	s24 =	spop (v2sf);
	v3 =	vld [tilespmem:s23+$0x0]  }
0xbc: {  	v41 =	vld [tilespmem:s24+$0x0];
	_ =	sdelay $0x4  }
0xbd: {  	v42 =	vbroadcast v29, $0x6;
	(v2sf) =	vpush v1, $0x8;
	v3 =	vsub.f32 v3, v41  }
0xbe: {  	(v2sf) =	vpush v2, $0x8  }
0xbf: {  	v3 =	vmul.f32 v3, v42;
	_ =	sdelay $0x1  }
0xc0: {  	s25 =	spop (v2sf);
	[tilespmem:$0x10660] =	vst v3  }
0xc1: {  	s26 =	spop (v2sf);
	v3 =	vld [tilespmem:s25+$0x0]  }
0xc2: {  	v43 =	vld [tilespmem:s26+$0x0];
	_ =	sdelay $0x4  }
0xc3: {  	v44 =	vbroadcast v29, $0x7;
	(v2sf) =	vpush v1, $0x9;
	v3 =	vsub.f32 v3, v43  }
0xc4: {  	(v2sf) =	vpush v2, $0x9  }
0xc5: {  	v3 =	vmul.f32 v3, v44;
	_ =	sdelay $0x1  }
0xc6: {  	s28 =	spop (v2sf);
	[tilespmem:$0x10670] =	vst v3  }
0xc7: {  	s29 =	spop (v2sf);
	v3 =	vld [tilespmem:s28+$0x0]  }
0xc8: {  	v45 =	vld [tilespmem:s29+$0x0];
	_ =	sdelay $0x4  }
0xc9: {  	v46 =	vbroadcast v29, $0x8;
	(v2sf) =	vpush v1, $0xA;
	v3 =	vsub.f32 v3, v45  }
0xca: {  	(v2sf) =	vpush v2, $0xA  }
0xcb: {  	v3 =	vmul.f32 v3, v46;
	_ =	sdelay $0x1  }
0xcc: {  	s30 =	spop (v2sf);
	[tilespmem:$0x10680] =	vst v3  }
0xcd: {  	s31 =	spop (v2sf);
	v3 =	vld [tilespmem:s30+$0x0]  }
0xce: {  	v47 =	vld [tilespmem:s31+$0x0];
	_ =	sdelay $0x4  }
0xcf: {  	v48 =	vbroadcast v29, $0x9;
	(v2sf) =	vpush v1, $0xB;
	v3 =	vsub.f32 v3, v47  }
0xd0: {  	(v2sf) =	vpush v2, $0xB  }
0xd1: {  	v3 =	vmul.f32 v3, v48;
	_ =	sdelay $0x1  }
0xd2: {  	s22 =	spop (v2sf);
	[tilespmem:$0x10690] =	vst v3  }
0xd3: {  	s23 =	spop (v2sf);
	v3 =	vld [tilespmem:s22+$0x0]  }
0xd4: {  	v49 =	vld [tilespmem:s23+$0x0];
	_ =	sdelay $0x4  }
0xd5: {  	v50 =	vbroadcast v29, $0xA;
	(v2sf) =	vpush v1, $0xC;
	v3 =	vsub.f32 v3, v49  }
0xd6: {  	(v2sf) =	vpush v2, $0xC  }
0xd7: {  	v3 =	vmul.f32 v3, v50;
	_ =	sdelay $0x1  }
0xd8: {  	s24 =	spop (v2sf);
	[tilespmem:$0x106A0] =	vst v3  }
0xd9: {  	s25 =	spop (v2sf);
	v3 =	vld [tilespmem:s24+$0x0]  }
0xda: {  	v51 =	vld [tilespmem:s25+$0x0];
	_ =	sdelay $0x4  }
0xdb: {  	v52 =	vbroadcast v29, $0xB;
	(v2sf) =	vpush v1, $0xD;
	v3 =	vsub.f32 v3, v51  }
0xdc: {  	(v2sf) =	vpush v2, $0xD  }
0xdd: {  	v3 =	vmul.f32 v3, v52;
	_ =	sdelay $0x1  }
0xde: {  	s26 =	spop (v2sf);
	[tilespmem:$0x106B0] =	vst v3  }
0xdf: {  	s28 =	spop (v2sf);
	v3 =	vld [tilespmem:s26+$0x0]  }
0xe0: {  	v53 =	vld [tilespmem:s28+$0x0];
	_ =	sdelay $0x4  }
0xe1: {  	v54 =	vbroadcast v29, $0xC;
	(v2sf) =	vpush v1, $0xE;
	v3 =	vsub.f32 v3, v53  }
0xe2: {  	(v2sf) =	vpush v2, $0xE  }
0xe3: {  	v3 =	vmul.f32 v3, v54;
	_ =	sdelay $0x1  }
0xe4: {  	s29 =	spop (v2sf);
	[tilespmem:$0x106C0] =	vst v3  }
0xe5: {  	s30 =	spop (v2sf);
	v3 =	vld [tilespmem:s29+$0x0]  }
0xe6: {  	v55 =	vld [tilespmem:s30+$0x0];
	_ =	sdelay $0x4  }
0xe7: {  	v56 =	vbroadcast v29, $0xD;
	(v2sf) =	vpush v1, $0xF;
	v3 =	vsub.f32 v3, v55  }
0xe8: {  	(v2sf) =	vpush v2, $0xF  }
0xe9: {  	v57 =	vmul.f32 v3, v56;
	_ =	sdelay $0x1  }
0xea: {  	s31 =	spop (v2sf);
	[tilespmem:$0x106D0] =	vst v57  }
0xeb: {  	s22 =	spop (v2sf);
	v1 =	vld [tilespmem:s31+$0x0]  }
0xec: {  	v58 =	vld [tilespmem:s22+$0x0];
	_ =	sdelay $0x4  }
0xed: {  	v59 =	vbroadcast v29, $0xE;
	v1 =	vsub.f32 v1, v58;
	_ =	sdelay $0x1  }
0xee: {  	v1 =	vmul.f32 v1, v59;
	_ =	sdelay $0x1  }
0xef: {  	s23 =	spop (v2sf);
	[tilespmem:$0x106E0] =	vst v1  }
0xf0: {  	s24 =	spop (v2sf);
	v1 =	vld [tilespmem:s23+$0x0]  }
0xf1: {  	v60 =	vld [tilespmem:s24+$0x0];
	_ =	sdelay $0x4  }
0xf2: {  	v0 =	vbroadcast v29, $0xF;
	v1 =	vsub.f32 v1, v60;
	_ =	sdelay $0x1  }
0xf3: {  	v0 =	vmul.f32 v1, v0;
	_ =	sdelay $0x1  }
0xf4: {  	[tilespmem:$0x106F0] =	vst v0  }
0xf5: {  	[hbm4b:s7+s17] =	stream.strided.scatter [tilespmem:s19], [sflag:$0x1], $0x2000, s18, s17, $0x38;
	[tilespmem:$0x12600] =	vst v63  }
0xf6: {  	_ =	swait.ge [sflag:s3], $0x2000  }
0xf7: {  	[sflag:s3] =	ssyncset.done $0x0  }
0xf8: {  	[sflag:s3] =	ssyncadd.s32 $0xFFFFE000  }
0xf9: {  	[tilespmem:s2], [sflag:$0x1] =	stream.strided.gather [hbm4b:s8+s17], $0x10000, s18, s17, $0x38;
	[tilespmem:$0x12600] =	vst v63  }
0xfa: {  	_ =	swait.ge [sflag:s3], $0x10000  }
0xfb: {  	[sflag:s3] =	ssyncset.done $0x0  }
0xfc: {  	[sflag:s3] =	ssyncadd.s32 $0xFFFF0000  }
0xfd: {  	v61 =	vld [tilespmem:$0x10200]  }
0xfe: {  	v62 =	vld [tilespmem:$0x10000];
	_ =	sdelay $0x3  }
0xff: {  	v0 =	vshll.u32 v61, $0x6  }
0x100: {  	v6 =	vshll.u32 v62, $0x6;
	v63 =	vshra.s32 v0, $0x2  }
0x101: {  	v2 =	vshra.s32 v6, $0x2;
	(v2sf) =	vpush v63, $0x0  }
0x102: {  	(v2sf) =	vpush v2, $0x0;
	_ =	sdelay $0x6  }
0x103: {  	v7 =	vld [tilespmem:$0x0];
	_ =	sdelay $0x2  }
0x104: {  	(v2sf) =	vpush v63, $0x1  }
0x105: {  	(v2sf) =	vpush v2, $0x1  }
0x106: {  	v0 =	vadd.f32 $0.0e+00, v7;
	_ =	sdelay $0x1  }
0x107: {  	v8 =	vld [tilespmem:$0x10400];
	[tilespmem:$0x0] =	vst v0;
	s25 =	spop (v2sf)  }
0x108: {  	v9 =	vld [tilespmem:s25+$0x0];
	s26 =	spop (v2sf)  }
0x109: {  	v10 =	vld [tilespmem:s26+$0x0];
	_ =	sdelay $0x4  }
0x10a: {  	v11 =	vbroadcast v8, $0x0;
	(v2sf) =	vpush v63, $0x2;
	v3 =	vsub.f32 v9, v10  }
0x10b: {  	(v2sf) =	vpush v2, $0x2  }
0x10c: {  	v3 =	vmul.f32 v3, v11;
	_ =	sdelay $0x1  }
0x10d: {  	s28 =	spop (v2sf);
	[tilespmem:$0x10600] =	vst v3  }
0x10e: {  	s29 =	spop (v2sf);
	v3 =	vld [tilespmem:s28+$0x0]  }
0x10f: {  	v12 =	vld [tilespmem:s29+$0x0];
	_ =	sdelay $0x4  }
0x110: {  	v13 =	vbroadcast v8, $0x1;
	(v2sf) =	vpush v63, $0x3;
	v3 =	vsub.f32 v3, v12  }
0x111: {  	(v2sf) =	vpush v2, $0x3  }
0x112: {  	v3 =	vmul.f32 v3, v13;
	_ =	sdelay $0x1  }
0x113: {  	s30 =	spop (v2sf);
	[tilespmem:$0x10610] =	vst v3  }
0x114: {  	s31 =	spop (v2sf);
	v3 =	vld [tilespmem:s30+$0x0]  }
0x115: {  	v14 =	vld [tilespmem:s31+$0x0];
	_ =	sdelay $0x4  }
0x116: {  	v15 =	vbroadcast v8, $0x2;
	(v2sf) =	vpush v63, $0x4;
	v3 =	vsub.f32 v3, v14  }
0x117: {  	(v2sf) =	vpush v2, $0x4  }
0x118: {  	v3 =	vmul.f32 v3, v15;
	_ =	sdelay $0x1  }
0x119: {  	s22 =	spop (v2sf);
	[tilespmem:$0x10620] =	vst v3  }
0x11a: {  	s23 =	spop (v2sf);
	v3 =	vld [tilespmem:s22+$0x0]  }
0x11b: {  	v16 =	vld [tilespmem:s23+$0x0];
	_ =	sdelay $0x4  }
0x11c: {  	v17 =	vbroadcast v8, $0x3;
	(v2sf) =	vpush v63, $0x5;
	v3 =	vsub.f32 v3, v16  }
0x11d: {  	(v2sf) =	vpush v2, $0x5  }
0x11e: {  	v3 =	vmul.f32 v3, v17;
	_ =	sdelay $0x1  }
0x11f: {  	s24 =	spop (v2sf);
	[tilespmem:$0x10630] =	vst v3  }
0x120: {  	s25 =	spop (v2sf);
	v3 =	vld [tilespmem:s24+$0x0]  }
0x121: {  	v18 =	vld [tilespmem:s25+$0x0];
	_ =	sdelay $0x4  }
0x122: {  	v19 =	vbroadcast v8, $0x4;
	(v2sf) =	vpush v63, $0x6;
	v3 =	vsub.f32 v3, v18  }
0x123: {  	(v2sf) =	vpush v2, $0x6  }
0x124: {  	v3 =	vmul.f32 v3, v19;
	_ =	sdelay $0x1  }
0x125: {  	s26 =	spop (v2sf);
	[tilespmem:$0x10640] =	vst v3  }
0x126: {  	s28 =	spop (v2sf);
	v3 =	vld [tilespmem:s26+$0x0]  }
0x127: {  	v20 =	vld [tilespmem:s28+$0x0];
	_ =	sdelay $0x4  }
0x128: {  	v21 =	vbroadcast v8, $0x5;
	(v2sf) =	vpush v63, $0x7;
	v3 =	vsub.f32 v3, v20  }
0x129: {  	(v2sf) =	vpush v2, $0x7  }
0x12a: {  	v3 =	vmul.f32 v3, v21;
	_ =	sdelay $0x1  }
0x12b: {  	s29 =	spop (v2sf);
	[tilespmem:$0x10650] =	vst v3  }
0x12c: {  	s30 =	spop (v2sf);
	v3 =	vld [tilespmem:s29+$0x0]  }
0x12d: {  	v22 =	vld [tilespmem:s30+$0x0];
	_ =	sdelay $0x4  }
0x12e: {  	v23 =	vbroadcast v8, $0x6;
	(v2sf) =	vpush v63, $0x8;
	v3 =	vsub.f32 v3, v22  }
0x12f: {  	(v2sf) =	vpush v2, $0x8  }
0x130: {  	v3 =	vmul.f32 v3, v23;
	_ =	sdelay $0x1  }
0x131: {  	s31 =	spop (v2sf);
	[tilespmem:$0x10660] =	vst v3  }
0x132: {  	s22 =	spop (v2sf);
	v3 =	vld [tilespmem:s31+$0x0]  }
0x133: {  	v24 =	vld [tilespmem:s22+$0x0];
	_ =	sdelay $0x4  }
0x134: {  	v25 =	vbroadcast v8, $0x7;
	(v2sf) =	vpush v63, $0x9;
	v3 =	vsub.f32 v3, v24  }
0x135: {  	(v2sf) =	vpush v2, $0x9  }
0x136: {  	v3 =	vmul.f32 v3, v25;
	_ =	sdelay $0x1  }
0x137: {  	s23 =	spop (v2sf);
	[tilespmem:$0x10670] =	vst v3  }
0x138: {  	s24 =	spop (v2sf);
	v3 =	vld [tilespmem:s23+$0x0]  }
0x139: {  	v26 =	vld [tilespmem:s24+$0x0];
	_ =	sdelay $0x4  }
0x13a: {  	v27 =	vbroadcast v8, $0x8;
	(v2sf) =	vpush v63, $0xA;
	v3 =	vsub.f32 v3, v26  }
0x13b: {  	(v2sf) =	vpush v2, $0xA  }
0x13c: {  	v3 =	vmul.f32 v3, v27;
	_ =	sdelay $0x1  }
0x13d: {  	s25 =	spop (v2sf);
	[tilespmem:$0x10680] =	vst v3  }
0x13e: {  	s26 =	spop (v2sf);
	v3 =	vld [tilespmem:s25+$0x0]  }
0x13f: {  	v28 =	vld [tilespmem:s26+$0x0];
	_ =	sdelay $0x4  }
0x140: {  	v29 =	vbroadcast v8, $0x9;
	(v2sf) =	vpush v63, $0xB;
	v3 =	vsub.f32 v3, v28  }
0x141: {  	(v2sf) =	vpush v2, $0xB  }
0x142: {  	v3 =	vmul.f32 v3, v29;
	_ =	sdelay $0x1  }
0x143: {  	s28 =	spop (v2sf);
	[tilespmem:$0x10690] =	vst v3  }
0x144: {  	s29 =	spop (v2sf);
	v3 =	vld [tilespmem:s28+$0x0]  }
0x145: {  	v30 =	vld [tilespmem:s29+$0x0];
	_ =	sdelay $0x4  }
0x146: {  	v31 =	vbroadcast v8, $0xA;
	(v2sf) =	vpush v63, $0xC;
	v3 =	vsub.f32 v3, v30  }
0x147: {  	(v2sf) =	vpush v2, $0xC  }
0x148: {  	v3 =	vmul.f32 v3, v31;
	_ =	sdelay $0x1  }
0x149: {  	s30 =	spop (v2sf);
	[tilespmem:$0x106A0] =	vst v3  }
0x14a: {  	s31 =	spop (v2sf);
	v3 =	vld [tilespmem:s30+$0x0]  }
0x14b: {  	v32 =	vld [tilespmem:s31+$0x0];
	_ =	sdelay $0x4  }
0x14c: {  	v33 =	vbroadcast v8, $0xB;
	(v2sf) =	vpush v63, $0xD;
	v3 =	vsub.f32 v3, v32  }
0x14d: {  	(v2sf) =	vpush v2, $0xD  }
0x14e: {  	v3 =	vmul.f32 v3, v33;
	_ =	sdelay $0x1  }
0x14f: {  	s22 =	spop (v2sf);
	[tilespmem:$0x106B0] =	vst v3  }
0x150: {  	s23 =	spop (v2sf);
	v3 =	vld [tilespmem:s22+$0x0]  }
0x151: {  	v34 =	vld [tilespmem:s23+$0x0];
	_ =	sdelay $0x4  }
0x152: {  	v35 =	vbroadcast v8, $0xC;
	(v2sf) =	vpush v63, $0xE;
	v3 =	vsub.f32 v3, v34  }
0x153: {  	(v2sf) =	vpush v2, $0xE  }
0x154: {  	v3 =	vmul.f32 v3, v35;
	_ =	sdelay $0x1  }
0x155: {  	s24 =	spop (v2sf);
	[tilespmem:$0x106C0] =	vst v3  }
0x156: {  	s25 =	spop (v2sf);
	v3 =	vld [tilespmem:s24+$0x0]  }
0x157: {  	v36 =	vld [tilespmem:s25+$0x0];
	_ =	sdelay $0x4  }
0x158: {  	v37 =	vbroadcast v8, $0xD;
	(v2sf) =	vpush v63, $0xF;
	v3 =	vsub.f32 v3, v36  }
0x159: {  	(v2sf) =	vpush v2, $0xF  }
0x15a: {  	v38 =	vmul.f32 v3, v37;
	_ =	sdelay $0x1  }
0x15b: {  	s26 =	spop (v2sf);
	[tilespmem:$0x106D0] =	vst v38  }
0x15c: {  	s28 =	spop (v2sf);
	v1 =	vld [tilespmem:s26+$0x0]  }
0x15d: {  	v39 =	vld [tilespmem:s28+$0x0];
	_ =	sdelay $0x4  }
0x15e: {  	v40 =	vbroadcast v8, $0xE;
	v1 =	vsub.f32 v1, v39;
	_ =	sdelay $0x1  }
0x15f: {  	v1 =	vmul.f32 v1, v40;
	_ =	sdelay $0x1  }
0x160: {  	s29 =	spop (v2sf);
	[tilespmem:$0x106E0] =	vst v1  }
0x161: {  	s30 =	spop (v2sf);
	v1 =	vld [tilespmem:s29+$0x0]  }
0x162: {  	v41 =	vld [tilespmem:s30+$0x0];
	_ =	sdelay $0x4  }
0x163: {  	v0 =	vbroadcast v8, $0xF;
	v1 =	vsub.f32 v1, v41;
	_ =	sdelay $0x1  }
0x164: {  	v0 =	vmul.f32 v1, v0;
	_ =	sdelay $0x1  }
0x165: {  	[tilespmem:$0x106F0] =	vst v0  }
0x166: {  	[hbm4b:s9+s17] =	stream.strided.scatter [tilespmem:s19], [sflag:$0x1], $0x2000, s18, s17, $0x38;
	[tilespmem:$0x12600] =	vst v63  }
0x167: {  	_ =	swait.ge [sflag:s3], $0x2000  }
0x168: {  	[sflag:s3] =	ssyncset.done $0x0  }
0x169: {  	[sflag:s3] =	ssyncadd.s32 $0xFFFFE000  }
0x16a: {  	[tilespmem:s2], [sflag:$0x1] =	stream.strided.gather [hbm4b:s10+s17], $0x10000, s18, s17, $0x38;
	[tilespmem:$0x12600] =	vst v63  }
0x16b: {  	_ =	swait.ge [sflag:s3], $0x10000  }
0x16c: {  	[sflag:s3] =	ssyncset.done $0x0  }
0x16d: {  	[sflag:s3] =	ssyncadd.s32 $0xFFFF0000  }
0x16e: {  	v42 =	vld [tilespmem:$0x10200]  }
0x16f: {  	v43 =	vld [tilespmem:$0x10000];
	_ =	sdelay $0x3  }
0x170: {  	v0 =	vshll.u32 v42, $0x6  }
0x171: {  	v45 =	vshll.u32 v43, $0x6;
	v44 =	vshra.s32 v0, $0x2  }
0x172: {  	v2 =	vshra.s32 v45, $0x2;
	(v2sf) =	vpush v44, $0x0  }
0x173: {  	(v2sf) =	vpush v2, $0x0;
	_ =	sdelay $0x6  }
0x174: {  	v46 =	vld [tilespmem:$0x0];
	_ =	sdelay $0x2  }
0x175: {  	(v2sf) =	vpush v44, $0x1  }
0x176: {  	(v2sf) =	vpush v2, $0x1  }
0x177: {  	v0 =	vadd.f32 $0.0e+00, v46;
	_ =	sdelay $0x1  }
0x178: {  	v47 =	vld [tilespmem:$0x10400];
	[tilespmem:$0x0] =	vst v0;
	s31 =	spop (v2sf)  }
0x179: {  	v48 =	vld [tilespmem:s31+$0x0];
	s22 =	spop (v2sf)  }
0x17a: {  	v49 =	vld [tilespmem:s22+$0x0];
	_ =	sdelay $0x4  }
0x17b: {  	v50 =	vbroadcast v47, $0x0;
	(v2sf) =	vpush v44, $0x2;
	v3 =	vsub.f32 v48, v49  }
0x17c: {  	(v2sf) =	vpush v2, $0x2  }
0x17d: {  	v3 =	vmul.f32 v3, v50;
	_ =	sdelay $0x1  }
0x17e: {  	s23 =	spop (v2sf);
	[tilespmem:$0x10600] =	vst v3  }
0x17f: {  	s24 =	spop (v2sf);
	v3 =	vld [tilespmem:s23+$0x0]  }
0x180: {  	v51 =	vld [tilespmem:s24+$0x0];
	_ =	sdelay $0x4  }
0x181: {  	v52 =	vbroadcast v47, $0x1;
	(v2sf) =	vpush v44, $0x3;
	v3 =	vsub.f32 v3, v51  }
0x182: {  	(v2sf) =	vpush v2, $0x3  }
0x183: {  	v3 =	vmul.f32 v3, v52;
	_ =	sdelay $0x1  }
0x184: {  	s25 =	spop (v2sf);
	[tilespmem:$0x10610] =	vst v3  }
0x185: {  	s26 =	spop (v2sf);
	v3 =	vld [tilespmem:s25+$0x0]  }
0x186: {  	v53 =	vld [tilespmem:s26+$0x0];
	_ =	sdelay $0x4  }
0x187: {  	v54 =	vbroadcast v47, $0x2;
	(v2sf) =	vpush v44, $0x4;
	v3 =	vsub.f32 v3, v53  }
0x188: {  	(v2sf) =	vpush v2, $0x4  }
0x189: {  	v3 =	vmul.f32 v3, v54;
	_ =	sdelay $0x1  }
0x18a: {  	s28 =	spop (v2sf);
	[tilespmem:$0x10620] =	vst v3  }
0x18b: {  	s29 =	spop (v2sf);
	v3 =	vld [tilespmem:s28+$0x0]  }
0x18c: {  	v55 =	vld [tilespmem:s29+$0x0];
	_ =	sdelay $0x4  }
0x18d: {  	v56 =	vbroadcast v47, $0x3;
	(v2sf) =	vpush v44, $0x5;
	v3 =	vsub.f32 v3, v55  }
0x18e: {  	(v2sf) =	vpush v2, $0x5  }
0x18f: {  	v3 =	vmul.f32 v3, v56;
	_ =	sdelay $0x1  }
0x190: {  	s30 =	spop (v2sf);
	[tilespmem:$0x10630] =	vst v3  }
0x191: {  	s31 =	spop (v2sf);
	v3 =	vld [tilespmem:s30+$0x0]  }
0x192: {  	v57 =	vld [tilespmem:s31+$0x0];
	_ =	sdelay $0x4  }
0x193: {  	v58 =	vbroadcast v47, $0x4;
	(v2sf) =	vpush v44, $0x6;
	v3 =	vsub.f32 v3, v57  }
0x194: {  	(v2sf) =	vpush v2, $0x6  }
0x195: {  	v3 =	vmul.f32 v3, v58;
	_ =	sdelay $0x1  }
0x196: {  	s22 =	spop (v2sf);
	[tilespmem:$0x10640] =	vst v3  }
0x197: {  	s23 =	spop (v2sf);
	v3 =	vld [tilespmem:s22+$0x0]  }
0x198: {  	v59 =	vld [tilespmem:s23+$0x0];
	_ =	sdelay $0x4  }
0x199: {  	v60 =	vbroadcast v47, $0x5;
	(v2sf) =	vpush v44, $0x7;
	v3 =	vsub.f32 v3, v59  }
0x19a: {  	(v2sf) =	vpush v2, $0x7  }
0x19b: {  	v3 =	vmul.f32 v3, v60;
	_ =	sdelay $0x1  }
0x19c: {  	s24 =	spop (v2sf);
	[tilespmem:$0x10650] =	vst v3  }
0x19d: {  	s25 =	spop (v2sf);
	v3 =	vld [tilespmem:s24+$0x0]  }
0x19e: {  	v61 =	vld [tilespmem:s25+$0x0];
	_ =	sdelay $0x4  }
0x19f: {  	v62 =	vbroadcast v47, $0x6;
	(v2sf) =	vpush v44, $0x8;
	v3 =	vsub.f32 v3, v61  }
0x1a0: {  	(v2sf) =	vpush v2, $0x8  }
0x1a1: {  	v3 =	vmul.f32 v3, v62;
	_ =	sdelay $0x1  }
0x1a2: {  	s26 =	spop (v2sf);
	[tilespmem:$0x10660] =	vst v3  }
0x1a3: {  	s28 =	spop (v2sf);
	v3 =	vld [tilespmem:s26+$0x0]  }
0x1a4: {  	v63 =	vld [tilespmem:s28+$0x0];
	_ =	sdelay $0x4  }
0x1a5: {  	v8 =	vbroadcast v47, $0x7;
	(v2sf) =	vpush v44, $0x9;
	v3 =	vsub.f32 v3, v63  }
0x1a6: {  	(v2sf) =	vpush v2, $0x9  }
0x1a7: {  	v3 =	vmul.f32 v3, v8;
	_ =	sdelay $0x1  }
0x1a8: {  	s29 =	spop (v2sf);
	[tilespmem:$0x10670] =	vst v3  }
0x1a9: {  	s30 =	spop (v2sf);
	v3 =	vld [tilespmem:s29+$0x0]  }
0x1aa: {  	v9 =	vld [tilespmem:s30+$0x0];
	_ =	sdelay $0x4  }
0x1ab: {  	v10 =	vbroadcast v47, $0x8;
	(v2sf) =	vpush v44, $0xA;
	v3 =	vsub.f32 v3, v9  }
0x1ac: {  	(v2sf) =	vpush v2, $0xA  }
0x1ad: {  	v3 =	vmul.f32 v3, v10;
	_ =	sdelay $0x1  }
0x1ae: {  	s31 =	spop (v2sf);
	[tilespmem:$0x10680] =	vst v3  }
0x1af: {  	s22 =	spop (v2sf);
	v3 =	vld [tilespmem:s31+$0x0]  }
0x1b0: {  	v11 =	vld [tilespmem:s22+$0x0];
	_ =	sdelay $0x4  }
0x1b1: {  	v12 =	vbroadcast v47, $0x9;
	(v2sf) =	vpush v44, $0xB;
	v3 =	vsub.f32 v3, v11  }
0x1b2: {  	(v2sf) =	vpush v2, $0xB  }
0x1b3: {  	v3 =	vmul.f32 v3, v12;
	_ =	sdelay $0x1  }
0x1b4: {  	s23 =	spop (v2sf);
	[tilespmem:$0x10690] =	vst v3  }
0x1b5: {  	s24 =	spop (v2sf);
	v3 =	vld [tilespmem:s23+$0x0]  }
0x1b6: {  	v13 =	vld [tilespmem:s24+$0x0];
	_ =	sdelay $0x4  }
0x1b7: {  	v14 =	vbroadcast v47, $0xA;
	(v2sf) =	vpush v44, $0xC;
	v3 =	vsub.f32 v3, v13  }
0x1b8: {  	(v2sf) =	vpush v2, $0xC  }
0x1b9: {  	v3 =	vmul.f32 v3, v14;
	_ =	sdelay $0x1  }
0x1ba: {  	s25 =	spop (v2sf);
	[tilespmem:$0x106A0] =	vst v3  }
0x1bb: {  	s26 =	spop (v2sf);
	v3 =	vld [tilespmem:s25+$0x0]  }
0x1bc: {  	v15 =	vld [tilespmem:s26+$0x0];
	_ =	sdelay $0x4  }
0x1bd: {  	v16 =	vbroadcast v47, $0xB;
	(v2sf) =	vpush v44, $0xD;
	v3 =	vsub.f32 v3, v15  }
0x1be: {  	(v2sf) =	vpush v2, $0xD  }
0x1bf: {  	v3 =	vmul.f32 v3, v16;
	_ =	sdelay $0x1  }
0x1c0: {  	s28 =	spop (v2sf);
	[tilespmem:$0x106B0] =	vst v3  }
0x1c1: {  	s29 =	spop (v2sf);
	v3 =	vld [tilespmem:s28+$0x0]  }
0x1c2: {  	v17 =	vld [tilespmem:s29+$0x0];
	_ =	sdelay $0x4  }
0x1c3: {  	v18 =	vbroadcast v47, $0xC;
	(v2sf) =	vpush v44, $0xE;
	v3 =	vsub.f32 v3, v17  }
0x1c4: {  	(v2sf) =	vpush v2, $0xE  }
0x1c5: {  	v3 =	vmul.f32 v3, v18;
	_ =	sdelay $0x1  }
0x1c6: {  	s30 =	spop (v2sf);
	[tilespmem:$0x106C0] =	vst v3  }
0x1c7: {  	s31 =	spop (v2sf);
	v3 =	vld [tilespmem:s30+$0x0]  }
0x1c8: {  	v19 =	vld [tilespmem:s31+$0x0];
	_ =	sdelay $0x4  }
0x1c9: {  	v20 =	vbroadcast v47, $0xD;
	(v2sf) =	vpush v44, $0xF;
	v3 =	vsub.f32 v3, v19  }
0x1ca: {  	(v2sf) =	vpush v2, $0xF  }
0x1cb: {  	v21 =	vmul.f32 v3, v20;
	_ =	sdelay $0x1  }
0x1cc: {  	s22 =	spop (v2sf);
	[tilespmem:$0x106D0] =	vst v21  }
0x1cd: {  	s23 =	spop (v2sf);
	v1 =	vld [tilespmem:s22+$0x0]  }
0x1ce: {  	v22 =	vld [tilespmem:s23+$0x0];
	_ =	sdelay $0x4  }
0x1cf: {  	v23 =	vbroadcast v47, $0xE;
	v1 =	vsub.f32 v1, v22;
	_ =	sdelay $0x1  }
0x1d0: {  	v1 =	vmul.f32 v1, v23;
	_ =	sdelay $0x1  }
0x1d1: {  	s24 =	spop (v2sf);
	[tilespmem:$0x106E0] =	vst v1  }
0x1d2: {  	s25 =	spop (v2sf);
	v1 =	vld [tilespmem:s24+$0x0]  }
0x1d3: {  	v24 =	vld [tilespmem:s25+$0x0];
	_ =	sdelay $0x4  }
0x1d4: {  	v0 =	vbroadcast v47, $0xF;
	v1 =	vsub.f32 v1, v24;
	_ =	sdelay $0x1  }
0x1d5: {  	v0 =	vmul.f32 v1, v0;
	_ =	sdelay $0x1  }
0x1d6: {  	[tilespmem:$0x106F0] =	vst v0  }
0x1d7: {  	[hbm4b:s11+s17] =	stream.strided.scatter [tilespmem:s19], [sflag:$0x1], $0x2000, s18, s17, $0x38;
	[tilespmem:$0x12600] =	vst v63  }
0x1d8: {  	_ =	swait.ge [sflag:s3], $0x2000  }
0x1d9: {  	[sflag:s3] =	ssyncset.done $0x0  }
0x1da: {  	[sflag:s3] =	ssyncadd.s32 $0xFFFFE000  }
0x1db: {  	[tilespmem:s2], [sflag:$0x1] =	stream.strided.gather [hbm4b:s12+s17], $0x10000, s18, s17, $0x38;
	[tilespmem:$0x12600] =	vst v63  }
0x1dc: {  	_ =	swait.ge [sflag:s3], $0x10000  }
0x1dd: {  	[sflag:s3] =	ssyncset.done $0x0  }
0x1de: {  	[sflag:s3] =	ssyncadd.s32 $0xFFFF0000  }
0x1df: {  	v25 =	vld [tilespmem:$0x10200]  }
0x1e0: {  	v26 =	vld [tilespmem:$0x10000];
	_ =	sdelay $0x3  }
0x1e1: {  	v0 =	vshll.u32 v25, $0x6  }
0x1e2: {  	v28 =	vshll.u32 v26, $0x6;
	v27 =	vshra.s32 v0, $0x2  }
0x1e3: {  	v2 =	vshra.s32 v28, $0x2;
	(v2sf) =	vpush v27, $0x0  }
0x1e4: {  	(v2sf) =	vpush v2, $0x0;
	_ =	sdelay $0x6  }
0x1e5: {  	v29 =	vld [tilespmem:$0x0];
	_ =	sdelay $0x2  }
0x1e6: {  	(v2sf) =	vpush v27, $0x1  }
0x1e7: {  	(v2sf) =	vpush v2, $0x1  }
0x1e8: {  	v0 =	vadd.f32 $0.0e+00, v29;
	_ =	sdelay $0x1  }
0x1e9: {  	v30 =	vld [tilespmem:$0x10400];
	[tilespmem:$0x0] =	vst v0;
	s26 =	spop (v2sf)  }
0x1ea: {  	v31 =	vld [tilespmem:s26+$0x0];
	s28 =	spop (v2sf)  }
0x1eb: {  	v32 =	vld [tilespmem:s28+$0x0];
	_ =	sdelay $0x4  }
0x1ec: {  	v33 =	vbroadcast v30, $0x0;
	(v2sf) =	vpush v27, $0x2;
	v3 =	vsub.f32 v31, v32  }
0x1ed: {  	(v2sf) =	vpush v2, $0x2  }
0x1ee: {  	v3 =	vmul.f32 v3, v33;
	_ =	sdelay $0x1  }
0x1ef: {  	s29 =	spop (v2sf);
	[tilespmem:$0x10600] =	vst v3  }
0x1f0: {  	s30 =	spop (v2sf);
	v3 =	vld [tilespmem:s29+$0x0]  }
0x1f1: {  	v34 =	vld [tilespmem:s30+$0x0];
	_ =	sdelay $0x4  }
0x1f2: {  	v35 =	vbroadcast v30, $0x1;
	(v2sf) =	vpush v27, $0x3;
	v3 =	vsub.f32 v3, v34  }
0x1f3: {  	(v2sf) =	vpush v2, $0x3  }
0x1f4: {  	v3 =	vmul.f32 v3, v35;
	_ =	sdelay $0x1  }
0x1f5: {  	s31 =	spop (v2sf);
	[tilespmem:$0x10610] =	vst v3  }
0x1f6: {  	s22 =	spop (v2sf);
	v3 =	vld [tilespmem:s31+$0x0]  }
0x1f7: {  	v36 =	vld [tilespmem:s22+$0x0];
	_ =	sdelay $0x4  }
0x1f8: {  	v37 =	vbroadcast v30, $0x2;
	(v2sf) =	vpush v27, $0x4;
	v3 =	vsub.f32 v3, v36  }
0x1f9: {  	(v2sf) =	vpush v2, $0x4  }
0x1fa: {  	v3 =	vmul.f32 v3, v37;
	_ =	sdelay $0x1  }
0x1fb: {  	s23 =	spop (v2sf);
	[tilespmem:$0x10620] =	vst v3  }
0x1fc: {  	s24 =	spop (v2sf);
	v3 =	vld [tilespmem:s23+$0x0]  }
0x1fd: {  	v38 =	vld [tilespmem:s24+$0x0];
	_ =	sdelay $0x4  }
0x1fe: {  	v39 =	vbroadcast v30, $0x3;
	(v2sf) =	vpush v27, $0x5;
	v3 =	vsub.f32 v3, v38  }
0x1ff: {  	(v2sf) =	vpush v2, $0x5  }
0x200: {  	v3 =	vmul.f32 v3, v39;
	_ =	sdelay $0x1  }
0x201: {  	s25 =	spop (v2sf);
	[tilespmem:$0x10630] =	vst v3  }
0x202: {  	s26 =	spop (v2sf);
	v3 =	vld [tilespmem:s25+$0x0]  }
0x203: {  	v40 =	vld [tilespmem:s26+$0x0];
	_ =	sdelay $0x4  }
0x204: {  	v41 =	vbroadcast v30, $0x4;
	(v2sf) =	vpush v27, $0x6;
	v3 =	vsub.f32 v3, v40  }
0x205: {  	(v2sf) =	vpush v2, $0x6  }
0x206: {  	v3 =	vmul.f32 v3, v41;
	_ =	sdelay $0x1  }
0x207: {  	s28 =	spop (v2sf);
	[tilespmem:$0x10640] =	vst v3  }
0x208: {  	s29 =	spop (v2sf);
	v3 =	vld [tilespmem:s28+$0x0]  }
0x209: {  	v42 =	vld [tilespmem:s29+$0x0];
	_ =	sdelay $0x4  }
0x20a: {  	v43 =	vbroadcast v30, $0x5;
	(v2sf) =	vpush v27, $0x7;
	v3 =	vsub.f32 v3, v42  }
0x20b: {  	(v2sf) =	vpush v2, $0x7  }
0x20c: {  	v3 =	vmul.f32 v3, v43;
	_ =	sdelay $0x1  }
0x20d: {  	s30 =	spop (v2sf);
	[tilespmem:$0x10650] =	vst v3  }
0x20e: {  	s31 =	spop (v2sf);
	v3 =	vld [tilespmem:s30+$0x0]  }
0x20f: {  	v44 =	vld [tilespmem:s31+$0x0];
	_ =	sdelay $0x4  }
0x210: {  	v45 =	vbroadcast v30, $0x6;
	(v2sf) =	vpush v27, $0x8;
	v3 =	vsub.f32 v3, v44  }
0x211: {  	(v2sf) =	vpush v2, $0x8  }
0x212: {  	v3 =	vmul.f32 v3, v45;
	_ =	sdelay $0x1  }
0x213: {  	s22 =	spop (v2sf);
	[tilespmem:$0x10660] =	vst v3  }
0x214: {  	s23 =	spop (v2sf);
	v3 =	vld [tilespmem:s22+$0x0]  }
0x215: {  	v46 =	vld [tilespmem:s23+$0x0];
	_ =	sdelay $0x4  }
0x216: {  	v47 =	vbroadcast v30, $0x7;
	(v2sf) =	vpush v27, $0x9;
	v3 =	vsub.f32 v3, v46  }
0x217: {  	(v2sf) =	vpush v2, $0x9  }
0x218: {  	v3 =	vmul.f32 v3, v47;
	_ =	sdelay $0x1  }
0x219: {  	s24 =	spop (v2sf);
	[tilespmem:$0x10670] =	vst v3  }
0x21a: {  	s25 =	spop (v2sf);
	v3 =	vld [tilespmem:s24+$0x0]  }
0x21b: {  	v48 =	vld [tilespmem:s25+$0x0];
	_ =	sdelay $0x4  }
0x21c: {  	v49 =	vbroadcast v30, $0x8;
	(v2sf) =	vpush v27, $0xA;
	v3 =	vsub.f32 v3, v48  }
0x21d: {  	(v2sf) =	vpush v2, $0xA  }
0x21e: {  	v3 =	vmul.f32 v3, v49;
	_ =	sdelay $0x1  }
0x21f: {  	s26 =	spop (v2sf);
	[tilespmem:$0x10680] =	vst v3  }
0x220: {  	s28 =	spop (v2sf);
	v3 =	vld [tilespmem:s26+$0x0]  }
0x221: {  	v50 =	vld [tilespmem:s28+$0x0];
	_ =	sdelay $0x4  }
0x222: {  	v51 =	vbroadcast v30, $0x9;
	(v2sf) =	vpush v27, $0xB;
	v3 =	vsub.f32 v3, v50  }
0x223: {  	(v2sf) =	vpush v2, $0xB  }
0x224: {  	v3 =	vmul.f32 v3, v51;
	_ =	sdelay $0x1  }
0x225: {  	s29 =	spop (v2sf);
	[tilespmem:$0x10690] =	vst v3  }
0x226: {  	s30 =	spop (v2sf);
	v3 =	vld [tilespmem:s29+$0x0]  }
0x227: {  	v52 =	vld [tilespmem:s30+$0x0];
	_ =	sdelay $0x4  }
0x228: {  	v53 =	vbroadcast v30, $0xA;
	(v2sf) =	vpush v27, $0xC;
	v3 =	vsub.f32 v3, v52  }
0x229: {  	(v2sf) =	vpush v2, $0xC  }
0x22a: {  	v3 =	vmul.f32 v3, v53;
	_ =	sdelay $0x1  }
0x22b: {  	s31 =	spop (v2sf);
	[tilespmem:$0x106A0] =	vst v3  }
0x22c: {  	s22 =	spop (v2sf);
	v3 =	vld [tilespmem:s31+$0x0]  }
0x22d: {  	v54 =	vld [tilespmem:s22+$0x0];
	_ =	sdelay $0x4  }
0x22e: {  	v55 =	vbroadcast v30, $0xB;
	(v2sf) =	vpush v27, $0xD;
	v3 =	vsub.f32 v3, v54  }
0x22f: {  	(v2sf) =	vpush v2, $0xD  }
0x230: {  	v3 =	vmul.f32 v3, v55;
	_ =	sdelay $0x1  }
0x231: {  	s23 =	spop (v2sf);
	[tilespmem:$0x106B0] =	vst v3  }
0x232: {  	s24 =	spop (v2sf);
	v3 =	vld [tilespmem:s23+$0x0]  }
0x233: {  	v56 =	vld [tilespmem:s24+$0x0];
	_ =	sdelay $0x4  }
0x234: {  	v57 =	vbroadcast v30, $0xC;
	(v2sf) =	vpush v27, $0xE;
	v3 =	vsub.f32 v3, v56  }
0x235: {  	(v2sf) =	vpush v2, $0xE  }
0x236: {  	v3 =	vmul.f32 v3, v57;
	_ =	sdelay $0x1  }
0x237: {  	s25 =	spop (v2sf);
	[tilespmem:$0x106C0] =	vst v3  }
0x238: {  	s26 =	spop (v2sf);
	v3 =	vld [tilespmem:s25+$0x0]  }
0x239: {  	v58 =	vld [tilespmem:s26+$0x0];
	_ =	sdelay $0x4  }
0x23a: {  	v59 =	vbroadcast v30, $0xD;
	(v2sf) =	vpush v27, $0xF;
	v3 =	vsub.f32 v3, v58  }
0x23b: {  	(v2sf) =	vpush v2, $0xF  }
0x23c: {  	v60 =	vmul.f32 v3, v59;
	_ =	sdelay $0x1  }
0x23d: {  	s28 =	spop (v2sf);
	[tilespmem:$0x106D0] =	vst v60  }
0x23e: {  	s29 =	spop (v2sf);
	v1 =	vld [tilespmem:s28+$0x0]  }
0x23f: {  	v61 =	vld [tilespmem:s29+$0x0];
	_ =	sdelay $0x4  }
0x240: {  	v62 =	vbroadcast v30, $0xE;
	v1 =	vsub.f32 v1, v61;
	_ =	sdelay $0x1  }
0x241: {  	v1 =	vmul.f32 v1, v62;
	_ =	sdelay $0x1  }
0x242: {  	s30 =	spop (v2sf);
	[tilespmem:$0x106E0] =	vst v1  }
0x243: {  	s31 =	spop (v2sf);
	v1 =	vld [tilespmem:s30+$0x0]  }
0x244: {  	v63 =	vld [tilespmem:s31+$0x0];
	_ =	sdelay $0x4  }
0x245: {  	v0 =	vbroadcast v30, $0xF;
	v1 =	vsub.f32 v1, v63;
	_ =	sdelay $0x1  }
0x246: {  	s20 =	sadd.s32 $0x1, s20;
	v0 =	vmul.f32 v1, v0  }
0x247: {  	p0 =	sne.s32 s20, s14  }
.Ltmp1:
0x248: {  	[tilespmem:$0x106F0] =	vst v0;
	(pc) =	sbr.rel @p0 .LBB2_1-.Ltmp1, $4  }
0x249: {  	[hbm4b:s13+s17] =	stream.strided.scatter [tilespmem:s19], [sflag:$0x1], $0x2000, s18, s17, $0x38;
	[tilespmem:$0x12600] =	vst v63  }
0x24a: {  	_ =	swait.ge [sflag:s3], $0x2000  }
0x24b: {  	[sflag:s3] =	ssyncset.done $0x0  }
0x24c: {  	[sflag:s3] =	ssyncadd.s32 $0xFFFFE000  }
0x24d: {  	_ =	sfence.sel $0x180000  }
0x24e: {  	[bflag:$0x0] =	sbarrier.arrive $0xFFFF  }
0x24f: {  	p0 =	sne.s32 s0, $0x0;
	_ =	strace $0x90000047  }
0x250: {  	s0 =	sadd.s32 @!p0 $0x100000, s1;
	[bflag:$0x2] =	sbarrier.arrive $0xFFFF  }
0x251: {  	[sflag:s0] =	ssyncadd.tile.s32 @!p0 $0x1;
	_ =	shalt  }
.Lfunc_end2:
_tile_overlayer_lowered:
.L_overlay_start_2:
0x252: {  	(tag) =	ssettag $0x2  }
0x253: {  	s0 =	rddreg [dreg:$0x0];
	s2 =	stileid.u32  }
0x254: {  	s1 =	rddreg [dreg:$0x1];
	p0 =	sne.s32 s2, $0x0  }
0x255: {  	s3 =	rddreg [dreg:$0x2];
	[bflag:$0x3] =	sbarrier.arrive $0xFFFF;
	s2 =	simm.s32 @!p0 $0x1C01  }
0x256: {  	[timem:s3], [sflag:s2] =	dma.local @!p0 [hbm:s0], s1  }
0x257: {  	s0 =	simm.s32 @!p0 $0x1  }
0x258: {  	_ =	swait.ge @!p0 [sflag:s0], s1  }
0x259: {  	s1 =	ssub.s32 @!p0 $0x0, s1;
	[sflag:s0] =	ssyncset.done @!p0 $0x0  }
0x25a: {  	[sflag:s0] =	ssyncadd.s32 @!p0 s1  }
0x25b: {  	[bflag:$0x3] =	sbarrier.arrive $0xFFFF  }
0x25c: {  	_ =	shalt  }

</sc_bundles>
